<compile_context>
chip_gen: v7x
topology: tpu7x:2x2x1
jax: 0.10.2.dev20260603
libtpu: 0.0.44.dev20260713+nightly
codegen_flags: <defaults>
</compile_context>

<pallas_src>
import functools

import jax
import jax.numpy as jnp
from jax import lax
from jax.experimental import pallas as pl
from jax.experimental.pallas import tpu as pltpu
from jax.experimental.pallas import tpu_sc as plsc

N_ROWS = 131072
N_COLS = 128

_info = plsc.get_sparse_core_info()
NC, NS, L = _info.num_cores, _info.num_subcores, _info.num_lanes
NW = NC * NS
ROWS_PER_W = N_ROWS // NW
CHUNK_ROWS = 320
_CHUNK_SIZES = [CHUNK_ROWS] * (ROWS_PER_W // CHUNK_ROWS)
if ROWS_PER_W % CHUNK_ROWS:
    _CHUNK_SIZES.append(ROWS_PER_W % CHUNK_ROWS)
_CHUNK_OFFS = [0]
for _s in _CHUNK_SIZES[:-1]:
    _CHUNK_OFFS.append(_CHUNK_OFFS[-1] + _s)
N_CHUNKS = len(_CHUNK_SIZES)
CHUNK_ELEMS = CHUNK_ROWS * N_COLS
G = N_COLS // L
NBUF = 3

_mesh = plsc.VectorSubcoreMesh(core_axis_name="c", subcore_axis_name="s")


@functools.partial(
    pl.kernel,
    mesh=_mesh,
    out_type=jax.ShapeDtypeStruct((N_ROWS * N_COLS,), jnp.float32),
    scratch_types=[
        pltpu.VMEM((N_COLS,), jnp.int32),
        [pltpu.VMEM((CHUNK_ELEMS,), jnp.float32) for _ in range(NBUF)],
        [pltpu.SemaphoreType.DMA for _ in range(NBUF)],
        [pltpu.SemaphoreType.DMA for _ in range(NBUF)],
        pltpu.SemaphoreType.DMA,
    ],
    compiler_params=pltpu.CompilerParams(
        needs_layout_passes=False,
        disable_bounds_checks=True,
        disable_semaphore_checks=True,
        skip_device_barrier=True,
    ),
)
def _shuffle(x_hbm, idx_hbm, out_hbm, idx_v, buf_v, in_sem, out_sem, idx_sem):
    wid = lax.axis_index("s") * NC + lax.axis_index("c")
    idx_d = pltpu.async_copy(idx_hbm, idx_v, idx_sem)
    base_w = wid * (ROWS_PER_W * N_COLS)

    def in_copy(ci, b):
        elems = _CHUNK_SIZES[ci] * N_COLS
        return pltpu.async_copy(
            x_hbm.at[pl.ds(base_w + _CHUNK_OFFS[ci] * N_COLS, elems)],
            buf_v[b].at[pl.ds(0, elems)], in_sem[b])

    def permute_chunk(buf, rows):
        @plsc.parallel_loop(0, rows, step=1, unroll=4)
        def row_body(r):
            rb = r * N_COLS
            vs = [plsc.load_gather(buf, [col_idx[g] + rb]) for g in range(G)]
            for g in range(G):
                buf[pl.ds(rb + g * L, L)] = vs[g]

    in_d = [None] * NBUF
    out_d = [None] * NBUF
    in_d[0] = in_copy(0, 0)
    in_d[1] = in_copy(1, 1)
    idx_d.wait()
    col_idx = [idx_v[pl.ds(g * L, L)] for g in range(G)]
    for ci in range(N_CHUNKS):
        b = ci % NBUF
        in_d[b].wait()
        permute_chunk(buf_v[b], _CHUNK_SIZES[ci])
        elems = _CHUNK_SIZES[ci] * N_COLS
        out_d[b] = pltpu.async_copy(
            buf_v[b].at[pl.ds(0, elems)],
            out_hbm.at[pl.ds(base_w + _CHUNK_OFFS[ci] * N_COLS, elems)],
            out_sem[b])
        if ci + 2 < N_CHUNKS:
            nb = (ci + 2) % NBUF
            if out_d[nb] is not None:
                out_d[nb].wait()
            in_d[nb] = in_copy(ci + 2, nb)
    for b in range(NBUF):
        if out_d[b] is not None:
            out_d[b].wait()


def kernel(input, shuffle_indices):
    out_flat = _shuffle(input.reshape(-1), shuffle_indices)
    return out_flat.reshape(N_ROWS, N_COLS)

# --- scband reference (transcript-rebuilt; emitter-appended) ---
"""Pipeline reference for scband-invertible-shuffle-21165598835189 (READ-ONLY COPY).

The authoritative reference and input builder live on the scoring server;
editing this copy changes nothing except your own understanding.
"""

import jax, jax.numpy as jnp
import numpy as np

def setup_inputs(seed: int = 0) -> dict:
    key = jax.random.key(seed)
    x = jax.random.normal(key, (131072, 128), dtype=jnp.float32)
    # buffer from __init__: shuffling_order = [127, 126, ..., 0]
    shuffle_indices = jnp.arange(127, -1, -1, dtype=jnp.int32)
    return {"input": x, "shuffle_indices": shuffle_indices}

def reference(input, shuffle_indices):
    # torch.index_select(input, dim=1, index=self.shuffle_indices)
    return jnp.take(input, shuffle_indices, axis=1)

if __name__ == "__main__":
    import jax
    _d = setup_inputs()
    print(jax.jit(kernel)(*tuple(_d.values())))

</pallas_src>

<mosaic_0001>
#map = affine_map<(d0, d1) -> (0)>
module attributes {stable_mosaic.version = 14 : i64} {
  func.func @_shuffle(%arg0: i32, %arg1: i32, %arg2: memref<16777216xf32, #tpu.memory_space<hbm>>, %arg3: memref<128xi32, #tpu.memory_space<hbm>>, %arg4: memref<16777216xf32, #tpu.memory_space<hbm>>, %arg5: memref<128xi32, #tpu.memory_space<vmem>>, %arg6: memref<40960xf32, #tpu.memory_space<vmem>>, %arg7: memref<40960xf32, #tpu.memory_space<vmem>>, %arg8: memref<40960xf32, #tpu.memory_space<vmem>>, %arg9: memref<!tpu.dma_semaphore, #tpu.memory_space<semaphore_mem>>, %arg10: memref<!tpu.dma_semaphore, #tpu.memory_space<semaphore_mem>>, %arg11: memref<!tpu.dma_semaphore, #tpu.memory_space<semaphore_mem>>, %arg12: memref<!tpu.dma_semaphore, #tpu.memory_space<semaphore_mem>>, %arg13: memref<!tpu.dma_semaphore, #tpu.memory_space<semaphore_mem>>, %arg14: memref<!tpu.dma_semaphore, #tpu.memory_space<semaphore_mem>>, %arg15: memref<!tpu.dma_semaphore, #tpu.memory_space<semaphore_mem>>) attributes {dimension_semantics = [#tpu.dimension_semantics<core_parallel>, #tpu.dimension_semantics<subcore_parallel>], iteration_bounds = array<i64: 2, 16>, scalar_prefetch = 0 : i64, scratch_operands = 11 : i64, tpu.core_type = #tpu.core_type<sc_vector_subcore>, window_params = [{transform_indices = #map}, {transform_indices = #map}, {transform_indices = #map}]} {
    %mul3A = arith.constant 2 : i32
    %mul3A_0 = arith.muli %arg1, %mul3A : i32
    %add3A = arith.addi %mul3A_0, %arg0 : i32
    tpu.enqueue_dma source(%arg3 : memref<128xi32, #tpu.memory_space<hbm>>) target(%arg5 : memref<128xi32, #tpu.memory_space<vmem>>) target_semaphore(%arg15 : memref<!tpu.dma_semaphore, #tpu.memory_space<semaphore_mem>>)
    %mul3A_1 = arith.constant 524288 : i32
    %mul3A_2 = arith.muli %add3A, %mul3A_1 : i32
    %add3A_3 = arith.constant 0 : i32
    %add3A_4 = arith.addi %mul3A_2, %add3A_3 : i32
    %dma_start3A = arith.constant 0 : i32
    %dma_start3A_5 = tpu.memref_slice %arg6[%dma_start3A] : memref<40960xf32, #tpu.memory_space<vmem>> -> memref<40960xf32, #tpu.memory_space<vmem>>
    %dma_start3A_6 = tpu.memref_slice %arg2[%add3A_4] : memref<16777216xf32, #tpu.memory_space<hbm>> -> memref<40960xf32, #tpu.memory_space<hbm>>
    %dma_start3A_7 = arith.constant 0 : i32
    %dma_start3A_8 = tpu.memref_slice %arg6[%dma_start3A_7] : memref<40960xf32, #tpu.memory_space<vmem>> -> memref<40960xf32, #tpu.memory_space<vmem>>
    %dma_start3A_9 = tpu.memref_slice %arg2[%add3A_4] : memref<16777216xf32, #tpu.memory_space<hbm>> -> memref<40960xf32, #tpu.memory_space<hbm>>
    tpu.enqueue_dma source(%dma_start3A_9 : memref<40960xf32, #tpu.memory_space<hbm>>) target(%dma_start3A_8 : memref<40960xf32, #tpu.memory_space<vmem>>) target_semaphore(%arg9 : memref<!tpu.dma_semaphore, #tpu.memory_space<semaphore_mem>>)
    %add3A_10 = arith.constant 40960 : i32
    %add3A_11 = arith.addi %mul3A_2, %add3A_10 : i32
    %dma_start3A_12 = arith.constant 0 : i32
    %dma_start3A_13 = tpu.memref_slice %arg7[%dma_start3A_12] : memref<40960xf32, #tpu.memory_space<vmem>> -> memref<40960xf32, #tpu.memory_space<vmem>>
    %dma_start3A_14 = tpu.memref_slice %arg2[%add3A_11] : memref<16777216xf32, #tpu.memory_space<hbm>> -> memref<40960xf32, #tpu.memory_space<hbm>>
    %dma_start3A_15 = arith.constant 0 : i32
    %dma_start3A_16 = tpu.memref_slice %arg7[%dma_start3A_15] : memref<40960xf32, #tpu.memory_space<vmem>> -> memref<40960xf32, #tpu.memory_space<vmem>>
    %dma_start3A_17 = tpu.memref_slice %arg2[%add3A_11] : memref<16777216xf32, #tpu.memory_space<hbm>> -> memref<40960xf32, #tpu.memory_space<hbm>>
    tpu.enqueue_dma source(%dma_start3A_17 : memref<40960xf32, #tpu.memory_space<hbm>>) target(%dma_start3A_16 : memref<40960xf32, #tpu.memory_space<vmem>>) target_semaphore(%arg10 : memref<!tpu.dma_semaphore, #tpu.memory_space<semaphore_mem>>)
    tpu.wait_dma2 semaphore(%arg15 : memref<!tpu.dma_semaphore, #tpu.memory_space<semaphore_mem>>) src(%arg3 : memref<128xi32, #tpu.memory_space<hbm>>) dst(%arg5 : memref<128xi32, #tpu.memory_space<vmem>>)
    %get3A = arith.constant 0 : index
    %get3A_18 = tpu.vector_load %arg5[%get3A] {strides = array<i32>} : memref<128xi32, #tpu.memory_space<vmem>>, vector<16xi32>,
    %get3A_19 = arith.constant 16 : index
    %get3A_20 = tpu.vector_load %arg5[%get3A_19] {strides = array<i32>} : memref<128xi32, #tpu.memory_space<vmem>>, vector<16xi32>,
    %get3A_21 = arith.constant 32 : index
    %get3A_22 = tpu.vector_load %arg5[%get3A_21] {strides = array<i32>} : memref<128xi32, #tpu.memory_space<vmem>>, vector<16xi32>,
    %get3A_23 = arith.constant 48 : index
    %get3A_24 = tpu.vector_load %arg5[%get3A_23] {strides = array<i32>} : memref<128xi32, #tpu.memory_space<vmem>>, vector<16xi32>,
    %get3A_25 = arith.constant 64 : index
    %get3A_26 = tpu.vector_load %arg5[%get3A_25] {strides = array<i32>} : memref<128xi32, #tpu.memory_space<vmem>>, vector<16xi32>,
    %get3A_27 = arith.constant 80 : index
    %get3A_28 = tpu.vector_load %arg5[%get3A_27] {strides = array<i32>} : memref<128xi32, #tpu.memory_space<vmem>>, vector<16xi32>,
    %get3A_29 = arith.constant 96 : index
    %get3A_30 = tpu.vector_load %arg5[%get3A_29] {strides = array<i32>} : memref<128xi32, #tpu.memory_space<vmem>>, vector<16xi32>,
    %get3A_31 = arith.constant 112 : index
    %get3A_32 = tpu.vector_load %arg5[%get3A_31] {strides = array<i32>} : memref<128xi32, #tpu.memory_space<vmem>>, vector<16xi32>,
    %dma_wait3A = arith.constant 0 : i32
    %dma_wait3A_33 = tpu.memref_slice %arg6[%dma_wait3A] : memref<40960xf32, #tpu.memory_space<vmem>> -> memref<40960xf32, #tpu.memory_space<vmem>>
    %dma_wait3A_34 = tpu.memref_slice %arg2[%add3A_4] : memref<16777216xf32, #tpu.memory_space<hbm>> -> memref<40960xf32, #tpu.memory_space<hbm>>
    %dma_wait3A_35 = arith.constant 0 : i32
    %dma_wait3A_36 = tpu.memref_slice %arg6[%dma_wait3A_35] : memref<40960xf32, #tpu.memory_space<vmem>> -> memref<40960xf32, #tpu.memory_space<vmem>>
    %dma_wait3A_37 = tpu.memref_slice %arg2[%add3A_4] : memref<16777216xf32, #tpu.memory_space<hbm>> -> memref<40960xf32, #tpu.memory_space<hbm>>
    tpu.wait_dma2 semaphore(%arg9 : memref<!tpu.dma_semaphore, #tpu.memory_space<semaphore_mem>>) src(%dma_wait3A_37 : memref<40960xf32, #tpu.memory_space<hbm>>) dst(%dma_wait3A_36 : memref<40960xf32, #tpu.memory_space<vmem>>)
    %parallel_loop3A = arith.constant 0 : i32
    %parallel_loop3A_38 = arith.constant 320 : i32
    %parallel_loop3A_39 = arith.constant 1 : i32
    scf.for %parallel_loop3A_418 = %parallel_loop3A to %parallel_loop3A_38 step %parallel_loop3A_39  : i32 {
      %parallel_loop3A_419 = arith.constant 128 : i32
      %parallel_loop3A_420 = arith.muli %parallel_loop3A_418, %parallel_loop3A_419 : i32
      %parallel_loop3A_421 = vector.broadcast %parallel_loop3A_420 : i32 to vector<16xi32>
      %parallel_loop3A_422 = arith.addi %get3A_18, %parallel_loop3A_421 : vector<16xi32>
      %parallel_loop3A_423 = tpu.vector_load_idx %arg6[%parallel_loop3A_422] : memref<40960xf32, #tpu.memory_space<vmem>>[vector<16xi32>], vector<16xf32>,
      %parallel_loop3A_424 = vector.broadcast %parallel_loop3A_420 : i32 to vector<16xi32>
      %parallel_loop3A_425 = arith.addi %get3A_20, %parallel_loop3A_424 : vector<16xi32>
      %parallel_loop3A_426 = tpu.vector_load_idx %arg6[%parallel_loop3A_425] : memref<40960xf32, #tpu.memory_space<vmem>>[vector<16xi32>], vector<16xf32>,
      %parallel_loop3A_427 = vector.broadcast %parallel_loop3A_420 : i32 to vector<16xi32>
      %parallel_loop3A_428 = arith.addi %get3A_22, %parallel_loop3A_427 : vector<16xi32>
      %parallel_loop3A_429 = tpu.vector_load_idx %arg6[%parallel_loop3A_428] : memref<40960xf32, #tpu.memory_space<vmem>>[vector<16xi32>], vector<16xf32>,
      %parallel_loop3A_430 = vector.broadcast %parallel_loop3A_420 : i32 to vector<16xi32>
      %parallel_loop3A_431 = arith.addi %get3A_24, %parallel_loop3A_430 : vector<16xi32>
      %parallel_loop3A_432 = tpu.vector_load_idx %arg6[%parallel_loop3A_431] : memref<40960xf32, #tpu.memory_space<vmem>>[vector<16xi32>], vector<16xf32>,
      %parallel_loop3A_433 = vector.broadcast %parallel_loop3A_420 : i32 to vector<16xi32>
      %parallel_loop3A_434 = arith.addi %get3A_26, %parallel_loop3A_433 : vector<16xi32>
      %parallel_loop3A_435 = tpu.vector_load_idx %arg6[%parallel_loop3A_434] : memref<40960xf32, #tpu.memory_space<vmem>>[vector<16xi32>], vector<16xf32>,
      %parallel_loop3A_436 = vector.broadcast %parallel_loop3A_420 : i32 to vector<16xi32>
      %parallel_loop3A_437 = arith.addi %get3A_28, %parallel_loop3A_436 : vector<16xi32>
      %parallel_loop3A_438 = tpu.vector_load_idx %arg6[%parallel_loop3A_437] : memref<40960xf32, #tpu.memory_space<vmem>>[vector<16xi32>], vector<16xf32>,
      %parallel_loop3A_439 = vector.broadcast %parallel_loop3A_420 : i32 to vector<16xi32>
      %parallel_loop3A_440 = arith.addi %get3A_30, %parallel_loop3A_439 : vector<16xi32>
      %parallel_loop3A_441 = tpu.vector_load_idx %arg6[%parallel_loop3A_440] : memref<40960xf32, #tpu.memory_space<vmem>>[vector<16xi32>], vector<16xf32>,
      %parallel_loop3A_442 = vector.broadcast %parallel_loop3A_420 : i32 to vector<16xi32>
      %parallel_loop3A_443 = arith.addi %get3A_32, %parallel_loop3A_442 : vector<16xi32>
      %parallel_loop3A_444 = tpu.vector_load_idx %arg6[%parallel_loop3A_443] : memref<40960xf32, #tpu.memory_space<vmem>>[vector<16xi32>], vector<16xf32>,
      %parallel_loop3A_445 = arith.constant 0 : i32
      %parallel_loop3A_446 = arith.addi %parallel_loop3A_420, %parallel_loop3A_445 : i32
      %parallel_loop3A_447 = arith.index_cast %parallel_loop3A_446 : i32 to index
      %parallel_loop3A_448 = tpu.vector_load %arg6[%parallel_loop3A_447] {strides = array<i32>} : memref<40960xf32, #tpu.memory_space<vmem>>, vector<16xf32>,
      tpu.vector_store %arg6[%parallel_loop3A_447], %parallel_loop3A_423 {strides = array<i32>} : memref<40960xf32, #tpu.memory_space<vmem>>, vector<16xf32>,
      %parallel_loop3A_449 = arith.constant 16 : i32
      %parallel_loop3A_450 = arith.addi %parallel_loop3A_420, %parallel_loop3A_449 : i32
      %parallel_loop3A_451 = arith.index_cast %parallel_loop3A_450 : i32 to index
      %parallel_loop3A_452 = tpu.vector_load %arg6[%parallel_loop3A_451] {strides = array<i32>} : memref<40960xf32, #tpu.memory_space<vmem>>, vector<16xf32>,
      tpu.vector_store %arg6[%parallel_loop3A_451], %parallel_loop3A_426 {strides = array<i32>} : memref<40960xf32, #tpu.memory_space<vmem>>, vector<16xf32>,
      %parallel_loop3A_453 = arith.constant 32 : i32
      %parallel_loop3A_454 = arith.addi %parallel_loop3A_420, %parallel_loop3A_453 : i32
      %parallel_loop3A_455 = arith.index_cast %parallel_loop3A_454 : i32 to index
      %parallel_loop3A_456 = tpu.vector_load %arg6[%parallel_loop3A_455] {strides = array<i32>} : memref<40960xf32, #tpu.memory_space<vmem>>, vector<16xf32>,
      tpu.vector_store %arg6[%parallel_loop3A_455], %parallel_loop3A_429 {strides = array<i32>} : memref<40960xf32, #tpu.memory_space<vmem>>, vector<16xf32>,
      %parallel_loop3A_457 = arith.constant 48 : i32
      %parallel_loop3A_458 = arith.addi %parallel_loop3A_420, %parallel_loop3A_457 : i32
      %parallel_loop3A_459 = arith.index_cast %parallel_loop3A_458 : i32 to index
      %parallel_loop3A_460 = tpu.vector_load %arg6[%parallel_loop3A_459] {strides = array<i32>} : memref<40960xf32, #tpu.memory_space<vmem>>, vector<16xf32>,
      tpu.vector_store %arg6[%parallel_loop3A_459], %parallel_loop3A_432 {strides = array<i32>} : memref<40960xf32, #tpu.memory_space<vmem>>, vector<16xf32>,
      %parallel_loop3A_461 = arith.constant 64 : i32
      %parallel_loop3A_462 = arith.addi %parallel_loop3A_420, %parallel_loop3A_461 : i32
      %parallel_loop3A_463 = arith.index_cast %parallel_loop3A_462 : i32 to index
      %parallel_loop3A_464 = tpu.vector_load %arg6[%parallel_loop3A_463] {strides = array<i32>} : memref<40960xf32, #tpu.memory_space<vmem>>, vector<16xf32>,
      tpu.vector_store %arg6[%parallel_loop3A_463], %parallel_loop3A_435 {strides = array<i32>} : memref<40960xf32, #tpu.memory_space<vmem>>, vector<16xf32>,
      %parallel_loop3A_465 = arith.constant 80 : i32
      %parallel_loop3A_466 = arith.addi %parallel_loop3A_420, %parallel_loop3A_465 : i32
      %parallel_loop3A_467 = arith.index_cast %parallel_loop3A_466 : i32 to index
      %parallel_loop3A_468 = tpu.vector_load %arg6[%parallel_loop3A_467] {strides = array<i32>} : memref<40960xf32, #tpu.memory_space<vmem>>, vector<16xf32>,
      tpu.vector_store %arg6[%parallel_loop3A_467], %parallel_loop3A_438 {strides = array<i32>} : memref<40960xf32, #tpu.memory_space<vmem>>, vector<16xf32>,
      %parallel_loop3A_469 = arith.constant 96 : i32
      %parallel_loop3A_470 = arith.addi %parallel_loop3A_420, %parallel_loop3A_469 : i32
      %parallel_loop3A_471 = arith.index_cast %parallel_loop3A_470 : i32 to index
      %parallel_loop3A_472 = tpu.vector_load %arg6[%parallel_loop3A_471] {strides = array<i32>} : memref<40960xf32, #tpu.memory_space<vmem>>, vector<16xf32>,
      tpu.vector_store %arg6[%parallel_loop3A_471], %parallel_loop3A_441 {strides = array<i32>} : memref<40960xf32, #tpu.memory_space<vmem>>, vector<16xf32>,
      %parallel_loop3A_473 = arith.constant 112 : i32
      %parallel_loop3A_474 = arith.addi %parallel_loop3A_420, %parallel_loop3A_473 : i32
      %parallel_loop3A_475 = arith.index_cast %parallel_loop3A_474 : i32 to index
      %parallel_loop3A_476 = tpu.vector_load %arg6[%parallel_loop3A_475] {strides = array<i32>} : memref<40960xf32, #tpu.memory_space<vmem>>, vector<16xf32>,
      tpu.vector_store %arg6[%parallel_loop3A_475], %parallel_loop3A_444 {strides = array<i32>} : memref<40960xf32, #tpu.memory_space<vmem>>, vector<16xf32>,
    } {sc.loop_unroll_factor = 4 : i64, sc.parallel_access}
    %add3A_40 = arith.constant 0 : i32
    %add3A_41 = arith.addi %mul3A_2, %add3A_40 : i32
    %dma_start3A_42 = arith.constant 0 : i32
    %dma_start3A_43 = tpu.memref_slice %arg6[%dma_start3A_42] : memref<40960xf32, #tpu.memory_space<vmem>> -> memref<40960xf32, #tpu.memory_space<vmem>>
    %dma_start3A_44 = tpu.memref_slice %arg4[%add3A_41] : memref<16777216xf32, #tpu.memory_space<hbm>> -> memref<40960xf32, #tpu.memory_space<hbm>>
    %dma_start3A_45 = tpu.memref_slice %arg4[%add3A_41] : memref<16777216xf32, #tpu.memory_space<hbm>> -> memref<40960xf32, #tpu.memory_space<hbm>>
    %dma_start3A_46 = arith.constant 0 : i32
    %dma_start3A_47 = tpu.memref_slice %arg6[%dma_start3A_46] : memref<40960xf32, #tpu.memory_space<vmem>> -> memref<40960xf32, #tpu.memory_space<vmem>>
    tpu.enqueue_dma source(%dma_start3A_47 : memref<40960xf32, #tpu.memory_space<vmem>>) target(%dma_start3A_45 : memref<40960xf32, #tpu.memory_space<hbm>>) target_semaphore(%arg12 : memref<!tpu.dma_semaphore, #tpu.memory_space<semaphore_mem>>)
    %add3A_48 = arith.constant 81920 : i32
    %add3A_49 = arith.addi %mul3A_2, %add3A_48 : i32
    %dma_start3A_50 = arith.constant 0 : i32
    %dma_start3A_51 = tpu.memref_slice %arg8[%dma_start3A_50] : memref<40960xf32, #tpu.memory_space<vmem>> -> memref<40960xf32, #tpu.memory_space<vmem>>
    %dma_start3A_52 = tpu.memref_slice %arg2[%add3A_49] : memref<16777216xf32, #tpu.memory_space<hbm>> -> memref<40960xf32, #tpu.memory_space<hbm>>
    %dma_start3A_53 = arith.constant 0 : i32
    %dma_start3A_54 = tpu.memref_slice %arg8[%dma_start3A_53] : memref<40960xf32, #tpu.memory_space<vmem>> -> memref<40960xf32, #tpu.memory_space<vmem>>
    %dma_start3A_55 = tpu.memref_slice %arg2[%add3A_49] : memref<16777216xf32, #tpu.memory_space<hbm>> -> memref<40960xf32, #tpu.memory_space<hbm>>
    tpu.enqueue_dma source(%dma_start3A_55 : memref<40960xf32, #tpu.memory_space<hbm>>) target(%dma_start3A_54 : memref<40960xf32, #tpu.memory_space<vmem>>) target_semaphore(%arg11 : memref<!tpu.dma_semaphore, #tpu.memory_space<semaphore_mem>>)
    %dma_wait3A_56 = arith.constant 0 : i32
    %dma_wait3A_57 = tpu.memref_slice %arg7[%dma_wait3A_56] : memref<40960xf32, #tpu.memory_space<vmem>> -> memref<40960xf32, #tpu.memory_space<vmem>>
    %dma_wait3A_58 = tpu.memref_slice %arg2[%add3A_11] : memref<16777216xf32, #tpu.memory_space<hbm>> -> memref<40960xf32, #tpu.memory_space<hbm>>
    %dma_wait3A_59 = arith.constant 0 : i32
    %dma_wait3A_60 = tpu.memref_slice %arg7[%dma_wait3A_59] : memref<40960xf32, #tpu.memory_space<vmem>> -> memref<40960xf32, #tpu.memory_space<vmem>>
    %dma_wait3A_61 = tpu.memref_slice %arg2[%add3A_11] : memref<16777216xf32, #tpu.memory_space<hbm>> -> memref<40960xf32, #tpu.memory_space<hbm>>
    tpu.wait_dma2 semaphore(%arg10 : memref<!tpu.dma_semaphore, #tpu.memory_space<semaphore_mem>>) src(%dma_wait3A_61 : memref<40960xf32, #tpu.memory_space<hbm>>) dst(%dma_wait3A_60 : memref<40960xf32, #tpu.memory_space<vmem>>)
    %parallel_loop3A_62 = arith.constant 0 : i32
    %parallel_loop3A_63 = arith.constant 320 : i32
    %parallel_loop3A_64 = arith.constant 1 : i32
    scf.for %parallel_loop3A_418 = %parallel_loop3A_62 to %parallel_loop3A_63 step %parallel_loop3A_64  : i32 {
      %parallel_loop3A_419 = arith.constant 128 : i32
      %parallel_loop3A_420 = arith.muli %parallel_loop3A_418, %parallel_loop3A_419 : i32
      %parallel_loop3A_421 = vector.broadcast %parallel_loop3A_420 : i32 to vector<16xi32>
      %parallel_loop3A_422 = arith.addi %get3A_18, %parallel_loop3A_421 : vector<16xi32>
      %parallel_loop3A_423 = tpu.vector_load_idx %arg7[%parallel_loop3A_422] : memref<40960xf32, #tpu.memory_space<vmem>>[vector<16xi32>], vector<16xf32>,
      %parallel_loop3A_424 = vector.broadcast %parallel_loop3A_420 : i32 to vector<16xi32>
      %parallel_loop3A_425 = arith.addi %get3A_20, %parallel_loop3A_424 : vector<16xi32>
      %parallel_loop3A_426 = tpu.vector_load_idx %arg7[%parallel_loop3A_425] : memref<40960xf32, #tpu.memory_space<vmem>>[vector<16xi32>], vector<16xf32>,
      %parallel_loop3A_427 = vector.broadcast %parallel_loop3A_420 : i32 to vector<16xi32>
      %parallel_loop3A_428 = arith.addi %get3A_22, %parallel_loop3A_427 : vector<16xi32>
      %parallel_loop3A_429 = tpu.vector_load_idx %arg7[%parallel_loop3A_428] : memref<40960xf32, #tpu.memory_space<vmem>>[vector<16xi32>], vector<16xf32>,
      %parallel_loop3A_430 = vector.broadcast %parallel_loop3A_420 : i32 to vector<16xi32>
      %parallel_loop3A_431 = arith.addi %get3A_24, %parallel_loop3A_430 : vector<16xi32>
      %parallel_loop3A_432 = tpu.vector_load_idx %arg7[%parallel_loop3A_431] : memref<40960xf32, #tpu.memory_space<vmem>>[vector<16xi32>], vector<16xf32>,
      %parallel_loop3A_433 = vector.broadcast %parallel_loop3A_420 : i32 to vector<16xi32>
      %parallel_loop3A_434 = arith.addi %get3A_26, %parallel_loop3A_433 : vector<16xi32>
      %parallel_loop3A_435 = tpu.vector_load_idx %arg7[%parallel_loop3A_434] : memref<40960xf32, #tpu.memory_space<vmem>>[vector<16xi32>], vector<16xf32>,
      %parallel_loop3A_436 = vector.broadcast %parallel_loop3A_420 : i32 to vector<16xi32>
      %parallel_loop3A_437 = arith.addi %get3A_28, %parallel_loop3A_436 : vector<16xi32>
      %parallel_loop3A_438 = tpu.vector_load_idx %arg7[%parallel_loop3A_437] : memref<40960xf32, #tpu.memory_space<vmem>>[vector<16xi32>], vector<16xf32>,
      %parallel_loop3A_439 = vector.broadcast %parallel_loop3A_420 : i32 to vector<16xi32>
      %parallel_loop3A_440 = arith.addi %get3A_30, %parallel_loop3A_439 : vector<16xi32>
      %parallel_loop3A_441 = tpu.vector_load_idx %arg7[%parallel_loop3A_440] : memref<40960xf32, #tpu.memory_space<vmem>>[vector<16xi32>], vector<16xf32>,
      %parallel_loop3A_442 = vector.broadcast %parallel_loop3A_420 : i32 to vector<16xi32>
      %parallel_loop3A_443 = arith.addi %get3A_32, %parallel_loop3A_442 : vector<16xi32>
      %parallel_loop3A_444 = tpu.vector_load_idx %arg7[%parallel_loop3A_443] : memref<40960xf32, #tpu.memory_space<vmem>>[vector<16xi32>], vector<16xf32>,
      %parallel_loop3A_445 = arith.constant 0 : i32
      %parallel_loop3A_446 = arith.addi %parallel_loop3A_420, %parallel_loop3A_445 : i32
      %parallel_loop3A_447 = arith.index_cast %parallel_loop3A_446 : i32 to index
      %parallel_loop3A_448 = tpu.vector_load %arg7[%parallel_loop3A_447] {strides = array<i32>} : memref<40960xf32, #tpu.memory_space<vmem>>, vector<16xf32>,
      tpu.vector_store %arg7[%parallel_loop3A_447], %parallel_loop3A_423 {strides = array<i32>} : memref<40960xf32, #tpu.memory_space<vmem>>, vector<16xf32>,
      %parallel_loop3A_449 = arith.constant 16 : i32
      %parallel_loop3A_450 = arith.addi %parallel_loop3A_420, %parallel_loop3A_449 : i32
      %parallel_loop3A_451 = arith.index_cast %parallel_loop3A_450 : i32 to index
      %parallel_loop3A_452 = tpu.vector_load %arg7[%parallel_loop3A_451] {strides = array<i32>} : memref<40960xf32, #tpu.memory_space<vmem>>, vector<16xf32>,
      tpu.vector_store %arg7[%parallel_loop3A_451], %parallel_loop3A_426 {strides = array<i32>} : memref<40960xf32, #tpu.memory_space<vmem>>, vector<16xf32>,
      %parallel_loop3A_453 = arith.constant 32 : i32
      %parallel_loop3A_454 = arith.addi %parallel_loop3A_420, %parallel_loop3A_453 : i32
      %parallel_loop3A_455 = arith.index_cast %parallel_loop3A_454 : i32 to index
      %parallel_loop3A_456 = tpu.vector_load %arg7[%parallel_loop3A_455] {strides = array<i32>} : memref<40960xf32, #tpu.memory_space<vmem>>, vector<16xf32>,
      tpu.vector_store %arg7[%parallel_loop3A_455], %parallel_loop3A_429 {strides = array<i32>} : memref<40960xf32, #tpu.memory_space<vmem>>, vector<16xf32>,
      %parallel_loop3A_457 = arith.constant 48 : i32
      %parallel_loop3A_458 = arith.addi %parallel_loop3A_420, %parallel_loop3A_457 : i32
      %parallel_loop3A_459 = arith.index_cast %parallel_loop3A_458 : i32 to index
      %parallel_loop3A_460 = tpu.vector_load %arg7[%parallel_loop3A_459] {strides = array<i32>} : memref<40960xf32, #tpu.memory_space<vmem>>, vector<16xf32>,
      tpu.vector_store %arg7[%parallel_loop3A_459], %parallel_loop3A_432 {strides = array<i32>} : memref<40960xf32, #tpu.memory_space<vmem>>, vector<16xf32>,
      %parallel_loop3A_461 = arith.constant 64 : i32
      %parallel_loop3A_462 = arith.addi %parallel_loop3A_420, %parallel_loop3A_461 : i32
      %parallel_loop3A_463 = arith.index_cast %parallel_loop3A_462 : i32 to index
      %parallel_loop3A_464 = tpu.vector_load %arg7[%parallel_loop3A_463] {strides = array<i32>} : memref<40960xf32, #tpu.memory_space<vmem>>, vector<16xf32>,
      tpu.vector_store %arg7[%parallel_loop3A_463], %parallel_loop3A_435 {strides = array<i32>} : memref<40960xf32, #tpu.memory_space<vmem>>, vector<16xf32>,
      %parallel_loop3A_465 = arith.constant 80 : i32
      %parallel_loop3A_466 = arith.addi %parallel_loop3A_420, %parallel_loop3A_465 : i32
      %parallel_loop3A_467 = arith.index_cast %parallel_loop3A_466 : i32 to index
      %parallel_loop3A_468 = tpu.vector_load %arg7[%parallel_loop3A_467] {strides = array<i32>} : memref<40960xf32, #tpu.memory_space<vmem>>, vector<16xf32>,
      tpu.vector_store %arg7[%parallel_loop3A_467], %parallel_loop3A_438 {strides = array<i32>} : memref<40960xf32, #tpu.memory_space<vmem>>, vector<16xf32>,
      %parallel_loop3A_469 = arith.constant 96 : i32
      %parallel_loop3A_470 = arith.addi %parallel_loop3A_420, %parallel_loop3A_469 : i32
      %parallel_loop3A_471 = arith.index_cast %parallel_loop3A_470 : i32 to index
      %parallel_loop3A_472 = tpu.vector_load %arg7[%parallel_loop3A_471] {strides = array<i32>} : memref<40960xf32, #tpu.memory_space<vmem>>, vector<16xf32>,
      tpu.vector_store %arg7[%parallel_loop3A_471], %parallel_loop3A_441 {strides = array<i32>} : memref<40960xf32, #tpu.memory_space<vmem>>, vector<16xf32>,
      %parallel_loop3A_473 = arith.constant 112 : i32
      %parallel_loop3A_474 = arith.addi %parallel_loop3A_420, %parallel_loop3A_473 : i32
      %parallel_loop3A_475 = arith.index_cast %parallel_loop3A_474 : i32 to index
      %parallel_loop3A_476 = tpu.vector_load %arg7[%parallel_loop3A_475] {strides = array<i32>} : memref<40960xf32, #tpu.memory_space<vmem>>, vector<16xf32>,
      tpu.vector_store %arg7[%parallel_loop3A_475], %parallel_loop3A_444 {strides = array<i32>} : memref<40960xf32, #tpu.memory_space<vmem>>, vector<16xf32>,
    } {sc.loop_unroll_factor = 4 : i64, sc.parallel_access}
    %add3A_65 = arith.constant 40960 : i32
    %add3A_66 = arith.addi %mul3A_2, %add3A_65 : i32
    %dma_start3A_67 = arith.constant 0 : i32
    %dma_start3A_68 = tpu.memref_slice %arg7[%dma_start3A_67] : memref<40960xf32, #tpu.memory_space<vmem>> -> memref<40960xf32, #tpu.memory_space<vmem>>
    %dma_start3A_69 = tpu.memref_slice %arg4[%add3A_66] : memref<16777216xf32, #tpu.memory_space<hbm>> -> memref<40960xf32, #tpu.memory_space<hbm>>
    %dma_start3A_70 = tpu.memref_slice %arg4[%add3A_66] : memref<16777216xf32, #tpu.memory_space<hbm>> -> memref<40960xf32, #tpu.memory_space<hbm>>
    %dma_start3A_71 = arith.constant 0 : i32
    %dma_start3A_72 = tpu.memref_slice %arg7[%dma_start3A_71] : memref<40960xf32, #tpu.memory_space<vmem>> -> memref<40960xf32, #tpu.memory_space<vmem>>
    tpu.enqueue_dma source(%dma_start3A_72 : memref<40960xf32, #tpu.memory_space<vmem>>) target(%dma_start3A_70 : memref<40960xf32, #tpu.memory_space<hbm>>) target_semaphore(%arg13 : memref<!tpu.dma_semaphore, #tpu.memory_space<semaphore_mem>>)
    %dma_wait3A_73 = arith.constant 0 : i32
    %dma_wait3A_74 = tpu.memref_slice %arg6[%dma_wait3A_73] : memref<40960xf32, #tpu.memory_space<vmem>> -> memref<40960xf32, #tpu.memory_space<vmem>>
    %dma_wait3A_75 = tpu.memref_slice %arg4[%add3A_41] : memref<16777216xf32, #tpu.memory_space<hbm>> -> memref<40960xf32, #tpu.memory_space<hbm>>
    %dma_wait3A_76 = tpu.memref_slice %arg4[%add3A_41] : memref<16777216xf32, #tpu.memory_space<hbm>> -> memref<40960xf32, #tpu.memory_space<hbm>>
    %dma_wait3A_77 = arith.constant 0 : i32
    %dma_wait3A_78 = tpu.memref_slice %arg6[%dma_wait3A_77] : memref<40960xf32, #tpu.memory_space<vmem>> -> memref<40960xf32, #tpu.memory_space<vmem>>
    tpu.wait_dma2 semaphore(%arg12 : memref<!tpu.dma_semaphore, #tpu.memory_space<semaphore_mem>>) src(%dma_wait3A_78 : memref<40960xf32, #tpu.memory_space<vmem>>) dst(%dma_wait3A_76 : memref<40960xf32, #tpu.memory_space<hbm>>)
    %add3A_79 = arith.constant 122880 : i32
    %add3A_80 = arith.addi %mul3A_2, %add3A_79 : i32
    %dma_start3A_81 = arith.constant 0 : i32
    %dma_start3A_82 = tpu.memref_slice %arg6[%dma_start3A_81] : memref<40960xf32, #tpu.memory_space<vmem>> -> memref<40960xf32, #tpu.memory_space<vmem>>
    %dma_start3A_83 = tpu.memref_slice %arg2[%add3A_80] : memref<16777216xf32, #tpu.memory_space<hbm>> -> memref<40960xf32, #tpu.memory_space<hbm>>
    %dma_start3A_84 = arith.constant 0 : i32
    %dma_start3A_85 = tpu.memref_slice %arg6[%dma_start3A_84] : memref<40960xf32, #tpu.memory_space<vmem>> -> memref<40960xf32, #tpu.memory_space<vmem>>
    %dma_start3A_86 = tpu.memref_slice %arg2[%add3A_80] : memref<16777216xf32, #tpu.memory_space<hbm>> -> memref<40960xf32, #tpu.memory_space<hbm>>
    tpu.enqueue_dma source(%dma_start3A_86 : memref<40960xf32, #tpu.memory_space<hbm>>) target(%dma_start3A_85 : memref<40960xf32, #tpu.memory_space<vmem>>) target_semaphore(%arg9 : memref<!tpu.dma_semaphore, #tpu.memory_space<semaphore_mem>>)
    %dma_wait3A_87 = arith.constant 0 : i32
    %dma_wait3A_88 = tpu.memref_slice %arg8[%dma_wait3A_87] : memref<40960xf32, #tpu.memory_space<vmem>> -> memref<40960xf32, #tpu.memory_space<vmem>>
    %dma_wait3A_89 = tpu.memref_slice %arg2[%add3A_49] : memref<16777216xf32, #tpu.memory_space<hbm>> -> memref<40960xf32, #tpu.memory_space<hbm>>
    %dma_wait3A_90 = arith.constant 0 : i32
    %dma_wait3A_91 = tpu.memref_slice %arg8[%dma_wait3A_90] : memref<40960xf32, #tpu.memory_space<vmem>> -> memref<40960xf32, #tpu.memory_space<vmem>>
    %dma_wait3A_92 = tpu.memref_slice %arg2[%add3A_49] : memref<16777216xf32, #tpu.memory_space<hbm>> -> memref<40960xf32, #tpu.memory_space<hbm>>
    tpu.wait_dma2 semaphore(%arg11 : memref<!tpu.dma_semaphore, #tpu.memory_space<semaphore_mem>>) src(%dma_wait3A_92 : memref<40960xf32, #tpu.memory_space<hbm>>) dst(%dma_wait3A_91 : memref<40960xf32, #tpu.memory_space<vmem>>)
    %parallel_loop3A_93 = arith.constant 0 : i32
    %parallel_loop3A_94 = arith.constant 320 : i32
    %parallel_loop3A_95 = arith.constant 1 : i32
    scf.for %parallel_loop3A_418 = %parallel_loop3A_93 to %parallel_loop3A_94 step %parallel_loop3A_95  : i32 {
      %parallel_loop3A_419 = arith.constant 128 : i32
      %parallel_loop3A_420 = arith.muli %parallel_loop3A_418, %parallel_loop3A_419 : i32
      %parallel_loop3A_421 = vector.broadcast %parallel_loop3A_420 : i32 to vector<16xi32>
      %parallel_loop3A_422 = arith.addi %get3A_18, %parallel_loop3A_421 : vector<16xi32>
      %parallel_loop3A_423 = tpu.vector_load_idx %arg8[%parallel_loop3A_422] : memref<40960xf32, #tpu.memory_space<vmem>>[vector<16xi32>], vector<16xf32>,
      %parallel_loop3A_424 = vector.broadcast %parallel_loop3A_420 : i32 to vector<16xi32>
      %parallel_loop3A_425 = arith.addi %get3A_20, %parallel_loop3A_424 : vector<16xi32>
      %parallel_loop3A_426 = tpu.vector_load_idx %arg8[%parallel_loop3A_425] : memref<40960xf32, #tpu.memory_space<vmem>>[vector<16xi32>], vector<16xf32>,
      %parallel_loop3A_427 = vector.broadcast %parallel_loop3A_420 : i32 to vector<16xi32>
      %parallel_loop3A_428 = arith.addi %get3A_22, %parallel_loop3A_427 : vector<16xi32>
      %parallel_loop3A_429 = tpu.vector_load_idx %arg8[%parallel_loop3A_428] : memref<40960xf32, #tpu.memory_space<vmem>>[vector<16xi32>], vector<16xf32>,
      %parallel_loop3A_430 = vector.broadcast %parallel_loop3A_420 : i32 to vector<16xi32>
      %parallel_loop3A_431 = arith.addi %get3A_24, %parallel_loop3A_430 : vector<16xi32>
      %parallel_loop3A_432 = tpu.vector_load_idx %arg8[%parallel_loop3A_431] : memref<40960xf32, #tpu.memory_space<vmem>>[vector<16xi32>], vector<16xf32>,
      %parallel_loop3A_433 = vector.broadcast %parallel_loop3A_420 : i32 to vector<16xi32>
      %parallel_loop3A_434 = arith.addi %get3A_26, %parallel_loop3A_433 : vector<16xi32>
      %parallel_loop3A_435 = tpu.vector_load_idx %arg8[%parallel_loop3A_434] : memref<40960xf32, #tpu.memory_space<vmem>>[vector<16xi32>], vector<16xf32>,
      %parallel_loop3A_436 = vector.broadcast %parallel_loop3A_420 : i32 to vector<16xi32>
      %parallel_loop3A_437 = arith.addi %get3A_28, %parallel_loop3A_436 : vector<16xi32>
      %parallel_loop3A_438 = tpu.vector_load_idx %arg8[%parallel_loop3A_437] : memref<40960xf32, #tpu.memory_space<vmem>>[vector<16xi32>], vector<16xf32>,
      %parallel_loop3A_439 = vector.broadcast %parallel_loop3A_420 : i32 to vector<16xi32>
      %parallel_loop3A_440 = arith.addi %get3A_30, %parallel_loop3A_439 : vector<16xi32>
      %parallel_loop3A_441 = tpu.vector_load_idx %arg8[%parallel_loop3A_440] : memref<40960xf32, #tpu.memory_space<vmem>>[vector<16xi32>], vector<16xf32>,
      %parallel_loop3A_442 = vector.broadcast %parallel_loop3A_420 : i32 to vector<16xi32>
      %parallel_loop3A_443 = arith.addi %get3A_32, %parallel_loop3A_442 : vector<16xi32>
      %parallel_loop3A_444 = tpu.vector_load_idx %arg8[%parallel_loop3A_443] : memref<40960xf32, #tpu.memory_space<vmem>>[vector<16xi32>], vector<16xf32>,
      %parallel_loop3A_445 = arith.constant 0 : i32
      %parallel_loop3A_446 = arith.addi %parallel_loop3A_420, %parallel_loop3A_445 : i32
      %parallel_loop3A_447 = arith.index_cast %parallel_loop3A_446 : i32 to index
      %parallel_loop3A_448 = tpu.vector_load %arg8[%parallel_loop3A_447] {strides = array<i32>} : memref<40960xf32, #tpu.memory_space<vmem>>, vector<16xf32>,
      tpu.vector_store %arg8[%parallel_loop3A_447], %parallel_loop3A_423 {strides = array<i32>} : memref<40960xf32, #tpu.memory_space<vmem>>, vector<16xf32>,
      %parallel_loop3A_449 = arith.constant 16 : i32
      %parallel_loop3A_450 = arith.addi %parallel_loop3A_420, %parallel_loop3A_449 : i32
      %parallel_loop3A_451 = arith.index_cast %parallel_loop3A_450 : i32 to index
      %parallel_loop3A_452 = tpu.vector_load %arg8[%parallel_loop3A_451] {strides = array<i32>} : memref<40960xf32, #tpu.memory_space<vmem>>, vector<16xf32>,
      tpu.vector_store %arg8[%parallel_loop3A_451], %parallel_loop3A_426 {strides = array<i32>} : memref<40960xf32, #tpu.memory_space<vmem>>, vector<16xf32>,
      %parallel_loop3A_453 = arith.constant 32 : i32
      %parallel_loop3A_454 = arith.addi %parallel_loop3A_420, %parallel_loop3A_453 : i32
      %parallel_loop3A_455 = arith.index_cast %parallel_loop3A_454 : i32 to index
      %parallel_loop3A_456 = tpu.vector_load %arg8[%parallel_loop3A_455] {strides = array<i32>} : memref<40960xf32, #tpu.memory_space<vmem>>, vector<16xf32>,
      tpu.vector_store %arg8[%parallel_loop3A_455], %parallel_loop3A_429 {strides = array<i32>} : memref<40960xf32, #tpu.memory_space<vmem>>, vector<16xf32>,
      %parallel_loop3A_457 = arith.constant 48 : i32
      %parallel_loop3A_458 = arith.addi %parallel_loop3A_420, %parallel_loop3A_457 : i32
      %parallel_loop3A_459 = arith.index_cast %parallel_loop3A_458 : i32 to index
      %parallel_loop3A_460 = tpu.vector_load %arg8[%parallel_loop3A_459] {strides = array<i32>} : memref<40960xf32, #tpu.memory_space<vmem>>, vector<16xf32>,
      tpu.vector_store %arg8[%parallel_loop3A_459], %parallel_loop3A_432 {strides = array<i32>} : memref<40960xf32, #tpu.memory_space<vmem>>, vector<16xf32>,
      %parallel_loop3A_461 = arith.constant 64 : i32
      %parallel_loop3A_462 = arith.addi %parallel_loop3A_420, %parallel_loop3A_461 : i32
      %parallel_loop3A_463 = arith.index_cast %parallel_loop3A_462 : i32 to index
      %parallel_loop3A_464 = tpu.vector_load %arg8[%parallel_loop3A_463] {strides = array<i32>} : memref<40960xf32, #tpu.memory_space<vmem>>, vector<16xf32>,
      tpu.vector_store %arg8[%parallel_loop3A_463], %parallel_loop3A_435 {strides = array<i32>} : memref<40960xf32, #tpu.memory_space<vmem>>, vector<16xf32>,
      %parallel_loop3A_465 = arith.constant 80 : i32
      %parallel_loop3A_466 = arith.addi %parallel_loop3A_420, %parallel_loop3A_465 : i32
      %parallel_loop3A_467 = arith.index_cast %parallel_loop3A_466 : i32 to index
      %parallel_loop3A_468 = tpu.vector_load %arg8[%parallel_loop3A_467] {strides = array<i32>} : memref<40960xf32, #tpu.memory_space<vmem>>, vector<16xf32>,
      tpu.vector_store %arg8[%parallel_loop3A_467], %parallel_loop3A_438 {strides = array<i32>} : memref<40960xf32, #tpu.memory_space<vmem>>, vector<16xf32>,
      %parallel_loop3A_469 = arith.constant 96 : i32
      %parallel_loop3A_470 = arith.addi %parallel_loop3A_420, %parallel_loop3A_469 : i32
      %parallel_loop3A_471 = arith.index_cast %parallel_loop3A_470 : i32 to index
      %parallel_loop3A_472 = tpu.vector_load %arg8[%parallel_loop3A_471] {strides = array<i32>} : memref<40960xf32, #tpu.memory_space<vmem>>, vector<16xf32>,
      tpu.vector_store %arg8[%parallel_loop3A_471], %parallel_loop3A_441 {strides = array<i32>} : memref<40960xf32, #tpu.memory_space<vmem>>, vector<16xf32>,
      %parallel_loop3A_473 = arith.constant 112 : i32
      %parallel_loop3A_474 = arith.addi %parallel_loop3A_420, %parallel_loop3A_473 : i32
      %parallel_loop3A_475 = arith.index_cast %parallel_loop3A_474 : i32 to index
      %parallel_loop3A_476 = tpu.vector_load %arg8[%parallel_loop3A_475] {strides = array<i32>} : memref<40960xf32, #tpu.memory_space<vmem>>, vector<16xf32>,
      tpu.vector_store %arg8[%parallel_loop3A_475], %parallel_loop3A_444 {strides = array<i32>} : memref<40960xf32, #tpu.memory_space<vmem>>, vector<16xf32>,
    } {sc.loop_unroll_factor = 4 : i64, sc.parallel_access}
    %add3A_96 = arith.constant 81920 : i32
    %add3A_97 = arith.addi %mul3A_2, %add3A_96 : i32
    %dma_start3A_98 = arith.constant 0 : i32
    %dma_start3A_99 = tpu.memref_slice %arg8[%dma_start3A_98] : memref<40960xf32, #tpu.memory_space<vmem>> -> memref<40960xf32, #tpu.memory_space<vmem>>
    %dma_start3A_100 = tpu.memref_slice %arg4[%add3A_97] : memref<16777216xf32, #tpu.memory_space<hbm>> -> memref<40960xf32, #tpu.memory_space<hbm>>
    %dma_start3A_101 = tpu.memref_slice %arg4[%add3A_97] : memref<16777216xf32, #tpu.memory_space<hbm>> -> memref<40960xf32, #tpu.memory_space<hbm>>
    %dma_start3A_102 = arith.constant 0 : i32
    %dma_start3A_103 = tpu.memref_slice %arg8[%dma_start3A_102] : memref<40960xf32, #tpu.memory_space<vmem>> -> memref<40960xf32, #tpu.memory_space<vmem>>
    tpu.enqueue_dma source(%dma_start3A_103 : memref<40960xf32, #tpu.memory_space<vmem>>) target(%dma_start3A_101 : memref<40960xf32, #tpu.memory_space<hbm>>) target_semaphore(%arg14 : memref<!tpu.dma_semaphore, #tpu.memory_space<semaphore_mem>>)
    %dma_wait3A_104 = arith.constant 0 : i32
    %dma_wait3A_105 = tpu.memref_slice %arg7[%dma_wait3A_104] : memref<40960xf32, #tpu.memory_space<vmem>> -> memref<40960xf32, #tpu.memory_space<vmem>>
    %dma_wait3A_106 = tpu.memref_slice %arg4[%add3A_66] : memref<16777216xf32, #tpu.memory_space<hbm>> -> memref<40960xf32, #tpu.memory_space<hbm>>
    %dma_wait3A_107 = tpu.memref_slice %arg4[%add3A_66] : memref<16777216xf32, #tpu.memory_space<hbm>> -> memref<40960xf32, #tpu.memory_space<hbm>>
    %dma_wait3A_108 = arith.constant 0 : i32
    %dma_wait3A_109 = tpu.memref_slice %arg7[%dma_wait3A_108] : memref<40960xf32, #tpu.memory_space<vmem>> -> memref<40960xf32, #tpu.memory_space<vmem>>
    tpu.wait_dma2 semaphore(%arg13 : memref<!tpu.dma_semaphore, #tpu.memory_space<semaphore_mem>>) src(%dma_wait3A_109 : memref<40960xf32, #tpu.memory_space<vmem>>) dst(%dma_wait3A_107 : memref<40960xf32, #tpu.memory_space<hbm>>)
    %add3A_110 = arith.constant 163840 : i32
    %add3A_111 = arith.addi %mul3A_2, %add3A_110 : i32
    %dma_start3A_112 = arith.constant 0 : i32
    %dma_start3A_113 = tpu.memref_slice %arg7[%dma_start3A_112] : memref<40960xf32, #tpu.memory_space<vmem>> -> memref<40960xf32, #tpu.memory_space<vmem>>
    %dma_start3A_114 = tpu.memref_slice %arg2[%add3A_111] : memref<16777216xf32, #tpu.memory_space<hbm>> -> memref<40960xf32, #tpu.memory_space<hbm>>
    %dma_start3A_115 = arith.constant 0 : i32
    %dma_start3A_116 = tpu.memref_slice %arg7[%dma_start3A_115] : memref<40960xf32, #tpu.memory_space<vmem>> -> memref<40960xf32, #tpu.memory_space<vmem>>
    %dma_start3A_117 = tpu.memref_slice %arg2[%add3A_111] : memref<16777216xf32, #tpu.memory_space<hbm>> -> memref<40960xf32, #tpu.memory_space<hbm>>
    tpu.enqueue_dma source(%dma_start3A_117 : memref<40960xf32, #tpu.memory_space<hbm>>) target(%dma_start3A_116 : memref<40960xf32, #tpu.memory_space<vmem>>) target_semaphore(%arg10 : memref<!tpu.dma_semaphore, #tpu.memory_space<semaphore_mem>>)
    %dma_wait3A_118 = arith.constant 0 : i32
    %dma_wait3A_119 = tpu.memref_slice %arg6[%dma_wait3A_118] : memref<40960xf32, #tpu.memory_space<vmem>> -> memref<40960xf32, #tpu.memory_space<vmem>>
    %dma_wait3A_120 = tpu.memref_slice %arg2[%add3A_80] : memref<16777216xf32, #tpu.memory_space<hbm>> -> memref<40960xf32, #tpu.memory_space<hbm>>
    %dma_wait3A_121 = arith.constant 0 : i32
    %dma_wait3A_122 = tpu.memref_slice %arg6[%dma_wait3A_121] : memref<40960xf32, #tpu.memory_space<vmem>> -> memref<40960xf32, #tpu.memory_space<vmem>>
    %dma_wait3A_123 = tpu.memref_slice %arg2[%add3A_80] : memref<16777216xf32, #tpu.memory_space<hbm>> -> memref<40960xf32, #tpu.memory_space<hbm>>
    tpu.wait_dma2 semaphore(%arg9 : memref<!tpu.dma_semaphore, #tpu.memory_space<semaphore_mem>>) src(%dma_wait3A_123 : memref<40960xf32, #tpu.memory_space<hbm>>) dst(%dma_wait3A_122 : memref<40960xf32, #tpu.memory_space<vmem>>)
    %parallel_loop3A_124 = arith.constant 0 : i32
    %parallel_loop3A_125 = arith.constant 320 : i32
    %parallel_loop3A_126 = arith.constant 1 : i32
    scf.for %parallel_loop3A_418 = %parallel_loop3A_124 to %parallel_loop3A_125 step %parallel_loop3A_126  : i32 {
      %parallel_loop3A_419 = arith.constant 128 : i32
      %parallel_loop3A_420 = arith.muli %parallel_loop3A_418, %parallel_loop3A_419 : i32
      %parallel_loop3A_421 = vector.broadcast %parallel_loop3A_420 : i32 to vector<16xi32>
      %parallel_loop3A_422 = arith.addi %get3A_18, %parallel_loop3A_421 : vector<16xi32>
      %parallel_loop3A_423 = tpu.vector_load_idx %arg6[%parallel_loop3A_422] : memref<40960xf32, #tpu.memory_space<vmem>>[vector<16xi32>], vector<16xf32>,
      %parallel_loop3A_424 = vector.broadcast %parallel_loop3A_420 : i32 to vector<16xi32>
      %parallel_loop3A_425 = arith.addi %get3A_20, %parallel_loop3A_424 : vector<16xi32>
      %parallel_loop3A_426 = tpu.vector_load_idx %arg6[%parallel_loop3A_425] : memref<40960xf32, #tpu.memory_space<vmem>>[vector<16xi32>], vector<16xf32>,
      %parallel_loop3A_427 = vector.broadcast %parallel_loop3A_420 : i32 to vector<16xi32>
      %parallel_loop3A_428 = arith.addi %get3A_22, %parallel_loop3A_427 : vector<16xi32>
      %parallel_loop3A_429 = tpu.vector_load_idx %arg6[%parallel_loop3A_428] : memref<40960xf32, #tpu.memory_space<vmem>>[vector<16xi32>], vector<16xf32>,
      %parallel_loop3A_430 = vector.broadcast %parallel_loop3A_420 : i32 to vector<16xi32>
      %parallel_loop3A_431 = arith.addi %get3A_24, %parallel_loop3A_430 : vector<16xi32>
      %parallel_loop3A_432 = tpu.vector_load_idx %arg6[%parallel_loop3A_431] : memref<40960xf32, #tpu.memory_space<vmem>>[vector<16xi32>], vector<16xf32>,
      %parallel_loop3A_433 = vector.broadcast %parallel_loop3A_420 : i32 to vector<16xi32>
      %parallel_loop3A_434 = arith.addi %get3A_26, %parallel_loop3A_433 : vector<16xi32>
      %parallel_loop3A_435 = tpu.vector_load_idx %arg6[%parallel_loop3A_434] : memref<40960xf32, #tpu.memory_space<vmem>>[vector<16xi32>], vector<16xf32>,
      %parallel_loop3A_436 = vector.broadcast %parallel_loop3A_420 : i32 to vector<16xi32>
      %parallel_loop3A_437 = arith.addi %get3A_28, %parallel_loop3A_436 : vector<16xi32>
      %parallel_loop3A_438 = tpu.vector_load_idx %arg6[%parallel_loop3A_437] : memref<40960xf32, #tpu.memory_space<vmem>>[vector<16xi32>], vector<16xf32>,
      %parallel_loop3A_439 = vector.broadcast %parallel_loop3A_420 : i32 to vector<16xi32>
      %parallel_loop3A_440 = arith.addi %get3A_30, %parallel_loop3A_439 : vector<16xi32>
      %parallel_loop3A_441 = tpu.vector_load_idx %arg6[%parallel_loop3A_440] : memref<40960xf32, #tpu.memory_space<vmem>>[vector<16xi32>], vector<16xf32>,
      %parallel_loop3A_442 = vector.broadcast %parallel_loop3A_420 : i32 to vector<16xi32>
      %parallel_loop3A_443 = arith.addi %get3A_32, %parallel_loop3A_442 : vector<16xi32>
      %parallel_loop3A_444 = tpu.vector_load_idx %arg6[%parallel_loop3A_443] : memref<40960xf32, #tpu.memory_space<vmem>>[vector<16xi32>], vector<16xf32>,
      %parallel_loop3A_445 = arith.constant 0 : i32
      %parallel_loop3A_446 = arith.addi %parallel_loop3A_420, %parallel_loop3A_445 : i32
      %parallel_loop3A_447 = arith.index_cast %parallel_loop3A_446 : i32 to index
      %parallel_loop3A_448 = tpu.vector_load %arg6[%parallel_loop3A_447] {strides = array<i32>} : memref<40960xf32, #tpu.memory_space<vmem>>, vector<16xf32>,
      tpu.vector_store %arg6[%parallel_loop3A_447], %parallel_loop3A_423 {strides = array<i32>} : memref<40960xf32, #tpu.memory_space<vmem>>, vector<16xf32>,
      %parallel_loop3A_449 = arith.constant 16 : i32
      %parallel_loop3A_450 = arith.addi %parallel_loop3A_420, %parallel_loop3A_449 : i32
      %parallel_loop3A_451 = arith.index_cast %parallel_loop3A_450 : i32 to index
      %parallel_loop3A_452 = tpu.vector_load %arg6[%parallel_loop3A_451] {strides = array<i32>} : memref<40960xf32, #tpu.memory_space<vmem>>, vector<16xf32>,
      tpu.vector_store %arg6[%parallel_loop3A_451], %parallel_loop3A_426 {strides = array<i32>} : memref<40960xf32, #tpu.memory_space<vmem>>, vector<16xf32>,
      %parallel_loop3A_453 = arith.constant 32 : i32
      %parallel_loop3A_454 = arith.addi %parallel_loop3A_420, %parallel_loop3A_453 : i32
      %parallel_loop3A_455 = arith.index_cast %parallel_loop3A_454 : i32 to index
      %parallel_loop3A_456 = tpu.vector_load %arg6[%parallel_loop3A_455] {strides = array<i32>} : memref<40960xf32, #tpu.memory_space<vmem>>, vector<16xf32>,
      tpu.vector_store %arg6[%parallel_loop3A_455], %parallel_loop3A_429 {strides = array<i32>} : memref<40960xf32, #tpu.memory_space<vmem>>, vector<16xf32>,
      %parallel_loop3A_457 = arith.constant 48 : i32
      %parallel_loop3A_458 = arith.addi %parallel_loop3A_420, %parallel_loop3A_457 : i32
      %parallel_loop3A_459 = arith.index_cast %parallel_loop3A_458 : i32 to index
      %parallel_loop3A_460 = tpu.vector_load %arg6[%parallel_loop3A_459] {strides = array<i32>} : memref<40960xf32, #tpu.memory_space<vmem>>, vector<16xf32>,
      tpu.vector_store %arg6[%parallel_loop3A_459], %parallel_loop3A_432 {strides = array<i32>} : memref<40960xf32, #tpu.memory_space<vmem>>, vector<16xf32>,
      %parallel_loop3A_461 = arith.constant 64 : i32
      %parallel_loop3A_462 = arith.addi %parallel_loop3A_420, %parallel_loop3A_461 : i32
      %parallel_loop3A_463 = arith.index_cast %parallel_loop3A_462 : i32 to index
      %parallel_loop3A_464 = tpu.vector_load %arg6[%parallel_loop3A_463] {strides = array<i32>} : memref<40960xf32, #tpu.memory_space<vmem>>, vector<16xf32>,
      tpu.vector_store %arg6[%parallel_loop3A_463], %parallel_loop3A_435 {strides = array<i32>} : memref<40960xf32, #tpu.memory_space<vmem>>, vector<16xf32>,
      %parallel_loop3A_465 = arith.constant 80 : i32
      %parallel_loop3A_466 = arith.addi %parallel_loop3A_420, %parallel_loop3A_465 : i32
      %parallel_loop3A_467 = arith.index_cast %parallel_loop3A_466 : i32 to index
      %parallel_loop3A_468 = tpu.vector_load %arg6[%parallel_loop3A_467] {strides = array<i32>} : memref<40960xf32, #tpu.memory_space<vmem>>, vector<16xf32>,
      tpu.vector_store %arg6[%parallel_loop3A_467], %parallel_loop3A_438 {strides = array<i32>} : memref<40960xf32, #tpu.memory_space<vmem>>, vector<16xf32>,
      %parallel_loop3A_469 = arith.constant 96 : i32
      %parallel_loop3A_470 = arith.addi %parallel_loop3A_420, %parallel_loop3A_469 : i32
      %parallel_loop3A_471 = arith.index_cast %parallel_loop3A_470 : i32 to index
      %parallel_loop3A_472 = tpu.vector_load %arg6[%parallel_loop3A_471] {strides = array<i32>} : memref<40960xf32, #tpu.memory_space<vmem>>, vector<16xf32>,
      tpu.vector_store %arg6[%parallel_loop3A_471], %parallel_loop3A_441 {strides = array<i32>} : memref<40960xf32, #tpu.memory_space<vmem>>, vector<16xf32>,
      %parallel_loop3A_473 = arith.constant 112 : i32
      %parallel_loop3A_474 = arith.addi %parallel_loop3A_420, %parallel_loop3A_473 : i32
      %parallel_loop3A_475 = arith.index_cast %parallel_loop3A_474 : i32 to index
      %parallel_loop3A_476 = tpu.vector_load %arg6[%parallel_loop3A_475] {strides = array<i32>} : memref<40960xf32, #tpu.memory_space<vmem>>, vector<16xf32>,
      tpu.vector_store %arg6[%parallel_loop3A_475], %parallel_loop3A_444 {strides = array<i32>} : memref<40960xf32, #tpu.memory_space<vmem>>, vector<16xf32>,
    } {sc.loop_unroll_factor = 4 : i64, sc.parallel_access}
    %add3A_127 = arith.constant 122880 : i32
    %add3A_128 = arith.addi %mul3A_2, %add3A_127 : i32
    %dma_start3A_129 = arith.constant 0 : i32
    %dma_start3A_130 = tpu.memref_slice %arg6[%dma_start3A_129] : memref<40960xf32, #tpu.memory_space<vmem>> -> memref<40960xf32, #tpu.memory_space<vmem>>
    %dma_start3A_131 = tpu.memref_slice %arg4[%add3A_128] : memref<16777216xf32, #tpu.memory_space<hbm>> -> memref<40960xf32, #tpu.memory_space<hbm>>
    %dma_start3A_132 = tpu.memref_slice %arg4[%add3A_128] : memref<16777216xf32, #tpu.memory_space<hbm>> -> memref<40960xf32, #tpu.memory_space<hbm>>
    %dma_start3A_133 = arith.constant 0 : i32
    %dma_start3A_134 = tpu.memref_slice %arg6[%dma_start3A_133] : memref<40960xf32, #tpu.memory_space<vmem>> -> memref<40960xf32, #tpu.memory_space<vmem>>
    tpu.enqueue_dma source(%dma_start3A_134 : memref<40960xf32, #tpu.memory_space<vmem>>) target(%dma_start3A_132 : memref<40960xf32, #tpu.memory_space<hbm>>) target_semaphore(%arg12 : memref<!tpu.dma_semaphore, #tpu.memory_space<semaphore_mem>>)
    %dma_wait3A_135 = arith.constant 0 : i32
    %dma_wait3A_136 = tpu.memref_slice %arg8[%dma_wait3A_135] : memref<40960xf32, #tpu.memory_space<vmem>> -> memref<40960xf32, #tpu.memory_space<vmem>>
    %dma_wait3A_137 = tpu.memref_slice %arg4[%add3A_97] : memref<16777216xf32, #tpu.memory_space<hbm>> -> memref<40960xf32, #tpu.memory_space<hbm>>
    %dma_wait3A_138 = tpu.memref_slice %arg4[%add3A_97] : memref<16777216xf32, #tpu.memory_space<hbm>> -> memref<40960xf32, #tpu.memory_space<hbm>>
    %dma_wait3A_139 = arith.constant 0 : i32
    %dma_wait3A_140 = tpu.memref_slice %arg8[%dma_wait3A_139] : memref<40960xf32, #tpu.memory_space<vmem>> -> memref<40960xf32, #tpu.memory_space<vmem>>
    tpu.wait_dma2 semaphore(%arg14 : memref<!tpu.dma_semaphore, #tpu.memory_space<semaphore_mem>>) src(%dma_wait3A_140 : memref<40960xf32, #tpu.memory_space<vmem>>) dst(%dma_wait3A_138 : memref<40960xf32, #tpu.memory_space<hbm>>)
    %add3A_141 = arith.constant 204800 : i32
    %add3A_142 = arith.addi %mul3A_2, %add3A_141 : i32
    %dma_start3A_143 = arith.constant 0 : i32
    %dma_start3A_144 = tpu.memref_slice %arg8[%dma_start3A_143] : memref<40960xf32, #tpu.memory_space<vmem>> -> memref<40960xf32, #tpu.memory_space<vmem>>
    %dma_start3A_145 = tpu.memref_slice %arg2[%add3A_142] : memref<16777216xf32, #tpu.memory_space<hbm>> -> memref<40960xf32, #tpu.memory_space<hbm>>
    %dma_start3A_146 = arith.constant 0 : i32
    %dma_start3A_147 = tpu.memref_slice %arg8[%dma_start3A_146] : memref<40960xf32, #tpu.memory_space<vmem>> -> memref<40960xf32, #tpu.memory_space<vmem>>
    %dma_start3A_148 = tpu.memref_slice %arg2[%add3A_142] : memref<16777216xf32, #tpu.memory_space<hbm>> -> memref<40960xf32, #tpu.memory_space<hbm>>
    tpu.enqueue_dma source(%dma_start3A_148 : memref<40960xf32, #tpu.memory_space<hbm>>) target(%dma_start3A_147 : memref<40960xf32, #tpu.memory_space<vmem>>) target_semaphore(%arg11 : memref<!tpu.dma_semaphore, #tpu.memory_space<semaphore_mem>>)
    %dma_wait3A_149 = arith.constant 0 : i32
    %dma_wait3A_150 = tpu.memref_slice %arg7[%dma_wait3A_149] : memref<40960xf32, #tpu.memory_space<vmem>> -> memref<40960xf32, #tpu.memory_space<vmem>>
    %dma_wait3A_151 = tpu.memref_slice %arg2[%add3A_111] : memref<16777216xf32, #tpu.memory_space<hbm>> -> memref<40960xf32, #tpu.memory_space<hbm>>
    %dma_wait3A_152 = arith.constant 0 : i32
    %dma_wait3A_153 = tpu.memref_slice %arg7[%dma_wait3A_152] : memref<40960xf32, #tpu.memory_space<vmem>> -> memref<40960xf32, #tpu.memory_space<vmem>>
    %dma_wait3A_154 = tpu.memref_slice %arg2[%add3A_111] : memref<16777216xf32, #tpu.memory_space<hbm>> -> memref<40960xf32, #tpu.memory_space<hbm>>
    tpu.wait_dma2 semaphore(%arg10 : memref<!tpu.dma_semaphore, #tpu.memory_space<semaphore_mem>>) src(%dma_wait3A_154 : memref<40960xf32, #tpu.memory_space<hbm>>) dst(%dma_wait3A_153 : memref<40960xf32, #tpu.memory_space<vmem>>)
    %parallel_loop3A_155 = arith.constant 0 : i32
    %parallel_loop3A_156 = arith.constant 320 : i32
    %parallel_loop3A_157 = arith.constant 1 : i32
    scf.for %parallel_loop3A_418 = %parallel_loop3A_155 to %parallel_loop3A_156 step %parallel_loop3A_157  : i32 {
      %parallel_loop3A_419 = arith.constant 128 : i32
      %parallel_loop3A_420 = arith.muli %parallel_loop3A_418, %parallel_loop3A_419 : i32
      %parallel_loop3A_421 = vector.broadcast %parallel_loop3A_420 : i32 to vector<16xi32>
      %parallel_loop3A_422 = arith.addi %get3A_18, %parallel_loop3A_421 : vector<16xi32>
      %parallel_loop3A_423 = tpu.vector_load_idx %arg7[%parallel_loop3A_422] : memref<40960xf32, #tpu.memory_space<vmem>>[vector<16xi32>], vector<16xf32>,
      %parallel_loop3A_424 = vector.broadcast %parallel_loop3A_420 : i32 to vector<16xi32>
      %parallel_loop3A_425 = arith.addi %get3A_20, %parallel_loop3A_424 : vector<16xi32>
      %parallel_loop3A_426 = tpu.vector_load_idx %arg7[%parallel_loop3A_425] : memref<40960xf32, #tpu.memory_space<vmem>>[vector<16xi32>], vector<16xf32>,
      %parallel_loop3A_427 = vector.broadcast %parallel_loop3A_420 : i32 to vector<16xi32>
      %parallel_loop3A_428 = arith.addi %get3A_22, %parallel_loop3A_427 : vector<16xi32>
      %parallel_loop3A_429 = tpu.vector_load_idx %arg7[%parallel_loop3A_428] : memref<40960xf32, #tpu.memory_space<vmem>>[vector<16xi32>], vector<16xf32>,
      %parallel_loop3A_430 = vector.broadcast %parallel_loop3A_420 : i32 to vector<16xi32>
      %parallel_loop3A_431 = arith.addi %get3A_24, %parallel_loop3A_430 : vector<16xi32>
      %parallel_loop3A_432 = tpu.vector_load_idx %arg7[%parallel_loop3A_431] : memref<40960xf32, #tpu.memory_space<vmem>>[vector<16xi32>], vector<16xf32>,
      %parallel_loop3A_433 = vector.broadcast %parallel_loop3A_420 : i32 to vector<16xi32>
      %parallel_loop3A_434 = arith.addi %get3A_26, %parallel_loop3A_433 : vector<16xi32>
      %parallel_loop3A_435 = tpu.vector_load_idx %arg7[%parallel_loop3A_434] : memref<40960xf32, #tpu.memory_space<vmem>>[vector<16xi32>], vector<16xf32>,
      %parallel_loop3A_436 = vector.broadcast %parallel_loop3A_420 : i32 to vector<16xi32>
      %parallel_loop3A_437 = arith.addi %get3A_28, %parallel_loop3A_436 : vector<16xi32>
      %parallel_loop3A_438 = tpu.vector_load_idx %arg7[%parallel_loop3A_437] : memref<40960xf32, #tpu.memory_space<vmem>>[vector<16xi32>], vector<16xf32>,
      %parallel_loop3A_439 = vector.broadcast %parallel_loop3A_420 : i32 to vector<16xi32>
      %parallel_loop3A_440 = arith.addi %get3A_30, %parallel_loop3A_439 : vector<16xi32>
      %parallel_loop3A_441 = tpu.vector_load_idx %arg7[%parallel_loop3A_440] : memref<40960xf32, #tpu.memory_space<vmem>>[vector<16xi32>], vector<16xf32>,
      %parallel_loop3A_442 = vector.broadcast %parallel_loop3A_420 : i32 to vector<16xi32>
      %parallel_loop3A_443 = arith.addi %get3A_32, %parallel_loop3A_442 : vector<16xi32>
      %parallel_loop3A_444 = tpu.vector_load_idx %arg7[%parallel_loop3A_443] : memref<40960xf32, #tpu.memory_space<vmem>>[vector<16xi32>], vector<16xf32>,
      %parallel_loop3A_445 = arith.constant 0 : i32
      %parallel_loop3A_446 = arith.addi %parallel_loop3A_420, %parallel_loop3A_445 : i32
      %parallel_loop3A_447 = arith.index_cast %parallel_loop3A_446 : i32 to index
      %parallel_loop3A_448 = tpu.vector_load %arg7[%parallel_loop3A_447] {strides = array<i32>} : memref<40960xf32, #tpu.memory_space<vmem>>, vector<16xf32>,
      tpu.vector_store %arg7[%parallel_loop3A_447], %parallel_loop3A_423 {strides = array<i32>} : memref<40960xf32, #tpu.memory_space<vmem>>, vector<16xf32>,
      %parallel_loop3A_449 = arith.constant 16 : i32
      %parallel_loop3A_450 = arith.addi %parallel_loop3A_420, %parallel_loop3A_449 : i32
      %parallel_loop3A_451 = arith.index_cast %parallel_loop3A_450 : i32 to index
      %parallel_loop3A_452 = tpu.vector_load %arg7[%parallel_loop3A_451] {strides = array<i32>} : memref<40960xf32, #tpu.memory_space<vmem>>, vector<16xf32>,
      tpu.vector_store %arg7[%parallel_loop3A_451], %parallel_loop3A_426 {strides = array<i32>} : memref<40960xf32, #tpu.memory_space<vmem>>, vector<16xf32>,
      %parallel_loop3A_453 = arith.constant 32 : i32
      %parallel_loop3A_454 = arith.addi %parallel_loop3A_420, %parallel_loop3A_453 : i32
      %parallel_loop3A_455 = arith.index_cast %parallel_loop3A_454 : i32 to index
      %parallel_loop3A_456 = tpu.vector_load %arg7[%parallel_loop3A_455] {strides = array<i32>} : memref<40960xf32, #tpu.memory_space<vmem>>, vector<16xf32>,
      tpu.vector_store %arg7[%parallel_loop3A_455], %parallel_loop3A_429 {strides = array<i32>} : memref<40960xf32, #tpu.memory_space<vmem>>, vector<16xf32>,
      %parallel_loop3A_457 = arith.constant 48 : i32
      %parallel_loop3A_458 = arith.addi %parallel_loop3A_420, %parallel_loop3A_457 : i32
      %parallel_loop3A_459 = arith.index_cast %parallel_loop3A_458 : i32 to index
      %parallel_loop3A_460 = tpu.vector_load %arg7[%parallel_loop3A_459] {strides = array<i32>} : memref<40960xf32, #tpu.memory_space<vmem>>, vector<16xf32>,
      tpu.vector_store %arg7[%parallel_loop3A_459], %parallel_loop3A_432 {strides = array<i32>} : memref<40960xf32, #tpu.memory_space<vmem>>, vector<16xf32>,
      %parallel_loop3A_461 = arith.constant 64 : i32
      %parallel_loop3A_462 = arith.addi %parallel_loop3A_420, %parallel_loop3A_461 : i32
      %parallel_loop3A_463 = arith.index_cast %parallel_loop3A_462 : i32 to index
      %parallel_loop3A_464 = tpu.vector_load %arg7[%parallel_loop3A_463] {strides = array<i32>} : memref<40960xf32, #tpu.memory_space<vmem>>, vector<16xf32>,
      tpu.vector_store %arg7[%parallel_loop3A_463], %parallel_loop3A_435 {strides = array<i32>} : memref<40960xf32, #tpu.memory_space<vmem>>, vector<16xf32>,
      %parallel_loop3A_465 = arith.constant 80 : i32
      %parallel_loop3A_466 = arith.addi %parallel_loop3A_420, %parallel_loop3A_465 : i32
      %parallel_loop3A_467 = arith.index_cast %parallel_loop3A_466 : i32 to index
      %parallel_loop3A_468 = tpu.vector_load %arg7[%parallel_loop3A_467] {strides = array<i32>} : memref<40960xf32, #tpu.memory_space<vmem>>, vector<16xf32>,
      tpu.vector_store %arg7[%parallel_loop3A_467], %parallel_loop3A_438 {strides = array<i32>} : memref<40960xf32, #tpu.memory_space<vmem>>, vector<16xf32>,
      %parallel_loop3A_469 = arith.constant 96 : i32
      %parallel_loop3A_470 = arith.addi %parallel_loop3A_420, %parallel_loop3A_469 : i32
      %parallel_loop3A_471 = arith.index_cast %parallel_loop3A_470 : i32 to index
      %parallel_loop3A_472 = tpu.vector_load %arg7[%parallel_loop3A_471] {strides = array<i32>} : memref<40960xf32, #tpu.memory_space<vmem>>, vector<16xf32>,
      tpu.vector_store %arg7[%parallel_loop3A_471], %parallel_loop3A_441 {strides = array<i32>} : memref<40960xf32, #tpu.memory_space<vmem>>, vector<16xf32>,
      %parallel_loop3A_473 = arith.constant 112 : i32
      %parallel_loop3A_474 = arith.addi %parallel_loop3A_420, %parallel_loop3A_473 : i32
      %parallel_loop3A_475 = arith.index_cast %parallel_loop3A_474 : i32 to index
      %parallel_loop3A_476 = tpu.vector_load %arg7[%parallel_loop3A_475] {strides = array<i32>} : memref<40960xf32, #tpu.memory_space<vmem>>, vector<16xf32>,
      tpu.vector_store %arg7[%parallel_loop3A_475], %parallel_loop3A_444 {strides = array<i32>} : memref<40960xf32, #tpu.memory_space<vmem>>, vector<16xf32>,
    } {sc.loop_unroll_factor = 4 : i64, sc.parallel_access}
    %add3A_158 = arith.constant 163840 : i32
    %add3A_159 = arith.addi %mul3A_2, %add3A_158 : i32
    %dma_start3A_160 = arith.constant 0 : i32
    %dma_start3A_161 = tpu.memref_slice %arg7[%dma_start3A_160] : memref<40960xf32, #tpu.memory_space<vmem>> -> memref<40960xf32, #tpu.memory_space<vmem>>
    %dma_start3A_162 = tpu.memref_slice %arg4[%add3A_159] : memref<16777216xf32, #tpu.memory_space<hbm>> -> memref<40960xf32, #tpu.memory_space<hbm>>
    %dma_start3A_163 = tpu.memref_slice %arg4[%add3A_159] : memref<16777216xf32, #tpu.memory_space<hbm>> -> memref<40960xf32, #tpu.memory_space<hbm>>
    %dma_start3A_164 = arith.constant 0 : i32
    %dma_start3A_165 = tpu.memref_slice %arg7[%dma_start3A_164] : memref<40960xf32, #tpu.memory_space<vmem>> -> memref<40960xf32, #tpu.memory_space<vmem>>
    tpu.enqueue_dma source(%dma_start3A_165 : memref<40960xf32, #tpu.memory_space<vmem>>) target(%dma_start3A_163 : memref<40960xf32, #tpu.memory_space<hbm>>) target_semaphore(%arg13 : memref<!tpu.dma_semaphore, #tpu.memory_space<semaphore_mem>>)
    %dma_wait3A_166 = arith.constant 0 : i32
    %dma_wait3A_167 = tpu.memref_slice %arg6[%dma_wait3A_166] : memref<40960xf32, #tpu.memory_space<vmem>> -> memref<40960xf32, #tpu.memory_space<vmem>>
    %dma_wait3A_168 = tpu.memref_slice %arg4[%add3A_128] : memref<16777216xf32, #tpu.memory_space<hbm>> -> memref<40960xf32, #tpu.memory_space<hbm>>
    %dma_wait3A_169 = tpu.memref_slice %arg4[%add3A_128] : memref<16777216xf32, #tpu.memory_space<hbm>> -> memref<40960xf32, #tpu.memory_space<hbm>>
    %dma_wait3A_170 = arith.constant 0 : i32
    %dma_wait3A_171 = tpu.memref_slice %arg6[%dma_wait3A_170] : memref<40960xf32, #tpu.memory_space<vmem>> -> memref<40960xf32, #tpu.memory_space<vmem>>
    tpu.wait_dma2 semaphore(%arg12 : memref<!tpu.dma_semaphore, #tpu.memory_space<semaphore_mem>>) src(%dma_wait3A_171 : memref<40960xf32, #tpu.memory_space<vmem>>) dst(%dma_wait3A_169 : memref<40960xf32, #tpu.memory_space<hbm>>)
    %add3A_172 = arith.constant 245760 : i32
    %add3A_173 = arith.addi %mul3A_2, %add3A_172 : i32
    %dma_start3A_174 = arith.constant 0 : i32
    %dma_start3A_175 = tpu.memref_slice %arg6[%dma_start3A_174] : memref<40960xf32, #tpu.memory_space<vmem>> -> memref<40960xf32, #tpu.memory_space<vmem>>
    %dma_start3A_176 = tpu.memref_slice %arg2[%add3A_173] : memref<16777216xf32, #tpu.memory_space<hbm>> -> memref<40960xf32, #tpu.memory_space<hbm>>
    %dma_start3A_177 = arith.constant 0 : i32
    %dma_start3A_178 = tpu.memref_slice %arg6[%dma_start3A_177] : memref<40960xf32, #tpu.memory_space<vmem>> -> memref<40960xf32, #tpu.memory_space<vmem>>
    %dma_start3A_179 = tpu.memref_slice %arg2[%add3A_173] : memref<16777216xf32, #tpu.memory_space<hbm>> -> memref<40960xf32, #tpu.memory_space<hbm>>
    tpu.enqueue_dma source(%dma_start3A_179 : memref<40960xf32, #tpu.memory_space<hbm>>) target(%dma_start3A_178 : memref<40960xf32, #tpu.memory_space<vmem>>) target_semaphore(%arg9 : memref<!tpu.dma_semaphore, #tpu.memory_space<semaphore_mem>>)
    %dma_wait3A_180 = arith.constant 0 : i32
    %dma_wait3A_181 = tpu.memref_slice %arg8[%dma_wait3A_180] : memref<40960xf32, #tpu.memory_space<vmem>> -> memref<40960xf32, #tpu.memory_space<vmem>>
    %dma_wait3A_182 = tpu.memref_slice %arg2[%add3A_142] : memref<16777216xf32, #tpu.memory_space<hbm>> -> memref<40960xf32, #tpu.memory_space<hbm>>
    %dma_wait3A_183 = arith.constant 0 : i32
    %dma_wait3A_184 = tpu.memref_slice %arg8[%dma_wait3A_183] : memref<40960xf32, #tpu.memory_space<vmem>> -> memref<40960xf32, #tpu.memory_space<vmem>>
    %dma_wait3A_185 = tpu.memref_slice %arg2[%add3A_142] : memref<16777216xf32, #tpu.memory_space<hbm>> -> memref<40960xf32, #tpu.memory_space<hbm>>
    tpu.wait_dma2 semaphore(%arg11 : memref<!tpu.dma_semaphore, #tpu.memory_space<semaphore_mem>>) src(%dma_wait3A_185 : memref<40960xf32, #tpu.memory_space<hbm>>) dst(%dma_wait3A_184 : memref<40960xf32, #tpu.memory_space<vmem>>)
    %parallel_loop3A_186 = arith.constant 0 : i32
    %parallel_loop3A_187 = arith.constant 320 : i32
    %parallel_loop3A_188 = arith.constant 1 : i32
    scf.for %parallel_loop3A_418 = %parallel_loop3A_186 to %parallel_loop3A_187 step %parallel_loop3A_188  : i32 {
      %parallel_loop3A_419 = arith.constant 128 : i32
      %parallel_loop3A_420 = arith.muli %parallel_loop3A_418, %parallel_loop3A_419 : i32
      %parallel_loop3A_421 = vector.broadcast %parallel_loop3A_420 : i32 to vector<16xi32>
      %parallel_loop3A_422 = arith.addi %get3A_18, %parallel_loop3A_421 : vector<16xi32>
      %parallel_loop3A_423 = tpu.vector_load_idx %arg8[%parallel_loop3A_422] : memref<40960xf32, #tpu.memory_space<vmem>>[vector<16xi32>], vector<16xf32>,
      %parallel_loop3A_424 = vector.broadcast %parallel_loop3A_420 : i32 to vector<16xi32>
      %parallel_loop3A_425 = arith.addi %get3A_20, %parallel_loop3A_424 : vector<16xi32>
      %parallel_loop3A_426 = tpu.vector_load_idx %arg8[%parallel_loop3A_425] : memref<40960xf32, #tpu.memory_space<vmem>>[vector<16xi32>], vector<16xf32>,
      %parallel_loop3A_427 = vector.broadcast %parallel_loop3A_420 : i32 to vector<16xi32>
      %parallel_loop3A_428 = arith.addi %get3A_22, %parallel_loop3A_427 : vector<16xi32>
      %parallel_loop3A_429 = tpu.vector_load_idx %arg8[%parallel_loop3A_428] : memref<40960xf32, #tpu.memory_space<vmem>>[vector<16xi32>], vector<16xf32>,
      %parallel_loop3A_430 = vector.broadcast %parallel_loop3A_420 : i32 to vector<16xi32>
      %parallel_loop3A_431 = arith.addi %get3A_24, %parallel_loop3A_430 : vector<16xi32>
      %parallel_loop3A_432 = tpu.vector_load_idx %arg8[%parallel_loop3A_431] : memref<40960xf32, #tpu.memory_space<vmem>>[vector<16xi32>], vector<16xf32>,
      %parallel_loop3A_433 = vector.broadcast %parallel_loop3A_420 : i32 to vector<16xi32>
      %parallel_loop3A_434 = arith.addi %get3A_26, %parallel_loop3A_433 : vector<16xi32>
      %parallel_loop3A_435 = tpu.vector_load_idx %arg8[%parallel_loop3A_434] : memref<40960xf32, #tpu.memory_space<vmem>>[vector<16xi32>], vector<16xf32>,
      %parallel_loop3A_436 = vector.broadcast %parallel_loop3A_420 : i32 to vector<16xi32>
      %parallel_loop3A_437 = arith.addi %get3A_28, %parallel_loop3A_436 : vector<16xi32>
      %parallel_loop3A_438 = tpu.vector_load_idx %arg8[%parallel_loop3A_437] : memref<40960xf32, #tpu.memory_space<vmem>>[vector<16xi32>], vector<16xf32>,
      %parallel_loop3A_439 = vector.broadcast %parallel_loop3A_420 : i32 to vector<16xi32>
      %parallel_loop3A_440 = arith.addi %get3A_30, %parallel_loop3A_439 : vector<16xi32>
      %parallel_loop3A_441 = tpu.vector_load_idx %arg8[%parallel_loop3A_440] : memref<40960xf32, #tpu.memory_space<vmem>>[vector<16xi32>], vector<16xf32>,
      %parallel_loop3A_442 = vector.broadcast %parallel_loop3A_420 : i32 to vector<16xi32>
      %parallel_loop3A_443 = arith.addi %get3A_32, %parallel_loop3A_442 : vector<16xi32>
      %parallel_loop3A_444 = tpu.vector_load_idx %arg8[%parallel_loop3A_443] : memref<40960xf32, #tpu.memory_space<vmem>>[vector<16xi32>], vector<16xf32>,
      %parallel_loop3A_445 = arith.constant 0 : i32
      %parallel_loop3A_446 = arith.addi %parallel_loop3A_420, %parallel_loop3A_445 : i32
      %parallel_loop3A_447 = arith.index_cast %parallel_loop3A_446 : i32 to index
      %parallel_loop3A_448 = tpu.vector_load %arg8[%parallel_loop3A_447] {strides = array<i32>} : memref<40960xf32, #tpu.memory_space<vmem>>, vector<16xf32>,
      tpu.vector_store %arg8[%parallel_loop3A_447], %parallel_loop3A_423 {strides = array<i32>} : memref<40960xf32, #tpu.memory_space<vmem>>, vector<16xf32>,
      %parallel_loop3A_449 = arith.constant 16 : i32
      %parallel_loop3A_450 = arith.addi %parallel_loop3A_420, %parallel_loop3A_449 : i32
      %parallel_loop3A_451 = arith.index_cast %parallel_loop3A_450 : i32 to index
      %parallel_loop3A_452 = tpu.vector_load %arg8[%parallel_loop3A_451] {strides = array<i32>} : memref<40960xf32, #tpu.memory_space<vmem>>, vector<16xf32>,
      tpu.vector_store %arg8[%parallel_loop3A_451], %parallel_loop3A_426 {strides = array<i32>} : memref<40960xf32, #tpu.memory_space<vmem>>, vector<16xf32>,
      %parallel_loop3A_453 = arith.constant 32 : i32
      %parallel_loop3A_454 = arith.addi %parallel_loop3A_420, %parallel_loop3A_453 : i32
      %parallel_loop3A_455 = arith.index_cast %parallel_loop3A_454 : i32 to index
      %parallel_loop3A_456 = tpu.vector_load %arg8[%parallel_loop3A_455] {strides = array<i32>} : memref<40960xf32, #tpu.memory_space<vmem>>, vector<16xf32>,
      tpu.vector_store %arg8[%parallel_loop3A_455], %parallel_loop3A_429 {strides = array<i32>} : memref<40960xf32, #tpu.memory_space<vmem>>, vector<16xf32>,
      %parallel_loop3A_457 = arith.constant 48 : i32
      %parallel_loop3A_458 = arith.addi %parallel_loop3A_420, %parallel_loop3A_457 : i32
      %parallel_loop3A_459 = arith.index_cast %parallel_loop3A_458 : i32 to index
      %parallel_loop3A_460 = tpu.vector_load %arg8[%parallel_loop3A_459] {strides = array<i32>} : memref<40960xf32, #tpu.memory_space<vmem>>, vector<16xf32>,
      tpu.vector_store %arg8[%parallel_loop3A_459], %parallel_loop3A_432 {strides = array<i32>} : memref<40960xf32, #tpu.memory_space<vmem>>, vector<16xf32>,
      %parallel_loop3A_461 = arith.constant 64 : i32
      %parallel_loop3A_462 = arith.addi %parallel_loop3A_420, %parallel_loop3A_461 : i32
      %parallel_loop3A_463 = arith.index_cast %parallel_loop3A_462 : i32 to index
      %parallel_loop3A_464 = tpu.vector_load %arg8[%parallel_loop3A_463] {strides = array<i32>} : memref<40960xf32, #tpu.memory_space<vmem>>, vector<16xf32>,
      tpu.vector_store %arg8[%parallel_loop3A_463], %parallel_loop3A_435 {strides = array<i32>} : memref<40960xf32, #tpu.memory_space<vmem>>, vector<16xf32>,
      %parallel_loop3A_465 = arith.constant 80 : i32
      %parallel_loop3A_466 = arith.addi %parallel_loop3A_420, %parallel_loop3A_465 : i32
      %parallel_loop3A_467 = arith.index_cast %parallel_loop3A_466 : i32 to index
      %parallel_loop3A_468 = tpu.vector_load %arg8[%parallel_loop3A_467] {strides = array<i32>} : memref<40960xf32, #tpu.memory_space<vmem>>, vector<16xf32>,
      tpu.vector_store %arg8[%parallel_loop3A_467], %parallel_loop3A_438 {strides = array<i32>} : memref<40960xf32, #tpu.memory_space<vmem>>, vector<16xf32>,
      %parallel_loop3A_469 = arith.constant 96 : i32
      %parallel_loop3A_470 = arith.addi %parallel_loop3A_420, %parallel_loop3A_469 : i32
      %parallel_loop3A_471 = arith.index_cast %parallel_loop3A_470 : i32 to index
      %parallel_loop3A_472 = tpu.vector_load %arg8[%parallel_loop3A_471] {strides = array<i32>} : memref<40960xf32, #tpu.memory_space<vmem>>, vector<16xf32>,
      tpu.vector_store %arg8[%parallel_loop3A_471], %parallel_loop3A_441 {strides = array<i32>} : memref<40960xf32, #tpu.memory_space<vmem>>, vector<16xf32>,
      %parallel_loop3A_473 = arith.constant 112 : i32
      %parallel_loop3A_474 = arith.addi %parallel_loop3A_420, %parallel_loop3A_473 : i32
      %parallel_loop3A_475 = arith.index_cast %parallel_loop3A_474 : i32 to index
      %parallel_loop3A_476 = tpu.vector_load %arg8[%parallel_loop3A_475] {strides = array<i32>} : memref<40960xf32, #tpu.memory_space<vmem>>, vector<16xf32>,
      tpu.vector_store %arg8[%parallel_loop3A_475], %parallel_loop3A_444 {strides = array<i32>} : memref<40960xf32, #tpu.memory_space<vmem>>, vector<16xf32>,
    } {sc.loop_unroll_factor = 4 : i64, sc.parallel_access}
    %add3A_189 = arith.constant 204800 : i32
    %add3A_190 = arith.addi %mul3A_2, %add3A_189 : i32
    %dma_start3A_191 = arith.constant 0 : i32
    %dma_start3A_192 = tpu.memref_slice %arg8[%dma_start3A_191] : memref<40960xf32, #tpu.memory_space<vmem>> -> memref<40960xf32, #tpu.memory_space<vmem>>
    %dma_start3A_193 = tpu.memref_slice %arg4[%add3A_190] : memref<16777216xf32, #tpu.memory_space<hbm>> -> memref<40960xf32, #tpu.memory_space<hbm>>
    %dma_start3A_194 = tpu.memref_slice %arg4[%add3A_190] : memref<16777216xf32, #tpu.memory_space<hbm>> -> memref<40960xf32, #tpu.memory_space<hbm>>
    %dma_start3A_195 = arith.constant 0 : i32
    %dma_start3A_196 = tpu.memref_slice %arg8[%dma_start3A_195] : memref<40960xf32, #tpu.memory_space<vmem>> -> memref<40960xf32, #tpu.memory_space<vmem>>
    tpu.enqueue_dma source(%dma_start3A_196 : memref<40960xf32, #tpu.memory_space<vmem>>) target(%dma_start3A_194 : memref<40960xf32, #tpu.memory_space<hbm>>) target_semaphore(%arg14 : memref<!tpu.dma_semaphore, #tpu.memory_space<semaphore_mem>>)
    %dma_wait3A_197 = arith.constant 0 : i32
    %dma_wait3A_198 = tpu.memref_slice %arg7[%dma_wait3A_197] : memref<40960xf32, #tpu.memory_space<vmem>> -> memref<40960xf32, #tpu.memory_space<vmem>>
    %dma_wait3A_199 = tpu.memref_slice %arg4[%add3A_159] : memref<16777216xf32, #tpu.memory_space<hbm>> -> memref<40960xf32, #tpu.memory_space<hbm>>
    %dma_wait3A_200 = tpu.memref_slice %arg4[%add3A_159] : memref<16777216xf32, #tpu.memory_space<hbm>> -> memref<40960xf32, #tpu.memory_space<hbm>>
    %dma_wait3A_201 = arith.constant 0 : i32
    %dma_wait3A_202 = tpu.memref_slice %arg7[%dma_wait3A_201] : memref<40960xf32, #tpu.memory_space<vmem>> -> memref<40960xf32, #tpu.memory_space<vmem>>
    tpu.wait_dma2 semaphore(%arg13 : memref<!tpu.dma_semaphore, #tpu.memory_space<semaphore_mem>>) src(%dma_wait3A_202 : memref<40960xf32, #tpu.memory_space<vmem>>) dst(%dma_wait3A_200 : memref<40960xf32, #tpu.memory_space<hbm>>)
    %add3A_203 = arith.constant 286720 : i32
    %add3A_204 = arith.addi %mul3A_2, %add3A_203 : i32
    %dma_start3A_205 = arith.constant 0 : i32
    %dma_start3A_206 = tpu.memref_slice %arg7[%dma_start3A_205] : memref<40960xf32, #tpu.memory_space<vmem>> -> memref<40960xf32, #tpu.memory_space<vmem>>
    %dma_start3A_207 = tpu.memref_slice %arg2[%add3A_204] : memref<16777216xf32, #tpu.memory_space<hbm>> -> memref<40960xf32, #tpu.memory_space<hbm>>
    %dma_start3A_208 = arith.constant 0 : i32
    %dma_start3A_209 = tpu.memref_slice %arg7[%dma_start3A_208] : memref<40960xf32, #tpu.memory_space<vmem>> -> memref<40960xf32, #tpu.memory_space<vmem>>
    %dma_start3A_210 = tpu.memref_slice %arg2[%add3A_204] : memref<16777216xf32, #tpu.memory_space<hbm>> -> memref<40960xf32, #tpu.memory_space<hbm>>
    tpu.enqueue_dma source(%dma_start3A_210 : memref<40960xf32, #tpu.memory_space<hbm>>) target(%dma_start3A_209 : memref<40960xf32, #tpu.memory_space<vmem>>) target_semaphore(%arg10 : memref<!tpu.dma_semaphore, #tpu.memory_space<semaphore_mem>>)
    %dma_wait3A_211 = arith.constant 0 : i32
    %dma_wait3A_212 = tpu.memref_slice %arg6[%dma_wait3A_211] : memref<40960xf32, #tpu.memory_space<vmem>> -> memref<40960xf32, #tpu.memory_space<vmem>>
    %dma_wait3A_213 = tpu.memref_slice %arg2[%add3A_173] : memref<16777216xf32, #tpu.memory_space<hbm>> -> memref<40960xf32, #tpu.memory_space<hbm>>
    %dma_wait3A_214 = arith.constant 0 : i32
    %dma_wait3A_215 = tpu.memref_slice %arg6[%dma_wait3A_214] : memref<40960xf32, #tpu.memory_space<vmem>> -> memref<40960xf32, #tpu.memory_space<vmem>>
    %dma_wait3A_216 = tpu.memref_slice %arg2[%add3A_173] : memref<16777216xf32, #tpu.memory_space<hbm>> -> memref<40960xf32, #tpu.memory_space<hbm>>
    tpu.wait_dma2 semaphore(%arg9 : memref<!tpu.dma_semaphore, #tpu.memory_space<semaphore_mem>>) src(%dma_wait3A_216 : memref<40960xf32, #tpu.memory_space<hbm>>) dst(%dma_wait3A_215 : memref<40960xf32, #tpu.memory_space<vmem>>)
    %parallel_loop3A_217 = arith.constant 0 : i32
    %parallel_loop3A_218 = arith.constant 320 : i32
    %parallel_loop3A_219 = arith.constant 1 : i32
    scf.for %parallel_loop3A_418 = %parallel_loop3A_217 to %parallel_loop3A_218 step %parallel_loop3A_219  : i32 {
      %parallel_loop3A_419 = arith.constant 128 : i32
      %parallel_loop3A_420 = arith.muli %parallel_loop3A_418, %parallel_loop3A_419 : i32
      %parallel_loop3A_421 = vector.broadcast %parallel_loop3A_420 : i32 to vector<16xi32>
      %parallel_loop3A_422 = arith.addi %get3A_18, %parallel_loop3A_421 : vector<16xi32>
      %parallel_loop3A_423 = tpu.vector_load_idx %arg6[%parallel_loop3A_422] : memref<40960xf32, #tpu.memory_space<vmem>>[vector<16xi32>], vector<16xf32>,
      %parallel_loop3A_424 = vector.broadcast %parallel_loop3A_420 : i32 to vector<16xi32>
      %parallel_loop3A_425 = arith.addi %get3A_20, %parallel_loop3A_424 : vector<16xi32>
      %parallel_loop3A_426 = tpu.vector_load_idx %arg6[%parallel_loop3A_425] : memref<40960xf32, #tpu.memory_space<vmem>>[vector<16xi32>], vector<16xf32>,
      %parallel_loop3A_427 = vector.broadcast %parallel_loop3A_420 : i32 to vector<16xi32>
      %parallel_loop3A_428 = arith.addi %get3A_22, %parallel_loop3A_427 : vector<16xi32>
      %parallel_loop3A_429 = tpu.vector_load_idx %arg6[%parallel_loop3A_428] : memref<40960xf32, #tpu.memory_space<vmem>>[vector<16xi32>], vector<16xf32>,
      %parallel_loop3A_430 = vector.broadcast %parallel_loop3A_420 : i32 to vector<16xi32>
      %parallel_loop3A_431 = arith.addi %get3A_24, %parallel_loop3A_430 : vector<16xi32>
      %parallel_loop3A_432 = tpu.vector_load_idx %arg6[%parallel_loop3A_431] : memref<40960xf32, #tpu.memory_space<vmem>>[vector<16xi32>], vector<16xf32>,
      %parallel_loop3A_433 = vector.broadcast %parallel_loop3A_420 : i32 to vector<16xi32>
      %parallel_loop3A_434 = arith.addi %get3A_26, %parallel_loop3A_433 : vector<16xi32>
      %parallel_loop3A_435 = tpu.vector_load_idx %arg6[%parallel_loop3A_434] : memref<40960xf32, #tpu.memory_space<vmem>>[vector<16xi32>], vector<16xf32>,
      %parallel_loop3A_436 = vector.broadcast %parallel_loop3A_420 : i32 to vector<16xi32>
      %parallel_loop3A_437 = arith.addi %get3A_28, %parallel_loop3A_436 : vector<16xi32>
      %parallel_loop3A_438 = tpu.vector_load_idx %arg6[%parallel_loop3A_437] : memref<40960xf32, #tpu.memory_space<vmem>>[vector<16xi32>], vector<16xf32>,
      %parallel_loop3A_439 = vector.broadcast %parallel_loop3A_420 : i32 to vector<16xi32>
      %parallel_loop3A_440 = arith.addi %get3A_30, %parallel_loop3A_439 : vector<16xi32>
      %parallel_loop3A_441 = tpu.vector_load_idx %arg6[%parallel_loop3A_440] : memref<40960xf32, #tpu.memory_space<vmem>>[vector<16xi32>], vector<16xf32>,
      %parallel_loop3A_442 = vector.broadcast %parallel_loop3A_420 : i32 to vector<16xi32>
      %parallel_loop3A_443 = arith.addi %get3A_32, %parallel_loop3A_442 : vector<16xi32>
      %parallel_loop3A_444 = tpu.vector_load_idx %arg6[%parallel_loop3A_443] : memref<40960xf32, #tpu.memory_space<vmem>>[vector<16xi32>], vector<16xf32>,
      %parallel_loop3A_445 = arith.constant 0 : i32
      %parallel_loop3A_446 = arith.addi %parallel_loop3A_420, %parallel_loop3A_445 : i32
      %parallel_loop3A_447 = arith.index_cast %parallel_loop3A_446 : i32 to index
      %parallel_loop3A_448 = tpu.vector_load %arg6[%parallel_loop3A_447] {strides = array<i32>} : memref<40960xf32, #tpu.memory_space<vmem>>, vector<16xf32>,
      tpu.vector_store %arg6[%parallel_loop3A_447], %parallel_loop3A_423 {strides = array<i32>} : memref<40960xf32, #tpu.memory_space<vmem>>, vector<16xf32>,
      %parallel_loop3A_449 = arith.constant 16 : i32
      %parallel_loop3A_450 = arith.addi %parallel_loop3A_420, %parallel_loop3A_449 : i32
      %parallel_loop3A_451 = arith.index_cast %parallel_loop3A_450 : i32 to index
      %parallel_loop3A_452 = tpu.vector_load %arg6[%parallel_loop3A_451] {strides = array<i32>} : memref<40960xf32, #tpu.memory_space<vmem>>, vector<16xf32>,
      tpu.vector_store %arg6[%parallel_loop3A_451], %parallel_loop3A_426 {strides = array<i32>} : memref<40960xf32, #tpu.memory_space<vmem>>, vector<16xf32>,
      %parallel_loop3A_453 = arith.constant 32 : i32
      %parallel_loop3A_454 = arith.addi %parallel_loop3A_420, %parallel_loop3A_453 : i32
      %parallel_loop3A_455 = arith.index_cast %parallel_loop3A_454 : i32 to index
      %parallel_loop3A_456 = tpu.vector_load %arg6[%parallel_loop3A_455] {strides = array<i32>} : memref<40960xf32, #tpu.memory_space<vmem>>, vector<16xf32>,
      tpu.vector_store %arg6[%parallel_loop3A_455], %parallel_loop3A_429 {strides = array<i32>} : memref<40960xf32, #tpu.memory_space<vmem>>, vector<16xf32>,
      %parallel_loop3A_457 = arith.constant 48 : i32
      %parallel_loop3A_458 = arith.addi %parallel_loop3A_420, %parallel_loop3A_457 : i32
      %parallel_loop3A_459 = arith.index_cast %parallel_loop3A_458 : i32 to index
      %parallel_loop3A_460 = tpu.vector_load %arg6[%parallel_loop3A_459] {strides = array<i32>} : memref<40960xf32, #tpu.memory_space<vmem>>, vector<16xf32>,
      tpu.vector_store %arg6[%parallel_loop3A_459], %parallel_loop3A_432 {strides = array<i32>} : memref<40960xf32, #tpu.memory_space<vmem>>, vector<16xf32>,
      %parallel_loop3A_461 = arith.constant 64 : i32
      %parallel_loop3A_462 = arith.addi %parallel_loop3A_420, %parallel_loop3A_461 : i32
      %parallel_loop3A_463 = arith.index_cast %parallel_loop3A_462 : i32 to index
      %parallel_loop3A_464 = tpu.vector_load %arg6[%parallel_loop3A_463] {strides = array<i32>} : memref<40960xf32, #tpu.memory_space<vmem>>, vector<16xf32>,
      tpu.vector_store %arg6[%parallel_loop3A_463], %parallel_loop3A_435 {strides = array<i32>} : memref<40960xf32, #tpu.memory_space<vmem>>, vector<16xf32>,
      %parallel_loop3A_465 = arith.constant 80 : i32
      %parallel_loop3A_466 = arith.addi %parallel_loop3A_420, %parallel_loop3A_465 : i32
      %parallel_loop3A_467 = arith.index_cast %parallel_loop3A_466 : i32 to index
      %parallel_loop3A_468 = tpu.vector_load %arg6[%parallel_loop3A_467] {strides = array<i32>} : memref<40960xf32, #tpu.memory_space<vmem>>, vector<16xf32>,
      tpu.vector_store %arg6[%parallel_loop3A_467], %parallel_loop3A_438 {strides = array<i32>} : memref<40960xf32, #tpu.memory_space<vmem>>, vector<16xf32>,
      %parallel_loop3A_469 = arith.constant 96 : i32
      %parallel_loop3A_470 = arith.addi %parallel_loop3A_420, %parallel_loop3A_469 : i32
      %parallel_loop3A_471 = arith.index_cast %parallel_loop3A_470 : i32 to index
      %parallel_loop3A_472 = tpu.vector_load %arg6[%parallel_loop3A_471] {strides = array<i32>} : memref<40960xf32, #tpu.memory_space<vmem>>, vector<16xf32>,
      tpu.vector_store %arg6[%parallel_loop3A_471], %parallel_loop3A_441 {strides = array<i32>} : memref<40960xf32, #tpu.memory_space<vmem>>, vector<16xf32>,
      %parallel_loop3A_473 = arith.constant 112 : i32
      %parallel_loop3A_474 = arith.addi %parallel_loop3A_420, %parallel_loop3A_473 : i32
      %parallel_loop3A_475 = arith.index_cast %parallel_loop3A_474 : i32 to index
      %parallel_loop3A_476 = tpu.vector_load %arg6[%parallel_loop3A_475] {strides = array<i32>} : memref<40960xf32, #tpu.memory_space<vmem>>, vector<16xf32>,
      tpu.vector_store %arg6[%parallel_loop3A_475], %parallel_loop3A_444 {strides = array<i32>} : memref<40960xf32, #tpu.memory_space<vmem>>, vector<16xf32>,
    } {sc.loop_unroll_factor = 4 : i64, sc.parallel_access}
    %add3A_220 = arith.constant 245760 : i32
    %add3A_221 = arith.addi %mul3A_2, %add3A_220 : i32
    %dma_start3A_222 = arith.constant 0 : i32
    %dma_start3A_223 = tpu.memref_slice %arg6[%dma_start3A_222] : memref<40960xf32, #tpu.memory_space<vmem>> -> memref<40960xf32, #tpu.memory_space<vmem>>
    %dma_start3A_224 = tpu.memref_slice %arg4[%add3A_221] : memref<16777216xf32, #tpu.memory_space<hbm>> -> memref<40960xf32, #tpu.memory_space<hbm>>
    %dma_start3A_225 = tpu.memref_slice %arg4[%add3A_221] : memref<16777216xf32, #tpu.memory_space<hbm>> -> memref<40960xf32, #tpu.memory_space<hbm>>
    %dma_start3A_226 = arith.constant 0 : i32
    %dma_start3A_227 = tpu.memref_slice %arg6[%dma_start3A_226] : memref<40960xf32, #tpu.memory_space<vmem>> -> memref<40960xf32, #tpu.memory_space<vmem>>
    tpu.enqueue_dma source(%dma_start3A_227 : memref<40960xf32, #tpu.memory_space<vmem>>) target(%dma_start3A_225 : memref<40960xf32, #tpu.memory_space<hbm>>) target_semaphore(%arg12 : memref<!tpu.dma_semaphore, #tpu.memory_space<semaphore_mem>>)
    %dma_wait3A_228 = arith.constant 0 : i32
    %dma_wait3A_229 = tpu.memref_slice %arg8[%dma_wait3A_228] : memref<40960xf32, #tpu.memory_space<vmem>> -> memref<40960xf32, #tpu.memory_space<vmem>>
    %dma_wait3A_230 = tpu.memref_slice %arg4[%add3A_190] : memref<16777216xf32, #tpu.memory_space<hbm>> -> memref<40960xf32, #tpu.memory_space<hbm>>
    %dma_wait3A_231 = tpu.memref_slice %arg4[%add3A_190] : memref<16777216xf32, #tpu.memory_space<hbm>> -> memref<40960xf32, #tpu.memory_space<hbm>>
    %dma_wait3A_232 = arith.constant 0 : i32
    %dma_wait3A_233 = tpu.memref_slice %arg8[%dma_wait3A_232] : memref<40960xf32, #tpu.memory_space<vmem>> -> memref<40960xf32, #tpu.memory_space<vmem>>
    tpu.wait_dma2 semaphore(%arg14 : memref<!tpu.dma_semaphore, #tpu.memory_space<semaphore_mem>>) src(%dma_wait3A_233 : memref<40960xf32, #tpu.memory_space<vmem>>) dst(%dma_wait3A_231 : memref<40960xf32, #tpu.memory_space<hbm>>)
    %add3A_234 = arith.constant 327680 : i32
    %add3A_235 = arith.addi %mul3A_2, %add3A_234 : i32
    %dma_start3A_236 = arith.constant 0 : i32
    %dma_start3A_237 = tpu.memref_slice %arg8[%dma_start3A_236] : memref<40960xf32, #tpu.memory_space<vmem>> -> memref<40960xf32, #tpu.memory_space<vmem>>
    %dma_start3A_238 = tpu.memref_slice %arg2[%add3A_235] : memref<16777216xf32, #tpu.memory_space<hbm>> -> memref<40960xf32, #tpu.memory_space<hbm>>
    %dma_start3A_239 = arith.constant 0 : i32
    %dma_start3A_240 = tpu.memref_slice %arg8[%dma_start3A_239] : memref<40960xf32, #tpu.memory_space<vmem>> -> memref<40960xf32, #tpu.memory_space<vmem>>
    %dma_start3A_241 = tpu.memref_slice %arg2[%add3A_235] : memref<16777216xf32, #tpu.memory_space<hbm>> -> memref<40960xf32, #tpu.memory_space<hbm>>
    tpu.enqueue_dma source(%dma_start3A_241 : memref<40960xf32, #tpu.memory_space<hbm>>) target(%dma_start3A_240 : memref<40960xf32, #tpu.memory_space<vmem>>) target_semaphore(%arg11 : memref<!tpu.dma_semaphore, #tpu.memory_space<semaphore_mem>>)
    %dma_wait3A_242 = arith.constant 0 : i32
    %dma_wait3A_243 = tpu.memref_slice %arg7[%dma_wait3A_242] : memref<40960xf32, #tpu.memory_space<vmem>> -> memref<40960xf32, #tpu.memory_space<vmem>>
    %dma_wait3A_244 = tpu.memref_slice %arg2[%add3A_204] : memref<16777216xf32, #tpu.memory_space<hbm>> -> memref<40960xf32, #tpu.memory_space<hbm>>
    %dma_wait3A_245 = arith.constant 0 : i32
    %dma_wait3A_246 = tpu.memref_slice %arg7[%dma_wait3A_245] : memref<40960xf32, #tpu.memory_space<vmem>> -> memref<40960xf32, #tpu.memory_space<vmem>>
    %dma_wait3A_247 = tpu.memref_slice %arg2[%add3A_204] : memref<16777216xf32, #tpu.memory_space<hbm>> -> memref<40960xf32, #tpu.memory_space<hbm>>
    tpu.wait_dma2 semaphore(%arg10 : memref<!tpu.dma_semaphore, #tpu.memory_space<semaphore_mem>>) src(%dma_wait3A_247 : memref<40960xf32, #tpu.memory_space<hbm>>) dst(%dma_wait3A_246 : memref<40960xf32, #tpu.memory_space<vmem>>)
    %parallel_loop3A_248 = arith.constant 0 : i32
    %parallel_loop3A_249 = arith.constant 320 : i32
    %parallel_loop3A_250 = arith.constant 1 : i32
    scf.for %parallel_loop3A_418 = %parallel_loop3A_248 to %parallel_loop3A_249 step %parallel_loop3A_250  : i32 {
      %parallel_loop3A_419 = arith.constant 128 : i32
      %parallel_loop3A_420 = arith.muli %parallel_loop3A_418, %parallel_loop3A_419 : i32
      %parallel_loop3A_421 = vector.broadcast %parallel_loop3A_420 : i32 to vector<16xi32>
      %parallel_loop3A_422 = arith.addi %get3A_18, %parallel_loop3A_421 : vector<16xi32>
      %parallel_loop3A_423 = tpu.vector_load_idx %arg7[%parallel_loop3A_422] : memref<40960xf32, #tpu.memory_space<vmem>>[vector<16xi32>], vector<16xf32>,
      %parallel_loop3A_424 = vector.broadcast %parallel_loop3A_420 : i32 to vector<16xi32>
      %parallel_loop3A_425 = arith.addi %get3A_20, %parallel_loop3A_424 : vector<16xi32>
      %parallel_loop3A_426 = tpu.vector_load_idx %arg7[%parallel_loop3A_425] : memref<40960xf32, #tpu.memory_space<vmem>>[vector<16xi32>], vector<16xf32>,
      %parallel_loop3A_427 = vector.broadcast %parallel_loop3A_420 : i32 to vector<16xi32>
      %parallel_loop3A_428 = arith.addi %get3A_22, %parallel_loop3A_427 : vector<16xi32>
      %parallel_loop3A_429 = tpu.vector_load_idx %arg7[%parallel_loop3A_428] : memref<40960xf32, #tpu.memory_space<vmem>>[vector<16xi32>], vector<16xf32>,
      %parallel_loop3A_430 = vector.broadcast %parallel_loop3A_420 : i32 to vector<16xi32>
      %parallel_loop3A_431 = arith.addi %get3A_24, %parallel_loop3A_430 : vector<16xi32>
      %parallel_loop3A_432 = tpu.vector_load_idx %arg7[%parallel_loop3A_431] : memref<40960xf32, #tpu.memory_space<vmem>>[vector<16xi32>], vector<16xf32>,
      %parallel_loop3A_433 = vector.broadcast %parallel_loop3A_420 : i32 to vector<16xi32>
      %parallel_loop3A_434 = arith.addi %get3A_26, %parallel_loop3A_433 : vector<16xi32>
      %parallel_loop3A_435 = tpu.vector_load_idx %arg7[%parallel_loop3A_434] : memref<40960xf32, #tpu.memory_space<vmem>>[vector<16xi32>], vector<16xf32>,
      %parallel_loop3A_436 = vector.broadcast %parallel_loop3A_420 : i32 to vector<16xi32>
      %parallel_loop3A_437 = arith.addi %get3A_28, %parallel_loop3A_436 : vector<16xi32>
      %parallel_loop3A_438 = tpu.vector_load_idx %arg7[%parallel_loop3A_437] : memref<40960xf32, #tpu.memory_space<vmem>>[vector<16xi32>], vector<16xf32>,
      %parallel_loop3A_439 = vector.broadcast %parallel_loop3A_420 : i32 to vector<16xi32>
      %parallel_loop3A_440 = arith.addi %get3A_30, %parallel_loop3A_439 : vector<16xi32>
      %parallel_loop3A_441 = tpu.vector_load_idx %arg7[%parallel_loop3A_440] : memref<40960xf32, #tpu.memory_space<vmem>>[vector<16xi32>], vector<16xf32>,
      %parallel_loop3A_442 = vector.broadcast %parallel_loop3A_420 : i32 to vector<16xi32>
      %parallel_loop3A_443 = arith.addi %get3A_32, %parallel_loop3A_442 : vector<16xi32>
      %parallel_loop3A_444 = tpu.vector_load_idx %arg7[%parallel_loop3A_443] : memref<40960xf32, #tpu.memory_space<vmem>>[vector<16xi32>], vector<16xf32>,
      %parallel_loop3A_445 = arith.constant 0 : i32
      %parallel_loop3A_446 = arith.addi %parallel_loop3A_420, %parallel_loop3A_445 : i32
      %parallel_loop3A_447 = arith.index_cast %parallel_loop3A_446 : i32 to index
      %parallel_loop3A_448 = tpu.vector_load %arg7[%parallel_loop3A_447] {strides = array<i32>} : memref<40960xf32, #tpu.memory_space<vmem>>, vector<16xf32>,
      tpu.vector_store %arg7[%parallel_loop3A_447], %parallel_loop3A_423 {strides = array<i32>} : memref<40960xf32, #tpu.memory_space<vmem>>, vector<16xf32>,
      %parallel_loop3A_449 = arith.constant 16 : i32
      %parallel_loop3A_450 = arith.addi %parallel_loop3A_420, %parallel_loop3A_449 : i32
      %parallel_loop3A_451 = arith.index_cast %parallel_loop3A_450 : i32 to index
      %parallel_loop3A_452 = tpu.vector_load %arg7[%parallel_loop3A_451] {strides = array<i32>} : memref<40960xf32, #tpu.memory_space<vmem>>, vector<16xf32>,
      tpu.vector_store %arg7[%parallel_loop3A_451], %parallel_loop3A_426 {strides = array<i32>} : memref<40960xf32, #tpu.memory_space<vmem>>, vector<16xf32>,
      %parallel_loop3A_453 = arith.constant 32 : i32
      %parallel_loop3A_454 = arith.addi %parallel_loop3A_420, %parallel_loop3A_453 : i32
      %parallel_loop3A_455 = arith.index_cast %parallel_loop3A_454 : i32 to index
      %parallel_loop3A_456 = tpu.vector_load %arg7[%parallel_loop3A_455] {strides = array<i32>} : memref<40960xf32, #tpu.memory_space<vmem>>, vector<16xf32>,
      tpu.vector_store %arg7[%parallel_loop3A_455], %parallel_loop3A_429 {strides = array<i32>} : memref<40960xf32, #tpu.memory_space<vmem>>, vector<16xf32>,
      %parallel_loop3A_457 = arith.constant 48 : i32
      %parallel_loop3A_458 = arith.addi %parallel_loop3A_420, %parallel_loop3A_457 : i32
      %parallel_loop3A_459 = arith.index_cast %parallel_loop3A_458 : i32 to index
      %parallel_loop3A_460 = tpu.vector_load %arg7[%parallel_loop3A_459] {strides = array<i32>} : memref<40960xf32, #tpu.memory_space<vmem>>, vector<16xf32>,
      tpu.vector_store %arg7[%parallel_loop3A_459], %parallel_loop3A_432 {strides = array<i32>} : memref<40960xf32, #tpu.memory_space<vmem>>, vector<16xf32>,
      %parallel_loop3A_461 = arith.constant 64 : i32
      %parallel_loop3A_462 = arith.addi %parallel_loop3A_420, %parallel_loop3A_461 : i32
      %parallel_loop3A_463 = arith.index_cast %parallel_loop3A_462 : i32 to index
      %parallel_loop3A_464 = tpu.vector_load %arg7[%parallel_loop3A_463] {strides = array<i32>} : memref<40960xf32, #tpu.memory_space<vmem>>, vector<16xf32>,
      tpu.vector_store %arg7[%parallel_loop3A_463], %parallel_loop3A_435 {strides = array<i32>} : memref<40960xf32, #tpu.memory_space<vmem>>, vector<16xf32>,
      %parallel_loop3A_465 = arith.constant 80 : i32
      %parallel_loop3A_466 = arith.addi %parallel_loop3A_420, %parallel_loop3A_465 : i32
      %parallel_loop3A_467 = arith.index_cast %parallel_loop3A_466 : i32 to index
      %parallel_loop3A_468 = tpu.vector_load %arg7[%parallel_loop3A_467] {strides = array<i32>} : memref<40960xf32, #tpu.memory_space<vmem>>, vector<16xf32>,
      tpu.vector_store %arg7[%parallel_loop3A_467], %parallel_loop3A_438 {strides = array<i32>} : memref<40960xf32, #tpu.memory_space<vmem>>, vector<16xf32>,
      %parallel_loop3A_469 = arith.constant 96 : i32
      %parallel_loop3A_470 = arith.addi %parallel_loop3A_420, %parallel_loop3A_469 : i32
      %parallel_loop3A_471 = arith.index_cast %parallel_loop3A_470 : i32 to index
      %parallel_loop3A_472 = tpu.vector_load %arg7[%parallel_loop3A_471] {strides = array<i32>} : memref<40960xf32, #tpu.memory_space<vmem>>, vector<16xf32>,
      tpu.vector_store %arg7[%parallel_loop3A_471], %parallel_loop3A_441 {strides = array<i32>} : memref<40960xf32, #tpu.memory_space<vmem>>, vector<16xf32>,
      %parallel_loop3A_473 = arith.constant 112 : i32
      %parallel_loop3A_474 = arith.addi %parallel_loop3A_420, %parallel_loop3A_473 : i32
      %parallel_loop3A_475 = arith.index_cast %parallel_loop3A_474 : i32 to index
      %parallel_loop3A_476 = tpu.vector_load %arg7[%parallel_loop3A_475] {strides = array<i32>} : memref<40960xf32, #tpu.memory_space<vmem>>, vector<16xf32>,
      tpu.vector_store %arg7[%parallel_loop3A_475], %parallel_loop3A_444 {strides = array<i32>} : memref<40960xf32, #tpu.memory_space<vmem>>, vector<16xf32>,
    } {sc.loop_unroll_factor = 4 : i64, sc.parallel_access}
    %add3A_251 = arith.constant 286720 : i32
    %add3A_252 = arith.addi %mul3A_2, %add3A_251 : i32
    %dma_start3A_253 = arith.constant 0 : i32
    %dma_start3A_254 = tpu.memref_slice %arg7[%dma_start3A_253] : memref<40960xf32, #tpu.memory_space<vmem>> -> memref<40960xf32, #tpu.memory_space<vmem>>
    %dma_start3A_255 = tpu.memref_slice %arg4[%add3A_252] : memref<16777216xf32, #tpu.memory_space<hbm>> -> memref<40960xf32, #tpu.memory_space<hbm>>
    %dma_start3A_256 = tpu.memref_slice %arg4[%add3A_252] : memref<16777216xf32, #tpu.memory_space<hbm>> -> memref<40960xf32, #tpu.memory_space<hbm>>
    %dma_start3A_257 = arith.constant 0 : i32
    %dma_start3A_258 = tpu.memref_slice %arg7[%dma_start3A_257] : memref<40960xf32, #tpu.memory_space<vmem>> -> memref<40960xf32, #tpu.memory_space<vmem>>
    tpu.enqueue_dma source(%dma_start3A_258 : memref<40960xf32, #tpu.memory_space<vmem>>) target(%dma_start3A_256 : memref<40960xf32, #tpu.memory_space<hbm>>) target_semaphore(%arg13 : memref<!tpu.dma_semaphore, #tpu.memory_space<semaphore_mem>>)
    %dma_wait3A_259 = arith.constant 0 : i32
    %dma_wait3A_260 = tpu.memref_slice %arg6[%dma_wait3A_259] : memref<40960xf32, #tpu.memory_space<vmem>> -> memref<40960xf32, #tpu.memory_space<vmem>>
    %dma_wait3A_261 = tpu.memref_slice %arg4[%add3A_221] : memref<16777216xf32, #tpu.memory_space<hbm>> -> memref<40960xf32, #tpu.memory_space<hbm>>
    %dma_wait3A_262 = tpu.memref_slice %arg4[%add3A_221] : memref<16777216xf32, #tpu.memory_space<hbm>> -> memref<40960xf32, #tpu.memory_space<hbm>>
    %dma_wait3A_263 = arith.constant 0 : i32
    %dma_wait3A_264 = tpu.memref_slice %arg6[%dma_wait3A_263] : memref<40960xf32, #tpu.memory_space<vmem>> -> memref<40960xf32, #tpu.memory_space<vmem>>
    tpu.wait_dma2 semaphore(%arg12 : memref<!tpu.dma_semaphore, #tpu.memory_space<semaphore_mem>>) src(%dma_wait3A_264 : memref<40960xf32, #tpu.memory_space<vmem>>) dst(%dma_wait3A_262 : memref<40960xf32, #tpu.memory_space<hbm>>)
    %add3A_265 = arith.constant 368640 : i32
    %add3A_266 = arith.addi %mul3A_2, %add3A_265 : i32
    %dma_start3A_267 = arith.constant 0 : i32
    %dma_start3A_268 = tpu.memref_slice %arg6[%dma_start3A_267] : memref<40960xf32, #tpu.memory_space<vmem>> -> memref<40960xf32, #tpu.memory_space<vmem>>
    %dma_start3A_269 = tpu.memref_slice %arg2[%add3A_266] : memref<16777216xf32, #tpu.memory_space<hbm>> -> memref<40960xf32, #tpu.memory_space<hbm>>
    %dma_start3A_270 = arith.constant 0 : i32
    %dma_start3A_271 = tpu.memref_slice %arg6[%dma_start3A_270] : memref<40960xf32, #tpu.memory_space<vmem>> -> memref<40960xf32, #tpu.memory_space<vmem>>
    %dma_start3A_272 = tpu.memref_slice %arg2[%add3A_266] : memref<16777216xf32, #tpu.memory_space<hbm>> -> memref<40960xf32, #tpu.memory_space<hbm>>
    tpu.enqueue_dma source(%dma_start3A_272 : memref<40960xf32, #tpu.memory_space<hbm>>) target(%dma_start3A_271 : memref<40960xf32, #tpu.memory_space<vmem>>) target_semaphore(%arg9 : memref<!tpu.dma_semaphore, #tpu.memory_space<semaphore_mem>>)
    %dma_wait3A_273 = arith.constant 0 : i32
    %dma_wait3A_274 = tpu.memref_slice %arg8[%dma_wait3A_273] : memref<40960xf32, #tpu.memory_space<vmem>> -> memref<40960xf32, #tpu.memory_space<vmem>>
    %dma_wait3A_275 = tpu.memref_slice %arg2[%add3A_235] : memref<16777216xf32, #tpu.memory_space<hbm>> -> memref<40960xf32, #tpu.memory_space<hbm>>
    %dma_wait3A_276 = arith.constant 0 : i32
    %dma_wait3A_277 = tpu.memref_slice %arg8[%dma_wait3A_276] : memref<40960xf32, #tpu.memory_space<vmem>> -> memref<40960xf32, #tpu.memory_space<vmem>>
    %dma_wait3A_278 = tpu.memref_slice %arg2[%add3A_235] : memref<16777216xf32, #tpu.memory_space<hbm>> -> memref<40960xf32, #tpu.memory_space<hbm>>
    tpu.wait_dma2 semaphore(%arg11 : memref<!tpu.dma_semaphore, #tpu.memory_space<semaphore_mem>>) src(%dma_wait3A_278 : memref<40960xf32, #tpu.memory_space<hbm>>) dst(%dma_wait3A_277 : memref<40960xf32, #tpu.memory_space<vmem>>)
    %parallel_loop3A_279 = arith.constant 0 : i32
    %parallel_loop3A_280 = arith.constant 320 : i32
    %parallel_loop3A_281 = arith.constant 1 : i32
    scf.for %parallel_loop3A_418 = %parallel_loop3A_279 to %parallel_loop3A_280 step %parallel_loop3A_281  : i32 {
      %parallel_loop3A_419 = arith.constant 128 : i32
      %parallel_loop3A_420 = arith.muli %parallel_loop3A_418, %parallel_loop3A_419 : i32
      %parallel_loop3A_421 = vector.broadcast %parallel_loop3A_420 : i32 to vector<16xi32>
      %parallel_loop3A_422 = arith.addi %get3A_18, %parallel_loop3A_421 : vector<16xi32>
      %parallel_loop3A_423 = tpu.vector_load_idx %arg8[%parallel_loop3A_422] : memref<40960xf32, #tpu.memory_space<vmem>>[vector<16xi32>], vector<16xf32>,
      %parallel_loop3A_424 = vector.broadcast %parallel_loop3A_420 : i32 to vector<16xi32>
      %parallel_loop3A_425 = arith.addi %get3A_20, %parallel_loop3A_424 : vector<16xi32>
      %parallel_loop3A_426 = tpu.vector_load_idx %arg8[%parallel_loop3A_425] : memref<40960xf32, #tpu.memory_space<vmem>>[vector<16xi32>], vector<16xf32>,
      %parallel_loop3A_427 = vector.broadcast %parallel_loop3A_420 : i32 to vector<16xi32>
      %parallel_loop3A_428 = arith.addi %get3A_22, %parallel_loop3A_427 : vector<16xi32>
      %parallel_loop3A_429 = tpu.vector_load_idx %arg8[%parallel_loop3A_428] : memref<40960xf32, #tpu.memory_space<vmem>>[vector<16xi32>], vector<16xf32>,
      %parallel_loop3A_430 = vector.broadcast %parallel_loop3A_420 : i32 to vector<16xi32>
      %parallel_loop3A_431 = arith.addi %get3A_24, %parallel_loop3A_430 : vector<16xi32>
      %parallel_loop3A_432 = tpu.vector_load_idx %arg8[%parallel_loop3A_431] : memref<40960xf32, #tpu.memory_space<vmem>>[vector<16xi32>], vector<16xf32>,
      %parallel_loop3A_433 = vector.broadcast %parallel_loop3A_420 : i32 to vector<16xi32>
      %parallel_loop3A_434 = arith.addi %get3A_26, %parallel_loop3A_433 : vector<16xi32>
      %parallel_loop3A_435 = tpu.vector_load_idx %arg8[%parallel_loop3A_434] : memref<40960xf32, #tpu.memory_space<vmem>>[vector<16xi32>], vector<16xf32>,
      %parallel_loop3A_436 = vector.broadcast %parallel_loop3A_420 : i32 to vector<16xi32>
      %parallel_loop3A_437 = arith.addi %get3A_28, %parallel_loop3A_436 : vector<16xi32>
      %parallel_loop3A_438 = tpu.vector_load_idx %arg8[%parallel_loop3A_437] : memref<40960xf32, #tpu.memory_space<vmem>>[vector<16xi32>], vector<16xf32>,
      %parallel_loop3A_439 = vector.broadcast %parallel_loop3A_420 : i32 to vector<16xi32>
      %parallel_loop3A_440 = arith.addi %get3A_30, %parallel_loop3A_439 : vector<16xi32>
      %parallel_loop3A_441 = tpu.vector_load_idx %arg8[%parallel_loop3A_440] : memref<40960xf32, #tpu.memory_space<vmem>>[vector<16xi32>], vector<16xf32>,
      %parallel_loop3A_442 = vector.broadcast %parallel_loop3A_420 : i32 to vector<16xi32>
      %parallel_loop3A_443 = arith.addi %get3A_32, %parallel_loop3A_442 : vector<16xi32>
      %parallel_loop3A_444 = tpu.vector_load_idx %arg8[%parallel_loop3A_443] : memref<40960xf32, #tpu.memory_space<vmem>>[vector<16xi32>], vector<16xf32>,
      %parallel_loop3A_445 = arith.constant 0 : i32
      %parallel_loop3A_446 = arith.addi %parallel_loop3A_420, %parallel_loop3A_445 : i32
      %parallel_loop3A_447 = arith.index_cast %parallel_loop3A_446 : i32 to index
      %parallel_loop3A_448 = tpu.vector_load %arg8[%parallel_loop3A_447] {strides = array<i32>} : memref<40960xf32, #tpu.memory_space<vmem>>, vector<16xf32>,
      tpu.vector_store %arg8[%parallel_loop3A_447], %parallel_loop3A_423 {strides = array<i32>} : memref<40960xf32, #tpu.memory_space<vmem>>, vector<16xf32>,
      %parallel_loop3A_449 = arith.constant 16 : i32
      %parallel_loop3A_450 = arith.addi %parallel_loop3A_420, %parallel_loop3A_449 : i32
      %parallel_loop3A_451 = arith.index_cast %parallel_loop3A_450 : i32 to index
      %parallel_loop3A_452 = tpu.vector_load %arg8[%parallel_loop3A_451] {strides = array<i32>} : memref<40960xf32, #tpu.memory_space<vmem>>, vector<16xf32>,
      tpu.vector_store %arg8[%parallel_loop3A_451], %parallel_loop3A_426 {strides = array<i32>} : memref<40960xf32, #tpu.memory_space<vmem>>, vector<16xf32>,
      %parallel_loop3A_453 = arith.constant 32 : i32
      %parallel_loop3A_454 = arith.addi %parallel_loop3A_420, %parallel_loop3A_453 : i32
      %parallel_loop3A_455 = arith.index_cast %parallel_loop3A_454 : i32 to index
      %parallel_loop3A_456 = tpu.vector_load %arg8[%parallel_loop3A_455] {strides = array<i32>} : memref<40960xf32, #tpu.memory_space<vmem>>, vector<16xf32>,
      tpu.vector_store %arg8[%parallel_loop3A_455], %parallel_loop3A_429 {strides = array<i32>} : memref<40960xf32, #tpu.memory_space<vmem>>, vector<16xf32>,
      %parallel_loop3A_457 = arith.constant 48 : i32
      %parallel_loop3A_458 = arith.addi %parallel_loop3A_420, %parallel_loop3A_457 : i32
      %parallel_loop3A_459 = arith.index_cast %parallel_loop3A_458 : i32 to index
      %parallel_loop3A_460 = tpu.vector_load %arg8[%parallel_loop3A_459] {strides = array<i32>} : memref<40960xf32, #tpu.memory_space<vmem>>, vector<16xf32>,
      tpu.vector_store %arg8[%parallel_loop3A_459], %parallel_loop3A_432 {strides = array<i32>} : memref<40960xf32, #tpu.memory_space<vmem>>, vector<16xf32>,
      %parallel_loop3A_461 = arith.constant 64 : i32
      %parallel_loop3A_462 = arith.addi %parallel_loop3A_420, %parallel_loop3A_461 : i32
      %parallel_loop3A_463 = arith.index_cast %parallel_loop3A_462 : i32 to index
      %parallel_loop3A_464 = tpu.vector_load %arg8[%parallel_loop3A_463] {strides = array<i32>} : memref<40960xf32, #tpu.memory_space<vmem>>, vector<16xf32>,
      tpu.vector_store %arg8[%parallel_loop3A_463], %parallel_loop3A_435 {strides = array<i32>} : memref<40960xf32, #tpu.memory_space<vmem>>, vector<16xf32>,
      %parallel_loop3A_465 = arith.constant 80 : i32
      %parallel_loop3A_466 = arith.addi %parallel_loop3A_420, %parallel_loop3A_465 : i32
      %parallel_loop3A_467 = arith.index_cast %parallel_loop3A_466 : i32 to index
      %parallel_loop3A_468 = tpu.vector_load %arg8[%parallel_loop3A_467] {strides = array<i32>} : memref<40960xf32, #tpu.memory_space<vmem>>, vector<16xf32>,
      tpu.vector_store %arg8[%parallel_loop3A_467], %parallel_loop3A_438 {strides = array<i32>} : memref<40960xf32, #tpu.memory_space<vmem>>, vector<16xf32>,
      %parallel_loop3A_469 = arith.constant 96 : i32
      %parallel_loop3A_470 = arith.addi %parallel_loop3A_420, %parallel_loop3A_469 : i32
      %parallel_loop3A_471 = arith.index_cast %parallel_loop3A_470 : i32 to index
      %parallel_loop3A_472 = tpu.vector_load %arg8[%parallel_loop3A_471] {strides = array<i32>} : memref<40960xf32, #tpu.memory_space<vmem>>, vector<16xf32>,
      tpu.vector_store %arg8[%parallel_loop3A_471], %parallel_loop3A_441 {strides = array<i32>} : memref<40960xf32, #tpu.memory_space<vmem>>, vector<16xf32>,
      %parallel_loop3A_473 = arith.constant 112 : i32
      %parallel_loop3A_474 = arith.addi %parallel_loop3A_420, %parallel_loop3A_473 : i32
      %parallel_loop3A_475 = arith.index_cast %parallel_loop3A_474 : i32 to index
      %parallel_loop3A_476 = tpu.vector_load %arg8[%parallel_loop3A_475] {strides = array<i32>} : memref<40960xf32, #tpu.memory_space<vmem>>, vector<16xf32>,
      tpu.vector_store %arg8[%parallel_loop3A_475], %parallel_loop3A_444 {strides = array<i32>} : memref<40960xf32, #tpu.memory_space<vmem>>, vector<16xf32>,
    } {sc.loop_unroll_factor = 4 : i64, sc.parallel_access}
    %add3A_282 = arith.constant 327680 : i32
    %add3A_283 = arith.addi %mul3A_2, %add3A_282 : i32
    %dma_start3A_284 = arith.constant 0 : i32
    %dma_start3A_285 = tpu.memref_slice %arg8[%dma_start3A_284] : memref<40960xf32, #tpu.memory_space<vmem>> -> memref<40960xf32, #tpu.memory_space<vmem>>
    %dma_start3A_286 = tpu.memref_slice %arg4[%add3A_283] : memref<16777216xf32, #tpu.memory_space<hbm>> -> memref<40960xf32, #tpu.memory_space<hbm>>
    %dma_start3A_287 = tpu.memref_slice %arg4[%add3A_283] : memref<16777216xf32, #tpu.memory_space<hbm>> -> memref<40960xf32, #tpu.memory_space<hbm>>
    %dma_start3A_288 = arith.constant 0 : i32
    %dma_start3A_289 = tpu.memref_slice %arg8[%dma_start3A_288] : memref<40960xf32, #tpu.memory_space<vmem>> -> memref<40960xf32, #tpu.memory_space<vmem>>
    tpu.enqueue_dma source(%dma_start3A_289 : memref<40960xf32, #tpu.memory_space<vmem>>) target(%dma_start3A_287 : memref<40960xf32, #tpu.memory_space<hbm>>) target_semaphore(%arg14 : memref<!tpu.dma_semaphore, #tpu.memory_space<semaphore_mem>>)
    %dma_wait3A_290 = arith.constant 0 : i32
    %dma_wait3A_291 = tpu.memref_slice %arg7[%dma_wait3A_290] : memref<40960xf32, #tpu.memory_space<vmem>> -> memref<40960xf32, #tpu.memory_space<vmem>>
    %dma_wait3A_292 = tpu.memref_slice %arg4[%add3A_252] : memref<16777216xf32, #tpu.memory_space<hbm>> -> memref<40960xf32, #tpu.memory_space<hbm>>
    %dma_wait3A_293 = tpu.memref_slice %arg4[%add3A_252] : memref<16777216xf32, #tpu.memory_space<hbm>> -> memref<40960xf32, #tpu.memory_space<hbm>>
    %dma_wait3A_294 = arith.constant 0 : i32
    %dma_wait3A_295 = tpu.memref_slice %arg7[%dma_wait3A_294] : memref<40960xf32, #tpu.memory_space<vmem>> -> memref<40960xf32, #tpu.memory_space<vmem>>
    tpu.wait_dma2 semaphore(%arg13 : memref<!tpu.dma_semaphore, #tpu.memory_space<semaphore_mem>>) src(%dma_wait3A_295 : memref<40960xf32, #tpu.memory_space<vmem>>) dst(%dma_wait3A_293 : memref<40960xf32, #tpu.memory_space<hbm>>)
    %add3A_296 = arith.constant 409600 : i32
    %add3A_297 = arith.addi %mul3A_2, %add3A_296 : i32
    %dma_start3A_298 = arith.constant 0 : i32
    %dma_start3A_299 = tpu.memref_slice %arg7[%dma_start3A_298] : memref<40960xf32, #tpu.memory_space<vmem>> -> memref<40960xf32, #tpu.memory_space<vmem>>
    %dma_start3A_300 = tpu.memref_slice %arg2[%add3A_297] : memref<16777216xf32, #tpu.memory_space<hbm>> -> memref<40960xf32, #tpu.memory_space<hbm>>
    %dma_start3A_301 = arith.constant 0 : i32
    %dma_start3A_302 = tpu.memref_slice %arg7[%dma_start3A_301] : memref<40960xf32, #tpu.memory_space<vmem>> -> memref<40960xf32, #tpu.memory_space<vmem>>
    %dma_start3A_303 = tpu.memref_slice %arg2[%add3A_297] : memref<16777216xf32, #tpu.memory_space<hbm>> -> memref<40960xf32, #tpu.memory_space<hbm>>
    tpu.enqueue_dma source(%dma_start3A_303 : memref<40960xf32, #tpu.memory_space<hbm>>) target(%dma_start3A_302 : memref<40960xf32, #tpu.memory_space<vmem>>) target_semaphore(%arg10 : memref<!tpu.dma_semaphore, #tpu.memory_space<semaphore_mem>>)
    %dma_wait3A_304 = arith.constant 0 : i32
    %dma_wait3A_305 = tpu.memref_slice %arg6[%dma_wait3A_304] : memref<40960xf32, #tpu.memory_space<vmem>> -> memref<40960xf32, #tpu.memory_space<vmem>>
    %dma_wait3A_306 = tpu.memref_slice %arg2[%add3A_266] : memref<16777216xf32, #tpu.memory_space<hbm>> -> memref<40960xf32, #tpu.memory_space<hbm>>
    %dma_wait3A_307 = arith.constant 0 : i32
    %dma_wait3A_308 = tpu.memref_slice %arg6[%dma_wait3A_307] : memref<40960xf32, #tpu.memory_space<vmem>> -> memref<40960xf32, #tpu.memory_space<vmem>>
    %dma_wait3A_309 = tpu.memref_slice %arg2[%add3A_266] : memref<16777216xf32, #tpu.memory_space<hbm>> -> memref<40960xf32, #tpu.memory_space<hbm>>
    tpu.wait_dma2 semaphore(%arg9 : memref<!tpu.dma_semaphore, #tpu.memory_space<semaphore_mem>>) src(%dma_wait3A_309 : memref<40960xf32, #tpu.memory_space<hbm>>) dst(%dma_wait3A_308 : memref<40960xf32, #tpu.memory_space<vmem>>)
    %parallel_loop3A_310 = arith.constant 0 : i32
    %parallel_loop3A_311 = arith.constant 320 : i32
    %parallel_loop3A_312 = arith.constant 1 : i32
    scf.for %parallel_loop3A_418 = %parallel_loop3A_310 to %parallel_loop3A_311 step %parallel_loop3A_312  : i32 {
      %parallel_loop3A_419 = arith.constant 128 : i32
      %parallel_loop3A_420 = arith.muli %parallel_loop3A_418, %parallel_loop3A_419 : i32
      %parallel_loop3A_421 = vector.broadcast %parallel_loop3A_420 : i32 to vector<16xi32>
      %parallel_loop3A_422 = arith.addi %get3A_18, %parallel_loop3A_421 : vector<16xi32>
      %parallel_loop3A_423 = tpu.vector_load_idx %arg6[%parallel_loop3A_422] : memref<40960xf32, #tpu.memory_space<vmem>>[vector<16xi32>], vector<16xf32>,
      %parallel_loop3A_424 = vector.broadcast %parallel_loop3A_420 : i32 to vector<16xi32>
      %parallel_loop3A_425 = arith.addi %get3A_20, %parallel_loop3A_424 : vector<16xi32>
      %parallel_loop3A_426 = tpu.vector_load_idx %arg6[%parallel_loop3A_425] : memref<40960xf32, #tpu.memory_space<vmem>>[vector<16xi32>], vector<16xf32>,
      %parallel_loop3A_427 = vector.broadcast %parallel_loop3A_420 : i32 to vector<16xi32>
      %parallel_loop3A_428 = arith.addi %get3A_22, %parallel_loop3A_427 : vector<16xi32>
      %parallel_loop3A_429 = tpu.vector_load_idx %arg6[%parallel_loop3A_428] : memref<40960xf32, #tpu.memory_space<vmem>>[vector<16xi32>], vector<16xf32>,
      %parallel_loop3A_430 = vector.broadcast %parallel_loop3A_420 : i32 to vector<16xi32>
      %parallel_loop3A_431 = arith.addi %get3A_24, %parallel_loop3A_430 : vector<16xi32>
      %parallel_loop3A_432 = tpu.vector_load_idx %arg6[%parallel_loop3A_431] : memref<40960xf32, #tpu.memory_space<vmem>>[vector<16xi32>], vector<16xf32>,
      %parallel_loop3A_433 = vector.broadcast %parallel_loop3A_420 : i32 to vector<16xi32>
      %parallel_loop3A_434 = arith.addi %get3A_26, %parallel_loop3A_433 : vector<16xi32>
      %parallel_loop3A_435 = tpu.vector_load_idx %arg6[%parallel_loop3A_434] : memref<40960xf32, #tpu.memory_space<vmem>>[vector<16xi32>], vector<16xf32>,
      %parallel_loop3A_436 = vector.broadcast %parallel_loop3A_420 : i32 to vector<16xi32>
      %parallel_loop3A_437 = arith.addi %get3A_28, %parallel_loop3A_436 : vector<16xi32>
      %parallel_loop3A_438 = tpu.vector_load_idx %arg6[%parallel_loop3A_437] : memref<40960xf32, #tpu.memory_space<vmem>>[vector<16xi32>], vector<16xf32>,
      %parallel_loop3A_439 = vector.broadcast %parallel_loop3A_420 : i32 to vector<16xi32>
      %parallel_loop3A_440 = arith.addi %get3A_30, %parallel_loop3A_439 : vector<16xi32>
      %parallel_loop3A_441 = tpu.vector_load_idx %arg6[%parallel_loop3A_440] : memref<40960xf32, #tpu.memory_space<vmem>>[vector<16xi32>], vector<16xf32>,
      %parallel_loop3A_442 = vector.broadcast %parallel_loop3A_420 : i32 to vector<16xi32>
      %parallel_loop3A_443 = arith.addi %get3A_32, %parallel_loop3A_442 : vector<16xi32>
      %parallel_loop3A_444 = tpu.vector_load_idx %arg6[%parallel_loop3A_443] : memref<40960xf32, #tpu.memory_space<vmem>>[vector<16xi32>], vector<16xf32>,
      %parallel_loop3A_445 = arith.constant 0 : i32
      %parallel_loop3A_446 = arith.addi %parallel_loop3A_420, %parallel_loop3A_445 : i32
      %parallel_loop3A_447 = arith.index_cast %parallel_loop3A_446 : i32 to index
      %parallel_loop3A_448 = tpu.vector_load %arg6[%parallel_loop3A_447] {strides = array<i32>} : memref<40960xf32, #tpu.memory_space<vmem>>, vector<16xf32>,
      tpu.vector_store %arg6[%parallel_loop3A_447], %parallel_loop3A_423 {strides = array<i32>} : memref<40960xf32, #tpu.memory_space<vmem>>, vector<16xf32>,
      %parallel_loop3A_449 = arith.constant 16 : i32
      %parallel_loop3A_450 = arith.addi %parallel_loop3A_420, %parallel_loop3A_449 : i32
      %parallel_loop3A_451 = arith.index_cast %parallel_loop3A_450 : i32 to index
      %parallel_loop3A_452 = tpu.vector_load %arg6[%parallel_loop3A_451] {strides = array<i32>} : memref<40960xf32, #tpu.memory_space<vmem>>, vector<16xf32>,
      tpu.vector_store %arg6[%parallel_loop3A_451], %parallel_loop3A_426 {strides = array<i32>} : memref<40960xf32, #tpu.memory_space<vmem>>, vector<16xf32>,
      %parallel_loop3A_453 = arith.constant 32 : i32
      %parallel_loop3A_454 = arith.addi %parallel_loop3A_420, %parallel_loop3A_453 : i32
      %parallel_loop3A_455 = arith.index_cast %parallel_loop3A_454 : i32 to index
      %parallel_loop3A_456 = tpu.vector_load %arg6[%parallel_loop3A_455] {strides = array<i32>} : memref<40960xf32, #tpu.memory_space<vmem>>, vector<16xf32>,
      tpu.vector_store %arg6[%parallel_loop3A_455], %parallel_loop3A_429 {strides = array<i32>} : memref<40960xf32, #tpu.memory_space<vmem>>, vector<16xf32>,
      %parallel_loop3A_457 = arith.constant 48 : i32
      %parallel_loop3A_458 = arith.addi %parallel_loop3A_420, %parallel_loop3A_457 : i32
      %parallel_loop3A_459 = arith.index_cast %parallel_loop3A_458 : i32 to index
      %parallel_loop3A_460 = tpu.vector_load %arg6[%parallel_loop3A_459] {strides = array<i32>} : memref<40960xf32, #tpu.memory_space<vmem>>, vector<16xf32>,
      tpu.vector_store %arg6[%parallel_loop3A_459], %parallel_loop3A_432 {strides = array<i32>} : memref<40960xf32, #tpu.memory_space<vmem>>, vector<16xf32>,
      %parallel_loop3A_461 = arith.constant 64 : i32
      %parallel_loop3A_462 = arith.addi %parallel_loop3A_420, %parallel_loop3A_461 : i32
      %parallel_loop3A_463 = arith.index_cast %parallel_loop3A_462 : i32 to index
      %parallel_loop3A_464 = tpu.vector_load %arg6[%parallel_loop3A_463] {strides = array<i32>} : memref<40960xf32, #tpu.memory_space<vmem>>, vector<16xf32>,
      tpu.vector_store %arg6[%parallel_loop3A_463], %parallel_loop3A_435 {strides = array<i32>} : memref<40960xf32, #tpu.memory_space<vmem>>, vector<16xf32>,
      %parallel_loop3A_465 = arith.constant 80 : i32
      %parallel_loop3A_466 = arith.addi %parallel_loop3A_420, %parallel_loop3A_465 : i32
      %parallel_loop3A_467 = arith.index_cast %parallel_loop3A_466 : i32 to index
      %parallel_loop3A_468 = tpu.vector_load %arg6[%parallel_loop3A_467] {strides = array<i32>} : memref<40960xf32, #tpu.memory_space<vmem>>, vector<16xf32>,
      tpu.vector_store %arg6[%parallel_loop3A_467], %parallel_loop3A_438 {strides = array<i32>} : memref<40960xf32, #tpu.memory_space<vmem>>, vector<16xf32>,
      %parallel_loop3A_469 = arith.constant 96 : i32
      %parallel_loop3A_470 = arith.addi %parallel_loop3A_420, %parallel_loop3A_469 : i32
      %parallel_loop3A_471 = arith.index_cast %parallel_loop3A_470 : i32 to index
      %parallel_loop3A_472 = tpu.vector_load %arg6[%parallel_loop3A_471] {strides = array<i32>} : memref<40960xf32, #tpu.memory_space<vmem>>, vector<16xf32>,
      tpu.vector_store %arg6[%parallel_loop3A_471], %parallel_loop3A_441 {strides = array<i32>} : memref<40960xf32, #tpu.memory_space<vmem>>, vector<16xf32>,
      %parallel_loop3A_473 = arith.constant 112 : i32
      %parallel_loop3A_474 = arith.addi %parallel_loop3A_420, %parallel_loop3A_473 : i32
      %parallel_loop3A_475 = arith.index_cast %parallel_loop3A_474 : i32 to index
      %parallel_loop3A_476 = tpu.vector_load %arg6[%parallel_loop3A_475] {strides = array<i32>} : memref<40960xf32, #tpu.memory_space<vmem>>, vector<16xf32>,
      tpu.vector_store %arg6[%parallel_loop3A_475], %parallel_loop3A_444 {strides = array<i32>} : memref<40960xf32, #tpu.memory_space<vmem>>, vector<16xf32>,
    } {sc.loop_unroll_factor = 4 : i64, sc.parallel_access}
    %add3A_313 = arith.constant 368640 : i32
    %add3A_314 = arith.addi %mul3A_2, %add3A_313 : i32
    %dma_start3A_315 = arith.constant 0 : i32
    %dma_start3A_316 = tpu.memref_slice %arg6[%dma_start3A_315] : memref<40960xf32, #tpu.memory_space<vmem>> -> memref<40960xf32, #tpu.memory_space<vmem>>
    %dma_start3A_317 = tpu.memref_slice %arg4[%add3A_314] : memref<16777216xf32, #tpu.memory_space<hbm>> -> memref<40960xf32, #tpu.memory_space<hbm>>
    %dma_start3A_318 = tpu.memref_slice %arg4[%add3A_314] : memref<16777216xf32, #tpu.memory_space<hbm>> -> memref<40960xf32, #tpu.memory_space<hbm>>
    %dma_start3A_319 = arith.constant 0 : i32
    %dma_start3A_320 = tpu.memref_slice %arg6[%dma_start3A_319] : memref<40960xf32, #tpu.memory_space<vmem>> -> memref<40960xf32, #tpu.memory_space<vmem>>
    tpu.enqueue_dma source(%dma_start3A_320 : memref<40960xf32, #tpu.memory_space<vmem>>) target(%dma_start3A_318 : memref<40960xf32, #tpu.memory_space<hbm>>) target_semaphore(%arg12 : memref<!tpu.dma_semaphore, #tpu.memory_space<semaphore_mem>>)
    %dma_wait3A_321 = arith.constant 0 : i32
    %dma_wait3A_322 = tpu.memref_slice %arg8[%dma_wait3A_321] : memref<40960xf32, #tpu.memory_space<vmem>> -> memref<40960xf32, #tpu.memory_space<vmem>>
    %dma_wait3A_323 = tpu.memref_slice %arg4[%add3A_283] : memref<16777216xf32, #tpu.memory_space<hbm>> -> memref<40960xf32, #tpu.memory_space<hbm>>
    %dma_wait3A_324 = tpu.memref_slice %arg4[%add3A_283] : memref<16777216xf32, #tpu.memory_space<hbm>> -> memref<40960xf32, #tpu.memory_space<hbm>>
    %dma_wait3A_325 = arith.constant 0 : i32
    %dma_wait3A_326 = tpu.memref_slice %arg8[%dma_wait3A_325] : memref<40960xf32, #tpu.memory_space<vmem>> -> memref<40960xf32, #tpu.memory_space<vmem>>
    tpu.wait_dma2 semaphore(%arg14 : memref<!tpu.dma_semaphore, #tpu.memory_space<semaphore_mem>>) src(%dma_wait3A_326 : memref<40960xf32, #tpu.memory_space<vmem>>) dst(%dma_wait3A_324 : memref<40960xf32, #tpu.memory_space<hbm>>)
    %add3A_327 = arith.constant 450560 : i32
    %add3A_328 = arith.addi %mul3A_2, %add3A_327 : i32
    %dma_start3A_329 = arith.constant 0 : i32
    %dma_start3A_330 = tpu.memref_slice %arg8[%dma_start3A_329] : memref<40960xf32, #tpu.memory_space<vmem>> -> memref<40960xf32, #tpu.memory_space<vmem>>
    %dma_start3A_331 = tpu.memref_slice %arg2[%add3A_328] : memref<16777216xf32, #tpu.memory_space<hbm>> -> memref<40960xf32, #tpu.memory_space<hbm>>
    %dma_start3A_332 = arith.constant 0 : i32
    %dma_start3A_333 = tpu.memref_slice %arg8[%dma_start3A_332] : memref<40960xf32, #tpu.memory_space<vmem>> -> memref<40960xf32, #tpu.memory_space<vmem>>
    %dma_start3A_334 = tpu.memref_slice %arg2[%add3A_328] : memref<16777216xf32, #tpu.memory_space<hbm>> -> memref<40960xf32, #tpu.memory_space<hbm>>
    tpu.enqueue_dma source(%dma_start3A_334 : memref<40960xf32, #tpu.memory_space<hbm>>) target(%dma_start3A_333 : memref<40960xf32, #tpu.memory_space<vmem>>) target_semaphore(%arg11 : memref<!tpu.dma_semaphore, #tpu.memory_space<semaphore_mem>>)
    %dma_wait3A_335 = arith.constant 0 : i32
    %dma_wait3A_336 = tpu.memref_slice %arg7[%dma_wait3A_335] : memref<40960xf32, #tpu.memory_space<vmem>> -> memref<40960xf32, #tpu.memory_space<vmem>>
    %dma_wait3A_337 = tpu.memref_slice %arg2[%add3A_297] : memref<16777216xf32, #tpu.memory_space<hbm>> -> memref<40960xf32, #tpu.memory_space<hbm>>
    %dma_wait3A_338 = arith.constant 0 : i32
    %dma_wait3A_339 = tpu.memref_slice %arg7[%dma_wait3A_338] : memref<40960xf32, #tpu.memory_space<vmem>> -> memref<40960xf32, #tpu.memory_space<vmem>>
    %dma_wait3A_340 = tpu.memref_slice %arg2[%add3A_297] : memref<16777216xf32, #tpu.memory_space<hbm>> -> memref<40960xf32, #tpu.memory_space<hbm>>
    tpu.wait_dma2 semaphore(%arg10 : memref<!tpu.dma_semaphore, #tpu.memory_space<semaphore_mem>>) src(%dma_wait3A_340 : memref<40960xf32, #tpu.memory_space<hbm>>) dst(%dma_wait3A_339 : memref<40960xf32, #tpu.memory_space<vmem>>)
    %parallel_loop3A_341 = arith.constant 0 : i32
    %parallel_loop3A_342 = arith.constant 320 : i32
    %parallel_loop3A_343 = arith.constant 1 : i32
    scf.for %parallel_loop3A_418 = %parallel_loop3A_341 to %parallel_loop3A_342 step %parallel_loop3A_343  : i32 {
      %parallel_loop3A_419 = arith.constant 128 : i32
      %parallel_loop3A_420 = arith.muli %parallel_loop3A_418, %parallel_loop3A_419 : i32
      %parallel_loop3A_421 = vector.broadcast %parallel_loop3A_420 : i32 to vector<16xi32>
      %parallel_loop3A_422 = arith.addi %get3A_18, %parallel_loop3A_421 : vector<16xi32>
      %parallel_loop3A_423 = tpu.vector_load_idx %arg7[%parallel_loop3A_422] : memref<40960xf32, #tpu.memory_space<vmem>>[vector<16xi32>], vector<16xf32>,
      %parallel_loop3A_424 = vector.broadcast %parallel_loop3A_420 : i32 to vector<16xi32>
      %parallel_loop3A_425 = arith.addi %get3A_20, %parallel_loop3A_424 : vector<16xi32>
      %parallel_loop3A_426 = tpu.vector_load_idx %arg7[%parallel_loop3A_425] : memref<40960xf32, #tpu.memory_space<vmem>>[vector<16xi32>], vector<16xf32>,
      %parallel_loop3A_427 = vector.broadcast %parallel_loop3A_420 : i32 to vector<16xi32>
      %parallel_loop3A_428 = arith.addi %get3A_22, %parallel_loop3A_427 : vector<16xi32>
      %parallel_loop3A_429 = tpu.vector_load_idx %arg7[%parallel_loop3A_428] : memref<40960xf32, #tpu.memory_space<vmem>>[vector<16xi32>], vector<16xf32>,
      %parallel_loop3A_430 = vector.broadcast %parallel_loop3A_420 : i32 to vector<16xi32>
      %parallel_loop3A_431 = arith.addi %get3A_24, %parallel_loop3A_430 : vector<16xi32>
      %parallel_loop3A_432 = tpu.vector_load_idx %arg7[%parallel_loop3A_431] : memref<40960xf32, #tpu.memory_space<vmem>>[vector<16xi32>], vector<16xf32>,
      %parallel_loop3A_433 = vector.broadcast %parallel_loop3A_420 : i32 to vector<16xi32>
      %parallel_loop3A_434 = arith.addi %get3A_26, %parallel_loop3A_433 : vector<16xi32>
      %parallel_loop3A_435 = tpu.vector_load_idx %arg7[%parallel_loop3A_434] : memref<40960xf32, #tpu.memory_space<vmem>>[vector<16xi32>], vector<16xf32>,
      %parallel_loop3A_436 = vector.broadcast %parallel_loop3A_420 : i32 to vector<16xi32>
      %parallel_loop3A_437 = arith.addi %get3A_28, %parallel_loop3A_436 : vector<16xi32>
      %parallel_loop3A_438 = tpu.vector_load_idx %arg7[%parallel_loop3A_437] : memref<40960xf32, #tpu.memory_space<vmem>>[vector<16xi32>], vector<16xf32>,
      %parallel_loop3A_439 = vector.broadcast %parallel_loop3A_420 : i32 to vector<16xi32>
      %parallel_loop3A_440 = arith.addi %get3A_30, %parallel_loop3A_439 : vector<16xi32>
      %parallel_loop3A_441 = tpu.vector_load_idx %arg7[%parallel_loop3A_440] : memref<40960xf32, #tpu.memory_space<vmem>>[vector<16xi32>], vector<16xf32>,
      %parallel_loop3A_442 = vector.broadcast %parallel_loop3A_420 : i32 to vector<16xi32>
      %parallel_loop3A_443 = arith.addi %get3A_32, %parallel_loop3A_442 : vector<16xi32>
      %parallel_loop3A_444 = tpu.vector_load_idx %arg7[%parallel_loop3A_443] : memref<40960xf32, #tpu.memory_space<vmem>>[vector<16xi32>], vector<16xf32>,
      %parallel_loop3A_445 = arith.constant 0 : i32
      %parallel_loop3A_446 = arith.addi %parallel_loop3A_420, %parallel_loop3A_445 : i32
      %parallel_loop3A_447 = arith.index_cast %parallel_loop3A_446 : i32 to index
      %parallel_loop3A_448 = tpu.vector_load %arg7[%parallel_loop3A_447] {strides = array<i32>} : memref<40960xf32, #tpu.memory_space<vmem>>, vector<16xf32>,
      tpu.vector_store %arg7[%parallel_loop3A_447], %parallel_loop3A_423 {strides = array<i32>} : memref<40960xf32, #tpu.memory_space<vmem>>, vector<16xf32>,
      %parallel_loop3A_449 = arith.constant 16 : i32
      %parallel_loop3A_450 = arith.addi %parallel_loop3A_420, %parallel_loop3A_449 : i32
      %parallel_loop3A_451 = arith.index_cast %parallel_loop3A_450 : i32 to index
      %parallel_loop3A_452 = tpu.vector_load %arg7[%parallel_loop3A_451] {strides = array<i32>} : memref<40960xf32, #tpu.memory_space<vmem>>, vector<16xf32>,
      tpu.vector_store %arg7[%parallel_loop3A_451], %parallel_loop3A_426 {strides = array<i32>} : memref<40960xf32, #tpu.memory_space<vmem>>, vector<16xf32>,
      %parallel_loop3A_453 = arith.constant 32 : i32
      %parallel_loop3A_454 = arith.addi %parallel_loop3A_420, %parallel_loop3A_453 : i32
      %parallel_loop3A_455 = arith.index_cast %parallel_loop3A_454 : i32 to index
      %parallel_loop3A_456 = tpu.vector_load %arg7[%parallel_loop3A_455] {strides = array<i32>} : memref<40960xf32, #tpu.memory_space<vmem>>, vector<16xf32>,
      tpu.vector_store %arg7[%parallel_loop3A_455], %parallel_loop3A_429 {strides = array<i32>} : memref<40960xf32, #tpu.memory_space<vmem>>, vector<16xf32>,
      %parallel_loop3A_457 = arith.constant 48 : i32
      %parallel_loop3A_458 = arith.addi %parallel_loop3A_420, %parallel_loop3A_457 : i32
      %parallel_loop3A_459 = arith.index_cast %parallel_loop3A_458 : i32 to index
      %parallel_loop3A_460 = tpu.vector_load %arg7[%parallel_loop3A_459] {strides = array<i32>} : memref<40960xf32, #tpu.memory_space<vmem>>, vector<16xf32>,
      tpu.vector_store %arg7[%parallel_loop3A_459], %parallel_loop3A_432 {strides = array<i32>} : memref<40960xf32, #tpu.memory_space<vmem>>, vector<16xf32>,
      %parallel_loop3A_461 = arith.constant 64 : i32
      %parallel_loop3A_462 = arith.addi %parallel_loop3A_420, %parallel_loop3A_461 : i32
      %parallel_loop3A_463 = arith.index_cast %parallel_loop3A_462 : i32 to index
      %parallel_loop3A_464 = tpu.vector_load %arg7[%parallel_loop3A_463] {strides = array<i32>} : memref<40960xf32, #tpu.memory_space<vmem>>, vector<16xf32>,
      tpu.vector_store %arg7[%parallel_loop3A_463], %parallel_loop3A_435 {strides = array<i32>} : memref<40960xf32, #tpu.memory_space<vmem>>, vector<16xf32>,
      %parallel_loop3A_465 = arith.constant 80 : i32
      %parallel_loop3A_466 = arith.addi %parallel_loop3A_420, %parallel_loop3A_465 : i32
      %parallel_loop3A_467 = arith.index_cast %parallel_loop3A_466 : i32 to index
      %parallel_loop3A_468 = tpu.vector_load %arg7[%parallel_loop3A_467] {strides = array<i32>} : memref<40960xf32, #tpu.memory_space<vmem>>, vector<16xf32>,
      tpu.vector_store %arg7[%parallel_loop3A_467], %parallel_loop3A_438 {strides = array<i32>} : memref<40960xf32, #tpu.memory_space<vmem>>, vector<16xf32>,
      %parallel_loop3A_469 = arith.constant 96 : i32
      %parallel_loop3A_470 = arith.addi %parallel_loop3A_420, %parallel_loop3A_469 : i32
      %parallel_loop3A_471 = arith.index_cast %parallel_loop3A_470 : i32 to index
      %parallel_loop3A_472 = tpu.vector_load %arg7[%parallel_loop3A_471] {strides = array<i32>} : memref<40960xf32, #tpu.memory_space<vmem>>, vector<16xf32>,
      tpu.vector_store %arg7[%parallel_loop3A_471], %parallel_loop3A_441 {strides = array<i32>} : memref<40960xf32, #tpu.memory_space<vmem>>, vector<16xf32>,
      %parallel_loop3A_473 = arith.constant 112 : i32
      %parallel_loop3A_474 = arith.addi %parallel_loop3A_420, %parallel_loop3A_473 : i32
      %parallel_loop3A_475 = arith.index_cast %parallel_loop3A_474 : i32 to index
      %parallel_loop3A_476 = tpu.vector_load %arg7[%parallel_loop3A_475] {strides = array<i32>} : memref<40960xf32, #tpu.memory_space<vmem>>, vector<16xf32>,
      tpu.vector_store %arg7[%parallel_loop3A_475], %parallel_loop3A_444 {strides = array<i32>} : memref<40960xf32, #tpu.memory_space<vmem>>, vector<16xf32>,
    } {sc.loop_unroll_factor = 4 : i64, sc.parallel_access}
    %add3A_344 = arith.constant 409600 : i32
    %add3A_345 = arith.addi %mul3A_2, %add3A_344 : i32
    %dma_start3A_346 = arith.constant 0 : i32
    %dma_start3A_347 = tpu.memref_slice %arg7[%dma_start3A_346] : memref<40960xf32, #tpu.memory_space<vmem>> -> memref<40960xf32, #tpu.memory_space<vmem>>
    %dma_start3A_348 = tpu.memref_slice %arg4[%add3A_345] : memref<16777216xf32, #tpu.memory_space<hbm>> -> memref<40960xf32, #tpu.memory_space<hbm>>
    %dma_start3A_349 = tpu.memref_slice %arg4[%add3A_345] : memref<16777216xf32, #tpu.memory_space<hbm>> -> memref<40960xf32, #tpu.memory_space<hbm>>
    %dma_start3A_350 = arith.constant 0 : i32
    %dma_start3A_351 = tpu.memref_slice %arg7[%dma_start3A_350] : memref<40960xf32, #tpu.memory_space<vmem>> -> memref<40960xf32, #tpu.memory_space<vmem>>
    tpu.enqueue_dma source(%dma_start3A_351 : memref<40960xf32, #tpu.memory_space<vmem>>) target(%dma_start3A_349 : memref<40960xf32, #tpu.memory_space<hbm>>) target_semaphore(%arg13 : memref<!tpu.dma_semaphore, #tpu.memory_space<semaphore_mem>>)
    %dma_wait3A_352 = arith.constant 0 : i32
    %dma_wait3A_353 = tpu.memref_slice %arg6[%dma_wait3A_352] : memref<40960xf32, #tpu.memory_space<vmem>> -> memref<40960xf32, #tpu.memory_space<vmem>>
    %dma_wait3A_354 = tpu.memref_slice %arg4[%add3A_314] : memref<16777216xf32, #tpu.memory_space<hbm>> -> memref<40960xf32, #tpu.memory_space<hbm>>
    %dma_wait3A_355 = tpu.memref_slice %arg4[%add3A_314] : memref<16777216xf32, #tpu.memory_space<hbm>> -> memref<40960xf32, #tpu.memory_space<hbm>>
    %dma_wait3A_356 = arith.constant 0 : i32
    %dma_wait3A_357 = tpu.memref_slice %arg6[%dma_wait3A_356] : memref<40960xf32, #tpu.memory_space<vmem>> -> memref<40960xf32, #tpu.memory_space<vmem>>
    tpu.wait_dma2 semaphore(%arg12 : memref<!tpu.dma_semaphore, #tpu.memory_space<semaphore_mem>>) src(%dma_wait3A_357 : memref<40960xf32, #tpu.memory_space<vmem>>) dst(%dma_wait3A_355 : memref<40960xf32, #tpu.memory_space<hbm>>)
    %add3A_358 = arith.constant 491520 : i32
    %add3A_359 = arith.addi %mul3A_2, %add3A_358 : i32
    %dma_start3A_360 = arith.constant 0 : i32
    %dma_start3A_361 = tpu.memref_slice %arg6[%dma_start3A_360] : memref<40960xf32, #tpu.memory_space<vmem>> -> memref<32768xf32, #tpu.memory_space<vmem>>
    %dma_start3A_362 = tpu.memref_slice %arg2[%add3A_359] : memref<16777216xf32, #tpu.memory_space<hbm>> -> memref<32768xf32, #tpu.memory_space<hbm>>
    %dma_start3A_363 = arith.constant 0 : i32
    %dma_start3A_364 = tpu.memref_slice %arg6[%dma_start3A_363] : memref<40960xf32, #tpu.memory_space<vmem>> -> memref<32768xf32, #tpu.memory_space<vmem>>
    %dma_start3A_365 = tpu.memref_slice %arg2[%add3A_359] : memref<16777216xf32, #tpu.memory_space<hbm>> -> memref<32768xf32, #tpu.memory_space<hbm>>
    tpu.enqueue_dma source(%dma_start3A_365 : memref<32768xf32, #tpu.memory_space<hbm>>) target(%dma_start3A_364 : memref<32768xf32, #tpu.memory_space<vmem>>) target_semaphore(%arg9 : memref<!tpu.dma_semaphore, #tpu.memory_space<semaphore_mem>>)
    %dma_wait3A_366 = arith.constant 0 : i32
    %dma_wait3A_367 = tpu.memref_slice %arg8[%dma_wait3A_366] : memref<40960xf32, #tpu.memory_space<vmem>> -> memref<40960xf32, #tpu.memory_space<vmem>>
    %dma_wait3A_368 = tpu.memref_slice %arg2[%add3A_328] : memref<16777216xf32, #tpu.memory_space<hbm>> -> memref<40960xf32, #tpu.memory_space<hbm>>
    %dma_wait3A_369 = arith.constant 0 : i32
    %dma_wait3A_370 = tpu.memref_slice %arg8[%dma_wait3A_369] : memref<40960xf32, #tpu.memory_space<vmem>> -> memref<40960xf32, #tpu.memory_space<vmem>>
    %dma_wait3A_371 = tpu.memref_slice %arg2[%add3A_328] : memref<16777216xf32, #tpu.memory_space<hbm>> -> memref<40960xf32, #tpu.memory_space<hbm>>
    tpu.wait_dma2 semaphore(%arg11 : memref<!tpu.dma_semaphore, #tpu.memory_space<semaphore_mem>>) src(%dma_wait3A_371 : memref<40960xf32, #tpu.memory_space<hbm>>) dst(%dma_wait3A_370 : memref<40960xf32, #tpu.memory_space<vmem>>)
    %parallel_loop3A_372 = arith.constant 0 : i32
    %parallel_loop3A_373 = arith.constant 320 : i32
    %parallel_loop3A_374 = arith.constant 1 : i32
    scf.for %parallel_loop3A_418 = %parallel_loop3A_372 to %parallel_loop3A_373 step %parallel_loop3A_374  : i32 {
      %parallel_loop3A_419 = arith.constant 128 : i32
      %parallel_loop3A_420 = arith.muli %parallel_loop3A_418, %parallel_loop3A_419 : i32
      %parallel_loop3A_421 = vector.broadcast %parallel_loop3A_420 : i32 to vector<16xi32>
      %parallel_loop3A_422 = arith.addi %get3A_18, %parallel_loop3A_421 : vector<16xi32>
      %parallel_loop3A_423 = tpu.vector_load_idx %arg8[%parallel_loop3A_422] : memref<40960xf32, #tpu.memory_space<vmem>>[vector<16xi32>], vector<16xf32>,
      %parallel_loop3A_424 = vector.broadcast %parallel_loop3A_420 : i32 to vector<16xi32>
      %parallel_loop3A_425 = arith.addi %get3A_20, %parallel_loop3A_424 : vector<16xi32>
      %parallel_loop3A_426 = tpu.vector_load_idx %arg8[%parallel_loop3A_425] : memref<40960xf32, #tpu.memory_space<vmem>>[vector<16xi32>], vector<16xf32>,
      %parallel_loop3A_427 = vector.broadcast %parallel_loop3A_420 : i32 to vector<16xi32>
      %parallel_loop3A_428 = arith.addi %get3A_22, %parallel_loop3A_427 : vector<16xi32>
      %parallel_loop3A_429 = tpu.vector_load_idx %arg8[%parallel_loop3A_428] : memref<40960xf32, #tpu.memory_space<vmem>>[vector<16xi32>], vector<16xf32>,
      %parallel_loop3A_430 = vector.broadcast %parallel_loop3A_420 : i32 to vector<16xi32>
      %parallel_loop3A_431 = arith.addi %get3A_24, %parallel_loop3A_430 : vector<16xi32>
      %parallel_loop3A_432 = tpu.vector_load_idx %arg8[%parallel_loop3A_431] : memref<40960xf32, #tpu.memory_space<vmem>>[vector<16xi32>], vector<16xf32>,
      %parallel_loop3A_433 = vector.broadcast %parallel_loop3A_420 : i32 to vector<16xi32>
      %parallel_loop3A_434 = arith.addi %get3A_26, %parallel_loop3A_433 : vector<16xi32>
      %parallel_loop3A_435 = tpu.vector_load_idx %arg8[%parallel_loop3A_434] : memref<40960xf32, #tpu.memory_space<vmem>>[vector<16xi32>], vector<16xf32>,
      %parallel_loop3A_436 = vector.broadcast %parallel_loop3A_420 : i32 to vector<16xi32>
      %parallel_loop3A_437 = arith.addi %get3A_28, %parallel_loop3A_436 : vector<16xi32>
      %parallel_loop3A_438 = tpu.vector_load_idx %arg8[%parallel_loop3A_437] : memref<40960xf32, #tpu.memory_space<vmem>>[vector<16xi32>], vector<16xf32>,
      %parallel_loop3A_439 = vector.broadcast %parallel_loop3A_420 : i32 to vector<16xi32>
      %parallel_loop3A_440 = arith.addi %get3A_30, %parallel_loop3A_439 : vector<16xi32>
      %parallel_loop3A_441 = tpu.vector_load_idx %arg8[%parallel_loop3A_440] : memref<40960xf32, #tpu.memory_space<vmem>>[vector<16xi32>], vector<16xf32>,
      %parallel_loop3A_442 = vector.broadcast %parallel_loop3A_420 : i32 to vector<16xi32>
      %parallel_loop3A_443 = arith.addi %get3A_32, %parallel_loop3A_442 : vector<16xi32>
      %parallel_loop3A_444 = tpu.vector_load_idx %arg8[%parallel_loop3A_443] : memref<40960xf32, #tpu.memory_space<vmem>>[vector<16xi32>], vector<16xf32>,
      %parallel_loop3A_445 = arith.constant 0 : i32
      %parallel_loop3A_446 = arith.addi %parallel_loop3A_420, %parallel_loop3A_445 : i32
      %parallel_loop3A_447 = arith.index_cast %parallel_loop3A_446 : i32 to index
      %parallel_loop3A_448 = tpu.vector_load %arg8[%parallel_loop3A_447] {strides = array<i32>} : memref<40960xf32, #tpu.memory_space<vmem>>, vector<16xf32>,
      tpu.vector_store %arg8[%parallel_loop3A_447], %parallel_loop3A_423 {strides = array<i32>} : memref<40960xf32, #tpu.memory_space<vmem>>, vector<16xf32>,
      %parallel_loop3A_449 = arith.constant 16 : i32
      %parallel_loop3A_450 = arith.addi %parallel_loop3A_420, %parallel_loop3A_449 : i32
      %parallel_loop3A_451 = arith.index_cast %parallel_loop3A_450 : i32 to index
      %parallel_loop3A_452 = tpu.vector_load %arg8[%parallel_loop3A_451] {strides = array<i32>} : memref<40960xf32, #tpu.memory_space<vmem>>, vector<16xf32>,
      tpu.vector_store %arg8[%parallel_loop3A_451], %parallel_loop3A_426 {strides = array<i32>} : memref<40960xf32, #tpu.memory_space<vmem>>, vector<16xf32>,
      %parallel_loop3A_453 = arith.constant 32 : i32
      %parallel_loop3A_454 = arith.addi %parallel_loop3A_420, %parallel_loop3A_453 : i32
      %parallel_loop3A_455 = arith.index_cast %parallel_loop3A_454 : i32 to index
      %parallel_loop3A_456 = tpu.vector_load %arg8[%parallel_loop3A_455] {strides = array<i32>} : memref<40960xf32, #tpu.memory_space<vmem>>, vector<16xf32>,
      tpu.vector_store %arg8[%parallel_loop3A_455], %parallel_loop3A_429 {strides = array<i32>} : memref<40960xf32, #tpu.memory_space<vmem>>, vector<16xf32>,
      %parallel_loop3A_457 = arith.constant 48 : i32
      %parallel_loop3A_458 = arith.addi %parallel_loop3A_420, %parallel_loop3A_457 : i32
      %parallel_loop3A_459 = arith.index_cast %parallel_loop3A_458 : i32 to index
      %parallel_loop3A_460 = tpu.vector_load %arg8[%parallel_loop3A_459] {strides = array<i32>} : memref<40960xf32, #tpu.memory_space<vmem>>, vector<16xf32>,
      tpu.vector_store %arg8[%parallel_loop3A_459], %parallel_loop3A_432 {strides = array<i32>} : memref<40960xf32, #tpu.memory_space<vmem>>, vector<16xf32>,
      %parallel_loop3A_461 = arith.constant 64 : i32
      %parallel_loop3A_462 = arith.addi %parallel_loop3A_420, %parallel_loop3A_461 : i32
      %parallel_loop3A_463 = arith.index_cast %parallel_loop3A_462 : i32 to index
      %parallel_loop3A_464 = tpu.vector_load %arg8[%parallel_loop3A_463] {strides = array<i32>} : memref<40960xf32, #tpu.memory_space<vmem>>, vector<16xf32>,
      tpu.vector_store %arg8[%parallel_loop3A_463], %parallel_loop3A_435 {strides = array<i32>} : memref<40960xf32, #tpu.memory_space<vmem>>, vector<16xf32>,
      %parallel_loop3A_465 = arith.constant 80 : i32
      %parallel_loop3A_466 = arith.addi %parallel_loop3A_420, %parallel_loop3A_465 : i32
      %parallel_loop3A_467 = arith.index_cast %parallel_loop3A_466 : i32 to index
      %parallel_loop3A_468 = tpu.vector_load %arg8[%parallel_loop3A_467] {strides = array<i32>} : memref<40960xf32, #tpu.memory_space<vmem>>, vector<16xf32>,
      tpu.vector_store %arg8[%parallel_loop3A_467], %parallel_loop3A_438 {strides = array<i32>} : memref<40960xf32, #tpu.memory_space<vmem>>, vector<16xf32>,
      %parallel_loop3A_469 = arith.constant 96 : i32
      %parallel_loop3A_470 = arith.addi %parallel_loop3A_420, %parallel_loop3A_469 : i32
      %parallel_loop3A_471 = arith.index_cast %parallel_loop3A_470 : i32 to index
      %parallel_loop3A_472 = tpu.vector_load %arg8[%parallel_loop3A_471] {strides = array<i32>} : memref<40960xf32, #tpu.memory_space<vmem>>, vector<16xf32>,
      tpu.vector_store %arg8[%parallel_loop3A_471], %parallel_loop3A_441 {strides = array<i32>} : memref<40960xf32, #tpu.memory_space<vmem>>, vector<16xf32>,
      %parallel_loop3A_473 = arith.constant 112 : i32
      %parallel_loop3A_474 = arith.addi %parallel_loop3A_420, %parallel_loop3A_473 : i32
      %parallel_loop3A_475 = arith.index_cast %parallel_loop3A_474 : i32 to index
      %parallel_loop3A_476 = tpu.vector_load %arg8[%parallel_loop3A_475] {strides = array<i32>} : memref<40960xf32, #tpu.memory_space<vmem>>, vector<16xf32>,
      tpu.vector_store %arg8[%parallel_loop3A_475], %parallel_loop3A_444 {strides = array<i32>} : memref<40960xf32, #tpu.memory_space<vmem>>, vector<16xf32>,
    } {sc.loop_unroll_factor = 4 : i64, sc.parallel_access}
    %add3A_375 = arith.constant 450560 : i32
    %add3A_376 = arith.addi %mul3A_2, %add3A_375 : i32
    %dma_start3A_377 = arith.constant 0 : i32
    %dma_start3A_378 = tpu.memref_slice %arg8[%dma_start3A_377] : memref<40960xf32, #tpu.memory_space<vmem>> -> memref<40960xf32, #tpu.memory_space<vmem>>
    %dma_start3A_379 = tpu.memref_slice %arg4[%add3A_376] : memref<16777216xf32, #tpu.memory_space<hbm>> -> memref<40960xf32, #tpu.memory_space<hbm>>
    %dma_start3A_380 = tpu.memref_slice %arg4[%add3A_376] : memref<16777216xf32, #tpu.memory_space<hbm>> -> memref<40960xf32, #tpu.memory_space<hbm>>
    %dma_start3A_381 = arith.constant 0 : i32
    %dma_start3A_382 = tpu.memref_slice %arg8[%dma_start3A_381] : memref<40960xf32, #tpu.memory_space<vmem>> -> memref<40960xf32, #tpu.memory_space<vmem>>
    tpu.enqueue_dma source(%dma_start3A_382 : memref<40960xf32, #tpu.memory_space<vmem>>) target(%dma_start3A_380 : memref<40960xf32, #tpu.memory_space<hbm>>) target_semaphore(%arg14 : memref<!tpu.dma_semaphore, #tpu.memory_space<semaphore_mem>>)
    %dma_wait3A_383 = arith.constant 0 : i32
    %dma_wait3A_384 = tpu.memref_slice %arg6[%dma_wait3A_383] : memref<40960xf32, #tpu.memory_space<vmem>> -> memref<32768xf32, #tpu.memory_space<vmem>>
    %dma_wait3A_385 = tpu.memref_slice %arg2[%add3A_359] : memref<16777216xf32, #tpu.memory_space<hbm>> -> memref<32768xf32, #tpu.memory_space<hbm>>
    %dma_wait3A_386 = arith.constant 0 : i32
    %dma_wait3A_387 = tpu.memref_slice %arg6[%dma_wait3A_386] : memref<40960xf32, #tpu.memory_space<vmem>> -> memref<32768xf32, #tpu.memory_space<vmem>>
    %dma_wait3A_388 = tpu.memref_slice %arg2[%add3A_359] : memref<16777216xf32, #tpu.memory_space<hbm>> -> memref<32768xf32, #tpu.memory_space<hbm>>
    tpu.wait_dma2 semaphore(%arg9 : memref<!tpu.dma_semaphore, #tpu.memory_space<semaphore_mem>>) src(%dma_wait3A_388 : memref<32768xf32, #tpu.memory_space<hbm>>) dst(%dma_wait3A_387 : memref<32768xf32, #tpu.memory_space<vmem>>)
    %parallel_loop3A_389 = arith.constant 0 : i32
    %parallel_loop3A_390 = arith.constant 256 : i32
    %parallel_loop3A_391 = arith.constant 1 : i32
    scf.for %parallel_loop3A_418 = %parallel_loop3A_389 to %parallel_loop3A_390 step %parallel_loop3A_391  : i32 {
      %parallel_loop3A_419 = arith.constant 128 : i32
      %parallel_loop3A_420 = arith.muli %parallel_loop3A_418, %parallel_loop3A_419 : i32
      %parallel_loop3A_421 = vector.broadcast %parallel_loop3A_420 : i32 to vector<16xi32>
      %parallel_loop3A_422 = arith.addi %get3A_18, %parallel_loop3A_421 : vector<16xi32>
      %parallel_loop3A_423 = tpu.vector_load_idx %arg6[%parallel_loop3A_422] : memref<40960xf32, #tpu.memory_space<vmem>>[vector<16xi32>], vector<16xf32>,
      %parallel_loop3A_424 = vector.broadcast %parallel_loop3A_420 : i32 to vector<16xi32>
      %parallel_loop3A_425 = arith.addi %get3A_20, %parallel_loop3A_424 : vector<16xi32>
      %parallel_loop3A_426 = tpu.vector_load_idx %arg6[%parallel_loop3A_425] : memref<40960xf32, #tpu.memory_space<vmem>>[vector<16xi32>], vector<16xf32>,
      %parallel_loop3A_427 = vector.broadcast %parallel_loop3A_420 : i32 to vector<16xi32>
      %parallel_loop3A_428 = arith.addi %get3A_22, %parallel_loop3A_427 : vector<16xi32>
      %parallel_loop3A_429 = tpu.vector_load_idx %arg6[%parallel_loop3A_428] : memref<40960xf32, #tpu.memory_space<vmem>>[vector<16xi32>], vector<16xf32>,
      %parallel_loop3A_430 = vector.broadcast %parallel_loop3A_420 : i32 to vector<16xi32>
      %parallel_loop3A_431 = arith.addi %get3A_24, %parallel_loop3A_430 : vector<16xi32>
      %parallel_loop3A_432 = tpu.vector_load_idx %arg6[%parallel_loop3A_431] : memref<40960xf32, #tpu.memory_space<vmem>>[vector<16xi32>], vector<16xf32>,
      %parallel_loop3A_433 = vector.broadcast %parallel_loop3A_420 : i32 to vector<16xi32>
      %parallel_loop3A_434 = arith.addi %get3A_26, %parallel_loop3A_433 : vector<16xi32>
      %parallel_loop3A_435 = tpu.vector_load_idx %arg6[%parallel_loop3A_434] : memref<40960xf32, #tpu.memory_space<vmem>>[vector<16xi32>], vector<16xf32>,
      %parallel_loop3A_436 = vector.broadcast %parallel_loop3A_420 : i32 to vector<16xi32>
      %parallel_loop3A_437 = arith.addi %get3A_28, %parallel_loop3A_436 : vector<16xi32>
      %parallel_loop3A_438 = tpu.vector_load_idx %arg6[%parallel_loop3A_437] : memref<40960xf32, #tpu.memory_space<vmem>>[vector<16xi32>], vector<16xf32>,
      %parallel_loop3A_439 = vector.broadcast %parallel_loop3A_420 : i32 to vector<16xi32>
      %parallel_loop3A_440 = arith.addi %get3A_30, %parallel_loop3A_439 : vector<16xi32>
      %parallel_loop3A_441 = tpu.vector_load_idx %arg6[%parallel_loop3A_440] : memref<40960xf32, #tpu.memory_space<vmem>>[vector<16xi32>], vector<16xf32>,
      %parallel_loop3A_442 = vector.broadcast %parallel_loop3A_420 : i32 to vector<16xi32>
      %parallel_loop3A_443 = arith.addi %get3A_32, %parallel_loop3A_442 : vector<16xi32>
      %parallel_loop3A_444 = tpu.vector_load_idx %arg6[%parallel_loop3A_443] : memref<40960xf32, #tpu.memory_space<vmem>>[vector<16xi32>], vector<16xf32>,
      %parallel_loop3A_445 = arith.constant 0 : i32
      %parallel_loop3A_446 = arith.addi %parallel_loop3A_420, %parallel_loop3A_445 : i32
      %parallel_loop3A_447 = arith.index_cast %parallel_loop3A_446 : i32 to index
      %parallel_loop3A_448 = tpu.vector_load %arg6[%parallel_loop3A_447] {strides = array<i32>} : memref<40960xf32, #tpu.memory_space<vmem>>, vector<16xf32>,
      tpu.vector_store %arg6[%parallel_loop3A_447], %parallel_loop3A_423 {strides = array<i32>} : memref<40960xf32, #tpu.memory_space<vmem>>, vector<16xf32>,
      %parallel_loop3A_449 = arith.constant 16 : i32
      %parallel_loop3A_450 = arith.addi %parallel_loop3A_420, %parallel_loop3A_449 : i32
      %parallel_loop3A_451 = arith.index_cast %parallel_loop3A_450 : i32 to index
      %parallel_loop3A_452 = tpu.vector_load %arg6[%parallel_loop3A_451] {strides = array<i32>} : memref<40960xf32, #tpu.memory_space<vmem>>, vector<16xf32>,
      tpu.vector_store %arg6[%parallel_loop3A_451], %parallel_loop3A_426 {strides = array<i32>} : memref<40960xf32, #tpu.memory_space<vmem>>, vector<16xf32>,
      %parallel_loop3A_453 = arith.constant 32 : i32
      %parallel_loop3A_454 = arith.addi %parallel_loop3A_420, %parallel_loop3A_453 : i32
      %parallel_loop3A_455 = arith.index_cast %parallel_loop3A_454 : i32 to index
      %parallel_loop3A_456 = tpu.vector_load %arg6[%parallel_loop3A_455] {strides = array<i32>} : memref<40960xf32, #tpu.memory_space<vmem>>, vector<16xf32>,
      tpu.vector_store %arg6[%parallel_loop3A_455], %parallel_loop3A_429 {strides = array<i32>} : memref<40960xf32, #tpu.memory_space<vmem>>, vector<16xf32>,
      %parallel_loop3A_457 = arith.constant 48 : i32
      %parallel_loop3A_458 = arith.addi %parallel_loop3A_420, %parallel_loop3A_457 : i32
      %parallel_loop3A_459 = arith.index_cast %parallel_loop3A_458 : i32 to index
      %parallel_loop3A_460 = tpu.vector_load %arg6[%parallel_loop3A_459] {strides = array<i32>} : memref<40960xf32, #tpu.memory_space<vmem>>, vector<16xf32>,
      tpu.vector_store %arg6[%parallel_loop3A_459], %parallel_loop3A_432 {strides = array<i32>} : memref<40960xf32, #tpu.memory_space<vmem>>, vector<16xf32>,
      %parallel_loop3A_461 = arith.constant 64 : i32
      %parallel_loop3A_462 = arith.addi %parallel_loop3A_420, %parallel_loop3A_461 : i32
      %parallel_loop3A_463 = arith.index_cast %parallel_loop3A_462 : i32 to index
      %parallel_loop3A_464 = tpu.vector_load %arg6[%parallel_loop3A_463] {strides = array<i32>} : memref<40960xf32, #tpu.memory_space<vmem>>, vector<16xf32>,
      tpu.vector_store %arg6[%parallel_loop3A_463], %parallel_loop3A_435 {strides = array<i32>} : memref<40960xf32, #tpu.memory_space<vmem>>, vector<16xf32>,
      %parallel_loop3A_465 = arith.constant 80 : i32
      %parallel_loop3A_466 = arith.addi %parallel_loop3A_420, %parallel_loop3A_465 : i32
      %parallel_loop3A_467 = arith.index_cast %parallel_loop3A_466 : i32 to index
      %parallel_loop3A_468 = tpu.vector_load %arg6[%parallel_loop3A_467] {strides = array<i32>} : memref<40960xf32, #tpu.memory_space<vmem>>, vector<16xf32>,
      tpu.vector_store %arg6[%parallel_loop3A_467], %parallel_loop3A_438 {strides = array<i32>} : memref<40960xf32, #tpu.memory_space<vmem>>, vector<16xf32>,
      %parallel_loop3A_469 = arith.constant 96 : i32
      %parallel_loop3A_470 = arith.addi %parallel_loop3A_420, %parallel_loop3A_469 : i32
      %parallel_loop3A_471 = arith.index_cast %parallel_loop3A_470 : i32 to index
      %parallel_loop3A_472 = tpu.vector_load %arg6[%parallel_loop3A_471] {strides = array<i32>} : memref<40960xf32, #tpu.memory_space<vmem>>, vector<16xf32>,
      tpu.vector_store %arg6[%parallel_loop3A_471], %parallel_loop3A_441 {strides = array<i32>} : memref<40960xf32, #tpu.memory_space<vmem>>, vector<16xf32>,
      %parallel_loop3A_473 = arith.constant 112 : i32
      %parallel_loop3A_474 = arith.addi %parallel_loop3A_420, %parallel_loop3A_473 : i32
      %parallel_loop3A_475 = arith.index_cast %parallel_loop3A_474 : i32 to index
      %parallel_loop3A_476 = tpu.vector_load %arg6[%parallel_loop3A_475] {strides = array<i32>} : memref<40960xf32, #tpu.memory_space<vmem>>, vector<16xf32>,
      tpu.vector_store %arg6[%parallel_loop3A_475], %parallel_loop3A_444 {strides = array<i32>} : memref<40960xf32, #tpu.memory_space<vmem>>, vector<16xf32>,
    } {sc.loop_unroll_factor = 4 : i64, sc.parallel_access}
    %add3A_392 = arith.constant 491520 : i32
    %add3A_393 = arith.addi %mul3A_2, %add3A_392 : i32
    %dma_start3A_394 = arith.constant 0 : i32
    %dma_start3A_395 = tpu.memref_slice %arg6[%dma_start3A_394] : memref<40960xf32, #tpu.memory_space<vmem>> -> memref<32768xf32, #tpu.memory_space<vmem>>
    %dma_start3A_396 = tpu.memref_slice %arg4[%add3A_393] : memref<16777216xf32, #tpu.memory_space<hbm>> -> memref<32768xf32, #tpu.memory_space<hbm>>
    %dma_start3A_397 = tpu.memref_slice %arg4[%add3A_393] : memref<16777216xf32, #tpu.memory_space<hbm>> -> memref<32768xf32, #tpu.memory_space<hbm>>
    %dma_start3A_398 = arith.constant 0 : i32
    %dma_start3A_399 = tpu.memref_slice %arg6[%dma_start3A_398] : memref<40960xf32, #tpu.memory_space<vmem>> -> memref<32768xf32, #tpu.memory_space<vmem>>
    tpu.enqueue_dma source(%dma_start3A_399 : memref<32768xf32, #tpu.memory_space<vmem>>) target(%dma_start3A_397 : memref<32768xf32, #tpu.memory_space<hbm>>) target_semaphore(%arg12 : memref<!tpu.dma_semaphore, #tpu.memory_space<semaphore_mem>>)
    %dma_wait3A_400 = arith.constant 0 : i32
    %dma_wait3A_401 = tpu.memref_slice %arg6[%dma_wait3A_400] : memref<40960xf32, #tpu.memory_space<vmem>> -> memref<32768xf32, #tpu.memory_space<vmem>>
    %dma_wait3A_402 = tpu.memref_slice %arg4[%add3A_393] : memref<16777216xf32, #tpu.memory_space<hbm>> -> memref<32768xf32, #tpu.memory_space<hbm>>
    %dma_wait3A_403 = tpu.memref_slice %arg4[%add3A_393] : memref<16777216xf32, #tpu.memory_space<hbm>> -> memref<32768xf32, #tpu.memory_space<hbm>>
    %dma_wait3A_404 = arith.constant 0 : i32
    %dma_wait3A_405 = tpu.memref_slice %arg6[%dma_wait3A_404] : memref<40960xf32, #tpu.memory_space<vmem>> -> memref<32768xf32, #tpu.memory_space<vmem>>
    tpu.wait_dma2 semaphore(%arg12 : memref<!tpu.dma_semaphore, #tpu.memory_space<semaphore_mem>>) src(%dma_wait3A_405 : memref<32768xf32, #tpu.memory_space<vmem>>) dst(%dma_wait3A_403 : memref<32768xf32, #tpu.memory_space<hbm>>)
    %dma_wait3A_406 = arith.constant 0 : i32
    %dma_wait3A_407 = tpu.memref_slice %arg7[%dma_wait3A_406] : memref<40960xf32, #tpu.memory_space<vmem>> -> memref<40960xf32, #tpu.memory_space<vmem>>
    %dma_wait3A_408 = tpu.memref_slice %arg4[%add3A_345] : memref<16777216xf32, #tpu.memory_space<hbm>> -> memref<40960xf32, #tpu.memory_space<hbm>>
    %dma_wait3A_409 = tpu.memref_slice %arg4[%add3A_345] : memref<16777216xf32, #tpu.memory_space<hbm>> -> memref<40960xf32, #tpu.memory_space<hbm>>
    %dma_wait3A_410 = arith.constant 0 : i32
    %dma_wait3A_411 = tpu.memref_slice %arg7[%dma_wait3A_410] : memref<40960xf32, #tpu.memory_space<vmem>> -> memref<40960xf32, #tpu.memory_space<vmem>>
    tpu.wait_dma2 semaphore(%arg13 : memref<!tpu.dma_semaphore, #tpu.memory_space<semaphore_mem>>) src(%dma_wait3A_411 : memref<40960xf32, #tpu.memory_space<vmem>>) dst(%dma_wait3A_409 : memref<40960xf32, #tpu.memory_space<hbm>>)
    %dma_wait3A_412 = arith.constant 0 : i32
    %dma_wait3A_413 = tpu.memref_slice %arg8[%dma_wait3A_412] : memref<40960xf32, #tpu.memory_space<vmem>> -> memref<40960xf32, #tpu.memory_space<vmem>>
    %dma_wait3A_414 = tpu.memref_slice %arg4[%add3A_376] : memref<16777216xf32, #tpu.memory_space<hbm>> -> memref<40960xf32, #tpu.memory_space<hbm>>
    %dma_wait3A_415 = tpu.memref_slice %arg4[%add3A_376] : memref<16777216xf32, #tpu.memory_space<hbm>> -> memref<40960xf32, #tpu.memory_space<hbm>>
    %dma_wait3A_416 = arith.constant 0 : i32
    %dma_wait3A_417 = tpu.memref_slice %arg8[%dma_wait3A_416] : memref<40960xf32, #tpu.memory_space<vmem>> -> memref<40960xf32, #tpu.memory_space<vmem>>
    tpu.wait_dma2 semaphore(%arg14 : memref<!tpu.dma_semaphore, #tpu.memory_space<semaphore_mem>>) src(%dma_wait3A_417 : memref<40960xf32, #tpu.memory_space<vmem>>) dst(%dma_wait3A_415 : memref<40960xf32, #tpu.memory_space<hbm>>)
    return
  }
}

</mosaic_0001>

<sc_bundles>
// kernel: kernel.3.cloned.1.call-start
scs
__scs_entry_jumppad:
0x0: {  	(pc) =	sbr.rel $0x88, $3  }
0x1: {  	(tag) =	ssettag $0x0;
	lr =	simm.s32 $0x1  }
0x2: {  	[smem:$0x3F9F] =	sst lr;
	_ =	strace $0xD0000000  }
0x3: {  	_ = 	snop  }
0x4: {  	_ = 	snop  }
0x5: {  	_ = 	snop  }
0x6: {  	_ = 	snop  }
0x7: {  	_ = 	snop  }
__scs_overlays_trampoline_lowered:
0x8: {  	[smem:$0x3FAE] =	sst s0  }
0x9: {  	[smem:$0x3FAF] =	sst s1  }
0xa: {  	[smem:$0x3FB0] =	sst s2  }
0xb: {  	[smem:$0x3FB1] =	sst s3  }
0xc: {  	[smem:$0x3FB2] =	sst s4  }
0xd: {  	[smem:$0x3FB3] =	sst s5  }
0xe: {  	[smem:$0x3FB4] =	sst s6  }
0xf: {  	[smem:$0x3FB5] =	sst s7  }
0x10: {  	[smem:$0x3FB6] =	sst s8  }
0x11: {  	[smem:$0x3FB7] =	sst s9;
	s0 =	simm.s32 @!p0 $0x0  }
0x12: {  	s1 =	sld [smem:$0x3F9D];
	s0 =	simm.s32 @p0 $0x1  }
0x13: {  	[smem:$0x3FB8] =	sst s0;
	s0 =	simm.s32 @!p1 $0x0  }
0x14: {  	s2 =	sld [smem:$0x3F9C];
	s0 =	simm.s32 @p1 $0x1  }
0x15: {  	[smem:$0x3FB9] =	sst s0;
	s0 =	simm.s32 @!p2 $0x0  }
0x16: {  	s3 =	sld [smem:$0x3FDB];
	s0 =	simm.s32 @p2 $0x1  }
0x17: {  	s4 =	simm.s32 $0x1BF5;
	[smem:$0x3FBB] =	sst s0  }
0x18: {  	s0 =	sld [smem:$0x3F9E];
	_ =	swait.ge [sflag:s4], $0x0  }
0x19: {  	s7 =	sld [smem:$0x3F9F]  }
0x1a: {  	s8 =	sadd.s32 $0xFFFFE003, lr  }
0x1b: {  	s9 =	sadd.s32 $0xFFFFFEF7, lr;
	s5 =	simm.s32 $0xFFFFFFFF;
	p2 =	slt.u32 s8, $0xFFFFF086  }
0x1c: {  	p1 =	slt.u32 s9, $0xF7A;
	s5 =	simm.s32 @!p2 $0x0  }
0x1d: {  	s5 =	simm.s32 @p1 $0x1;
	p0 =	seq.s32 s7, s2  }
0x1e: {  	s7 =	smul.u32 @!p0 $0xF7A, s2;
	p2 =	seq.s32 @!p0 s5, $0x0  }
0x1f: {  	s9 =	smul.u32 $0xF7A, s1;
	s8 =	simm.s32 @!p0 $0x1BF5;
	p2 =	por !p2, p0  }
0x20: {  	[sflag:s8] =	ssyncset.s32 @!p0 $0xFFFFF086;
	s6 =	sadd.s32 @!p0 s3, s7;
	s7 =	simm.s32 @!p0 $0x108  }
0x21: {  	s3 =	sadd.s32 s3, s9;
	s6 =	sadd.s32 @!p0 $0x88, s6;
	s7 =	simm.s32 @p2 $0x1082  }
0x22: {  	[simem:s7], [sflag:s8] =	dma.local @!p0 [hbm:s6], $0xF7A  }
0x23: {  	s9 =	sor.u32 $0xD0000000, s2;
	s6 =	simm.s32 $0x108;
	_ =	swait.ge @!p0 [sflag:s8], $0x0  }
0x24: {  	s3 =	sadd.s32 $0x88, s3;
	s6 =	simm.s32 @!p1 $0x1082;
	[sflag:s4] =	ssyncset.s32 $0xFFFFF086  }
0x25: {  	[simem:s6], [sflag:s4] =	dma.local [hbm:s3], $0xF7A  }
0x26: {  	[smem:$0x3F9F] =	sst s1;
	(tag) =	ssettag s2;
	_ =	strace s9  }
0x27: {  	s1 =	sld [smem:$0x3FAF]  }
0x28: {  	s2 =	sld [smem:$0x3FB0]  }
0x29: {  	s4 =	sld [smem:$0x3FB2]  }
0x2a: {  	p0 =	seq.s32 s5, $0x0;
	s5 =	sld [smem:$0x3FB3]  }
0x2b: {  	s6 =	sld [smem:$0x3FB4]  }
0x2c: {  	s7 =	sld [smem:$0x3FB5]  }
0x2d: {  	s3 =	simm.s32 $0x108;
	s8 =	sld [smem:$0x3FB6]  }
0x2e: {  	s3 =	simm.s32 @!p0 $0x1082;
	s9 =	sld [smem:$0x3FB7]  }
0x2f: {  	lr =	sadd.s32 s0, s3;
	s0 =	sld [smem:$0x3FAE]  }
0x30: {  	s3 =	sld [smem:$0x3FB1]  }
0x31: {  	[smem:$0x3FBA] =	sst s10  }
0x32: {  	s10 =	sld [smem:$0x3FB8];
	_ =	sdelay $0x3  }
0x33: {  	p0 =	seq.s32 s10, $0x1;
	s10 =	sld [smem:$0x3FBA];
	_ =	sdelay $0x3  }
0x34: {  	[smem:$0x3FBA] =	sst s10  }
0x35: {  	s10 =	sld [smem:$0x3FB9];
	_ =	sdelay $0x3  }
0x36: {  	p1 =	seq.s32 s10, $0x1;
	s10 =	sld [smem:$0x3FBA];
	_ =	sdelay $0x3  }
0x37: {  	[smem:$0x3FBA] =	sst s10  }
0x38: {  	s10 =	sld [smem:$0x3FBB]  }
0x39: {  	_ = 	snop;
	(pc) =	sbr.ind lr, $3  }
0x3a: {  	_ = 	snop  }
0x3b: {  	_ = 	snop  }
0x3c: {  	p2 =	seq.s32 s10, $0x1;
	s10 =	sld [smem:$0x3FBA]  }
0x3d: {  	_ =	shalt  }
0x3e: {  	_ =	shalt  }
0x3f: {  	_ =	shalt  }
0x40: {  	_ =	shalt  }
0x41: {  	_ =	shalt  }
0x42: {  	_ =	shalt  }
0x43: {  	_ =	shalt  }
0x44: {  	_ =	shalt  }
0x45: {  	_ =	shalt  }
0x46: {  	_ =	shalt  }
0x47: {  	_ =	shalt  }
0x48: {  	_ =	shalt  }
0x49: {  	_ =	shalt  }
0x4a: {  	_ =	shalt  }
0x4b: {  	_ =	shalt  }
0x4c: {  	_ =	shalt  }
0x4d: {  	_ =	shalt  }
0x4e: {  	_ =	shalt  }
0x4f: {  	_ =	shalt  }
0x50: {  	_ =	shalt  }
0x51: {  	_ =	shalt  }
0x52: {  	_ =	shalt  }
0x53: {  	_ =	shalt  }
0x54: {  	_ =	shalt  }
0x55: {  	_ =	shalt  }
0x56: {  	_ =	shalt  }
0x57: {  	_ =	shalt  }
0x58: {  	_ =	shalt  }
0x59: {  	_ =	shalt  }
0x5a: {  	_ =	shalt  }
0x5b: {  	_ =	shalt  }
0x5c: {  	_ =	shalt  }
0x5d: {  	_ =	shalt  }
0x5e: {  	_ =	shalt  }
0x5f: {  	_ =	shalt  }
0x60: {  	_ =	shalt  }
0x61: {  	_ =	shalt  }
0x62: {  	_ =	shalt  }
0x63: {  	_ =	shalt  }
0x64: {  	_ =	shalt  }
0x65: {  	_ =	shalt  }
0x66: {  	_ =	shalt  }
0x67: {  	_ =	shalt  }
0x68: {  	_ =	shalt  }
0x69: {  	_ =	shalt  }
0x6a: {  	_ =	shalt  }
0x6b: {  	_ =	shalt  }
0x6c: {  	_ =	shalt  }
0x6d: {  	_ =	shalt  }
0x6e: {  	_ =	shalt  }
0x6f: {  	_ =	shalt  }
0x70: {  	_ =	shalt  }
0x71: {  	_ =	shalt  }
0x72: {  	_ =	shalt  }
0x73: {  	_ =	shalt  }
0x74: {  	_ =	shalt  }
0x75: {  	_ =	shalt  }
0x76: {  	_ =	shalt  }
0x77: {  	_ =	shalt  }
0x78: {  	_ =	shalt  }
0x79: {  	_ =	shalt  }
0x7a: {  	_ =	shalt  }
0x7b: {  	_ =	shalt  }
0x7c: {  	_ =	shalt  }
0x7d: {  	_ =	shalt  }
0x7e: {  	_ =	shalt  }
0x7f: {  	_ =	shalt  }
0x80: {  	_ =	shalt  }
0x81: {  	_ =	shalt  }
0x82: {  	_ =	shalt  }
0x83: {  	_ =	shalt  }
0x84: {  	_ =	shalt  }
0x85: {  	_ =	shalt  }
0x86: {  	_ =	shalt  }
0x87: {  	_ =	shalt  }
.Lfunc_end0:
.L_simem_size_0:
called_computation_lowered:
.L_overlay_start_0:
0x88: {  	s2 =	sld [smem:$0x3FD9]  }
0x89: {  	s3 =	sld [smem:$0x3FFE];
	_ =	sdelay $0x1  }
0x8a: {  	s1 =	srdreg.scid  }
0x8b: {  	s0 =	sand.u32 $0x1, s1  }
0x8c: {  	s18 =	sshll.u32 s0, $0xA;
	s2 =	sadd.s32 s3, s2  }
0x8d: {  	s2 =	sadd.s32 s2, s18  }
0x8e: {  	[smem:$0x3FC6] =	sst s2  }
0x8f: {  	_ = 	snop  }
0x90: {  	s2 =	sld [smem:$0x3FC9]  }
0x91: {  	s19 =	sld [smem:$0x3FC8]  }
0x92: {  	s4 =	sld [smem:$0x3FD0];
	(tm) =	ssettm $0x1  }
0x93: {  	s5 =	sld [smem:$0x3FFB];
	_ =	sdelay $0x3  }
0x94: {  	_ =	strace s5  }
0x95: {  	s5 =	sld [smem:$0x3FFC];
	_ =	sdelay $0x3  }
0x96: {  	_ =	strace s5  }
0x97: {  	s5 =	sld [smem:$0x3FFD];
	_ =	sdelay $0x3  }
0x98: {  	_ =	strace s5  }
0x99: {  	_ =	strace $0x8FFFFFFF  }
0x9a: {  	s20 =	sld [smem:$0x3FDB];
	_ =	sdelay $0x1  }
0x9b: {  	s6 =	simm.s32 $_scs_section_size  }
0x9c: {  	s7 =	simm.s32 $_size__tile_overlayer_lowered;
	s8 =	simm.s32 $_tile_overlayer_lowered  }
0x9d: {  	s23 =	simm.s32 $0x1BFF;
	s22 =	sshll.u32 s8, $0x1;
	s5 =	sadd.s32 s6, s20  }
0x9e: {  	s9 =	simm.s32 $0x0;
	s21 =	sshll.u32 s7, $0x1;
	s7 =	sadd.s32 s22, s5  }
0x9f: {  	[timem:s9], [sflag:s23] =	dma.local [hbm:s7], s21  }
0xa0: {  	_ =	swait.ge [sflag:s23], s21  }
0xa1: {  	s6 =	ssub.s32 $0x0, s21;
	[sflag:s23] =	ssyncset.done $0x0  }
0xa2: {  	[sflag:s23] =	ssyncadd.s32 s6;
	_ =	sdelay $0x1  }
0xa3: {  	s24 =	simm.s32 $0x1B8B  }
0xa4: {  	_ =	swait.ge [sflag:s24], $0x1  }
0xa5: {  	[sflag:s24] =	ssyncset.done $0x0  }
0xa6: {  	s25 =	simm.s32 $0x1B8E;
	[sflag:s24] =	ssyncadd.s32 $0xFFFFFFFF  }
0xa7: {  	s26 =	simm.s32 $execute0_lowered;
	[smem:$0x3FD2] =	sst s25  }
0xa8: {  	s6 =	sshll.u32 s26, $0x1;
	_ =	strace $0x80000046;
	[dreg:$0x1] =	wrdreg $0xFFFFFFFF  }
0xa9: {  	s28 =	simm.s32 $_size_execute0_lowered;
	s5 =	sadd.s32 s5, s6;
	[dreg:$0x0] =	wrdreg $0x0  }
0xaa: {  	s6 =	sshll.u32 s28, $0x1;
	[dreg:$0x2] =	wrdreg s5  }
0xab: {  	[dreg:$0x3] =	wrdreg s6  }
0xac: {  	[dreg:$0x4] =	wrdreg $0xC0  }
0xad: {  	_ =	task [dreg:s9], $0x5FFFF  }
0xae: {  	[dreg:$0x1] =	wrdreg $0xFFFFFFFF  }
0xaf: {  	[dreg:$0x0] =	wrdreg $0x60  }
0xb0: {  	[dreg:$0x2] =	wrdreg s2  }
0xb1: {  	[dreg:$0x3] =	wrdreg s19  }
0xb2: {  	[dreg:$0x4] =	wrdreg s4  }
0xb3: {  	[dreg:$0x5] =	wrdreg $0x9  }
0xb4: {  	_ =	task.clear_ibuf [dreg:s9], $0x6FFFF;
	_ =	strace $0x90000046  }
0xb5: {  	s29 =	simm.s32 $0x9;
	_ =	strace $0x80000048  }
0xb6: {  	_ =	swait.ge [sflag:s29], $0x1  }
0xb7: {  	[sflag:s29] =	ssyncadd.s32 $0xFFFFFFFF  }
0xb8: {  	_ =	strace $0x90000048  }
0xb9: {  	_ =	sfence  }
0xba: {  	s30 =	sld [smem:$0x0];
	_ =	sdelay $0x2  }
0xbb: {  	s31 =	sshll.u32 s1, $0xD;
	s1 =	sshrl.u32 s1, $0x2  }
0xbc: {  	s3 =	sand.u32 $0x4000, s31;
	s1 =	sadd.s32 s1, s30  }
0xbd: {  	s0 =	sor.u32 s3, s0;
	s1 =	sshll.u32 s1, $0x11  }
0xbe: {  	s0 =	sor.u32 s1, s0  }
0xbf: {  	s0 =	sadd.s32 $0x8F2B, s0  }
0xc0: {  	[sflag:s0] =	ssyncadd.remote.s32 $0x1  }
0xc1: {  	_ =	sfence.sel $0xFFFF  }
0xc2: {  	[dreg:$0x0] =	wrdreg $0xFFFFFFFF;
	(pc) =	sbr.abs _section_cstart, $3  }
0xc3: {  	[dreg:$0x1] =	wrdreg $0xFFFFFFFF  }
0xc4: {  	_ =	task.clear_ibuf [dreg:s9], $0x2FFFF;
	_ =	strace $0x9FFFFFFF  }
0xc5: {  	(tm) =	ssettm $0x7FFFFFFF  }
tec
execute0_lowered:
.L_overlay_start_1:
0x0: {  	(tag) =	ssettag $0x1  }
0x1: {  	s0 =	rddreg [dreg:$0x0]  }
0x2: {  	s2 =	rddreg [dreg:$0x2];
	s3 =	srdreg.scid  }
0x3: {  	s1 =	simm.s32 $0x0;
	s5 =	stileid.u32;
	s3 =	sand.u32 $0x1, s3  }
0x4: {  	s5 =	sshll.u32 s5, $0x11;
	s4 =	ssub.s32 $0x2, s3;
	s3 =	sshll.u32 s3, $0x10  }
0x5: {  	s8 =	simm.s32 $0x6;
	s6 =	sshrl.u32 s4, $0x1;
	s3 =	sor.u32 s3, s5  }
0x6: {  	[smem:$0x7FF] =	sst s1;
	s4 =	ssub.s32 s4, s6;
	s5 =	sor.u32 $0x1400, s3  }
0x7: {  	s9 =	sor.u32 $0x2800, s3;
	s11 =	sor.u32 $0x3C00, s3;
	s13 =	sor.u32 $0x5000, s3  }
0x8: {  	s15 =	sor.u32 $0x6400, s3;
	s17 =	sor.u32 $0x7800, s3;
	s19 =	sor.u32 $0x8C00, s3  }
0x9: {  	s21 =	sor.u32 $0xA000, s3;
	s23 =	sor.u32 $0xB400, s3;
	s7 =	sadd.s32 s0, s5  }
0xa: {  	s24 =	sor.u32 $0xC800, s3;
	s10 =	sadd.s32 s0, s9;
	[dreg:$0x4] =	wrdreg s7  }
0xb: {  	s25 =	sor.u32 $0xDC00, s3;
	s5 =	sadd.s32 s2, s5;
	[dreg:$0x5] =	wrdreg s10  }
0xc: {  	s12 =	sadd.s32 s0, s11;
	s6 =	sadd.s32 s2, s9;
	[dreg:$0x6] =	wrdreg s5  }
0xd: {  	s14 =	sadd.s32 s0, s13;
	s16 =	sadd.s32 s0, s15;
	[dreg:$0x7] =	wrdreg s12  }
0xe: {  	s18 =	sadd.s32 s0, s17;
	s20 =	sadd.s32 s0, s19;
	[dreg:$0x8] =	wrdreg s6  }
0xf: {  	s22 =	sadd.s32 s0, s21;
	s26 =	sadd.s32 s0, s25;
	[dreg:$0x9] =	wrdreg s14  }
0x10: {  	s29 =	sadd.s32 s2, s25;
	s31 =	smax.u32 s4, $0x1;
	[dreg:$0xb] =	wrdreg s16  }
0x11: {  	s25 =	simm.s32 $0x7;
	s4 =	simm.s32 $0x2;
	[dreg:$0xd] =	wrdreg s18  }
0x12: {  	s9 =	simm.s32 $0x0;
	s7 =	sadd.s32 s2, s11;
	[dreg:$0xf] =	wrdreg s20  }
0x13: {  	s5 =	sadd.s32 s2, s13;
	s6 =	sadd.s32 s2, s15;
	[dreg:$0x11] =	wrdreg s22  }
0x14: {  	s16 =	sadd.s32 s2, s19;
	s18 =	sadd.s32 s2, s21;
	s19 =	sadd.s32 s0, s24  }
0x15: {  	s20 =	sadd.s32 s2, s23;
	s21 =	sadd.s32 s2, s24;
	[dreg:$0xa] =	wrdreg s7  }
0x16: {  	s22 =	sadd.s32 s0, s3;
	s24 =	sadd.s32 s2, s3;
	[dreg:$0xc] =	wrdreg s5  }
0x17: {  	s3 =	sor.u32 $0xF000, s3;
	[dreg:$0xe] =	wrdreg s6;
	s7 =	sadd.s32 s2, s17  }
0x18: {  	s17 =	sadd.s32 s0, s23;
	s28 =	sadd.s32 s0, s3;
	s30 =	sadd.s32 s2, s3  }
0x19: {  	s23 =	simm.s32 $0x80;
	s0 =	simm.s32 $0xA080;
	s2 =	simm.s32 $0x1  }
0x1a: {  	s3 =	simm.s32 $0x14080;
	s5 =	simm.s32 $0x4;
	[dreg:$0x10] =	wrdreg s7  }
0x1b: {  	s6 =	simm.s32 $0x3;
	s7 =	simm.s32 $0x5;
	_ =	strace $0x80000047  }
.LBB2_1:
0x1c: {  	s10 =	rddreg [dreg:$0x1]  }
0x1d: {  	[tilespmem:s1], [sflag:$0x7] =	stream.linear.gather [hbm4b:s10+s1], $0x80, $0x38;
	[tilespmem:$0x1E080] =	vst v63  }
0x1e: {  	_ = 	snop  }
0x1f: {  	[tilespmem:s23], [sflag:$0x1] =	stream.linear.gather [hbm4b:s22+s1], $0xA000, $0x38;
	[tilespmem:$0x1E080] =	vst v63  }
0x20: {  	s14 =	rddreg [dreg:$0x4]  }
0x21: {  	[tilespmem:s0], [sflag:$0x2] =	stream.linear.gather [hbm4b:s14+s1], $0xA000, $0x38;
	[tilespmem:$0x1E080] =	vst v63  }
0x22: {  	_ =	swait.ge [sflag:s25], $0x80  }
0x23: {  	[sflag:s25] =	ssyncset.done $0x0  }
0x24: {  	[sflag:s25] =	ssyncadd.s32 $0xFFFFFF80  }
0x25: {  	v0 =	vld [tilespmem:$0x0]  }
0x26: {  	v1 =	vld [tilespmem:$0x10]  }
0x27: {  	v3 =	vld [tilespmem:$0x70]  }
0x28: {  	v2 =	vld [tilespmem:$0x20]  }
0x29: {  	v4 =	vld [tilespmem:$0x30]  }
0x2a: {  	v5 =	vld [tilespmem:$0x40]  }
0x2b: {  	v6 =	vld [tilespmem:$0x50]  }
0x2c: {  	v7 =	vld [tilespmem:$0x60];
	_ =	swait.ge [sflag:s2], $0xA000  }
0x2d: {  	[sflag:s2] =	ssyncset.done $0x0  }
0x2e: {  	[sflag:s2] =	ssyncadd.s32 $0xFFFF6000  }
0x2f: {  	v12 =	vld.idx.msk [tilespmem:v3+s23+$0x0], $0xffff  }
0x30: {  	v13 =	vld.idx.msk [tilespmem:v1+s23+$0x0], $0xffff  }
0x31: {  	s11 =	simm.s32 $0x180;
	v14 =	vld.idx.msk [tilespmem:v0+s23+$0x0], $0xffff  }
0x32: {  	v8 =	vadd.s32 s11, v6;
	v15 =	vld.idx.msk [tilespmem:v2+s23+$0x0], $0xffff  }
0x33: {  	v9 =	vadd.s32 s11, v5;
	v16 =	vld.idx.msk [tilespmem:v4+s23+$0x0], $0xffff  }
0x34: {  	v10 =	vadd.s32 s11, v7;
	v17 =	vld.idx.msk [tilespmem:v5+s23+$0x0], $0xffff  }
0x35: {  	v18 =	vadd.s32 s11, v4;
	v19 =	vld.idx.msk [tilespmem:v7+s23+$0x0], $0xffff  }
0x36: {  	v20 =	vadd.s32 s11, v2;
	v21 =	vld.idx.msk [tilespmem:v6+s23+$0x0], $0xffff  }
0x37: {  	s12 =	simm.s32 $0x80;
	v22 =	vadd.s32 s11, v1;
	v8 =	vld.idx.msk [tilespmem:v8+s23+$0x0], $0xffff  }
0x38: {  	v24 =	vadd.s32 s12, v7;
	v9 =	vld.idx.msk [tilespmem:v9+s23+$0x0], $0xffff  }
0x39: {  	v23 =	vadd.s32 s12, v3;
	v11 =	vld.idx.msk [tilespmem:v10+s23+$0x0], $0xffff  }
0x3a: {  	v25 =	vadd.s32 s12, v1;
	v10 =	vld.idx.msk [tilespmem:v18+s23+$0x0], $0xffff  }
0x3b: {  	v18 =	vadd.s32 s12, v0;
	v33 =	vld.idx.msk [tilespmem:v20+s23+$0x0], $0xffff  }
0x3c: {  	s10 =	simm.s32 $0x180;
	v20 =	vadd.s32 s12, v2;
	v38 =	vld.idx.msk [tilespmem:v22+s23+$0x0], $0xffff  }
0x3d: {  	s15 =	simm.s32 $0x100;
	v22 =	vadd.s32 s12, v4;
	v26 =	vld.idx.msk [tilespmem:v24+s23+$0x0], $0xffff;
	[tilespmem:s10+$0xFFFFFF10] =	vst v13  }
0x3e: {  	v24 =	vadd.s32 s15, v0;
	v13 =	vld.idx.msk [tilespmem:v23+s23+$0x0], $0xffff;
	[tilespmem:s10+$0xFFFFFF50] =	vst v21  }
0x3f: {  	v23 =	vadd.s32 s12, v5;
	[tilespmem:s10+$0xFFFFFF40] =	vst v17;
	v17 =	vld.idx.msk [tilespmem:v25+s23+$0x0], $0xffff  }
0x40: {  	v21 =	vadd.s32 s12, v6;
	[tilespmem:s10+$0xFFFFFF60] =	vst v19;
	v18 =	vld.idx.msk [tilespmem:v18+s23+$0x0], $0xffff  }
0x41: {  	v19 =	vadd.s32 s15, v1;
	[tilespmem:s10+$0xFFFFFF20] =	vst v15;
	v15 =	vld.idx.msk [tilespmem:v20+s23+$0x0], $0xffff  }
0x42: {  	v27 =	vadd.s32 s15, v6;
	[tilespmem:s10+$0xFFFFFF30] =	vst v16;
	v16 =	vld.idx.msk [tilespmem:v22+s23+$0x0], $0xffff  }
0x43: {  	[tilespmem:s10+$0xFFFFFF00] =	vst v14;
	v20 =	vadd.s32 s11, v3;
	v24 =	vld.idx.msk [tilespmem:v24+s23+$0x0], $0xffff  }
0x44: {  	[tilespmem:s10+$0xFFFFFF70] =	vst v12;
	v22 =	vadd.s32 s15, v7;
	v25 =	vld.idx.msk [tilespmem:v23+s23+$0x0], $0xffff  }
0x45: {  	v14 =	vadd.s32 s15, v5;
	v30 =	vld.idx.msk [tilespmem:v21+s23+$0x0], $0xffff;
	[tilespmem:s10+$0xFFFFFF90] =	vst v17  }
0x46: {  	v21 =	vadd.s32 s15, v3;
	[tilespmem:s10+$0xFFFFFFF0] =	vst v13;
	v23 =	vld.idx.msk [tilespmem:v19+s23+$0x0], $0xffff  }
0x47: {  	v31 =	vadd.s32 s11, v0;
	[tilespmem:s10+$0xFFFFFFE0] =	vst v26;
	v26 =	vld.idx.msk [tilespmem:v27+s23+$0x0], $0xffff  }
0x48: {  	v34 =	vadd.s32 s15, v4;
	[tilespmem:s10+$0xFFFFFF80] =	vst v18;
	v29 =	vld.idx.msk [tilespmem:v20+s23+$0x0], $0xffff  }
0x49: {  	v39 =	vadd.s32 s15, v2;
	v19 =	vadd.s32 $0x200, v3;
	[tilespmem:s10+$0xFFFFFFA0] =	vst v15;
	v20 =	vld.idx.msk [tilespmem:v22+s23+$0x0], $0xffff  }
0x4a: {  	v12 =	vadd.s32 $0x200, v0;
	v13 =	vadd.s32 $0x200, v1;
	v36 =	vadd.s32 s1, v19;
	[tilespmem:s10+$0xFFFFFFB0] =	vst v16;
	v22 =	vld.idx.msk [tilespmem:v14+s23+$0x0], $0xffff  }
0x4b: {  	v35 =	vadd.s32 s1, v12;
	v17 =	vadd.s32 $0x200, v6;
	v37 =	vadd.s32 s1, v13;
	[tilespmem:s10+$0xFFFFFFC0] =	vst v25;
	v21 =	vld.idx.msk [tilespmem:v21+s23+$0x0], $0xffff  }
0x4c: {  	v27 =	vadd.s32 s1, v17;
	v14 =	vadd.s32 $0x200, v2;
	v15 =	vadd.s32 $0x200, v4;
	[tilespmem:s10+$0xFFFFFFD0] =	vst v30;
	v25 =	vld.idx.msk [tilespmem:v31+s23+$0x0], $0xffff  }
0x4d: {  	v16 =	vadd.s32 $0x200, v5;
	v18 =	vadd.s32 $0x200, v7;
	v30 =	vld.idx.msk [tilespmem:v34+s23+$0x0], $0xffff;
	[tilespmem:s10+$0xA0] =	vst v33;
	v34 =	vadd.s32 s1, v14  }
0x4e: {  	s13 =	simm.s32 $0x380;
	s12 =	simm.s32 $0x200;
	s11 =	simm.s32 $0x0;
	v28 =	vadd.s32 s1, v18;
	v32 =	vadd.s32 s1, v15;
	v31 =	vadd.s32 s1, v16;
	v33 =	vld.idx.msk [tilespmem:v39+s23+$0x0], $0xffff;
	[tilespmem:s10+$0x90] =	vst v38  }
.LBB2_2:
0x4f: {  	v36 =	vld.idx.msk [tilespmem:v36+s23+$0x0], $0xffff;
	s14 =	sadd.s32 $0x80, s12;
	s15 =	sadd.s32 $0x180, s12;
	s11 =	sadd.s32 $0x4, s11;
	[tilespmem:s10+$0xF0] =	vst v29  }
0x50: {  	v29 =	vld.idx.msk [tilespmem:v37+s23+$0x0], $0xffff;
	v37 =	vadd.s32 s14, v0;
	v38 =	vadd.s32 s15, v0;
	v39 =	vadd.s32 s15, v3;
	p0 =	slt.u32 s11, $0x13C;
	[tilespmem:s10+$0xE0] =	vst v11  }
0x51: {  	v40 =	vadd.s32 s14, v1;
	v41 =	vadd.s32 s14, v7;
	v11 =	vadd.s32 s15, v6;
	v35 =	vld.idx.msk [tilespmem:v35+s23+$0x0], $0xffff;
	[tilespmem:s10+$0xB0] =	vst v10  }
0x52: {  	v42 =	vadd.s32 s14, v2;
	v43 =	vadd.s32 s14, v3;
	v10 =	vadd.s32 s15, v5;
	v34 =	vld.idx.msk [tilespmem:v34+s23+$0x0], $0xffff;
	[tilespmem:s10+$0x0] =	vst v24  }
0x53: {  	v44 =	vadd.s32 s15, v1;
	v45 =	vadd.s32 s15, v7;
	v24 =	vld.idx.msk [tilespmem:v32+s23+$0x0], $0xffff;
	v32 =	vadd.s32 s14, v4;
	[tilespmem:s10+$0x10] =	vst v23  }
0x54: {  	v46 =	vadd.s32 s15, v2;
	v47 =	vadd.s32 s15, v4;
	v23 =	vld.idx.msk [tilespmem:v31+s23+$0x0], $0xffff;
	v31 =	vadd.s32 s14, v5;
	[tilespmem:s10+$0xC0] =	vst v9  }
0x55: {  	v48 =	vadd.s32 s14, v6;
	v28 =	vld.idx.msk [tilespmem:v28+s23+$0x0], $0xffff;
	[tilespmem:s10+$0x20] =	vst v33  }
0x56: {  	v27 =	vld.idx.msk [tilespmem:v27+s23+$0x0], $0xffff;
	[tilespmem:s10+$0xD0] =	vst v8  }
0x57: {  	s14 =	sadd.s32 $0x100, s12;
	v8 =	vld.idx.msk [tilespmem:v11+s23+$0x0], $0xffff;
	[tilespmem:s10+$0x30] =	vst v30  }
0x58: {  	v33 =	vadd.s32 s14, v3;
	v30 =	vadd.s32 s14, v0;
	v9 =	vld.idx.msk [tilespmem:v10+s23+$0x0], $0xffff;
	[tilespmem:s10+$0x40] =	vst v22  }
0x59: {  	v22 =	vadd.s32 s14, v1;
	v11 =	vld.idx.msk [tilespmem:v45+s23+$0x0], $0xffff;
	[tilespmem:s10+$0x60] =	vst v20  }
0x5a: {  	v45 =	vadd.s32 s14, v2;
	v10 =	vld.idx.msk [tilespmem:v47+s23+$0x0], $0xffff;
	[tilespmem:s10+$0x50] =	vst v26  }
0x5b: {  	v47 =	vadd.s32 s14, v4;
	v46 =	vld.idx.msk [tilespmem:v46+s23+$0x0], $0xffff;
	[tilespmem:s10+$0x70] =	vst v21  }
0x5c: {  	v21 =	vadd.s32 s14, v5;
	v44 =	vld.idx.msk [tilespmem:v44+s23+$0x0], $0xffff;
	[tilespmem:s10+$0x80] =	vst v25;
	s10 =	smov.u32 s13  }
0x5d: {  	v25 =	vadd.s32 s14, v6;
	[tilespmem:s13+$0xFFFFFF10] =	vst v29;
	v20 =	vld.idx.msk [tilespmem:v43+s23+$0x0], $0xffff  }
0x5e: {  	[tilespmem:s13+$0xFFFFFF50] =	vst v27;
	v26 =	vld.idx.msk [tilespmem:v41+s23+$0x0], $0xffff;
	v27 =	vadd.s32 s14, v7  }
0x5f: {  	[tilespmem:s13+$0xFFFFFF40] =	vst v23;
	v23 =	vld.idx.msk [tilespmem:v40+s23+$0x0], $0xffff  }
0x60: {  	[tilespmem:s13+$0xFFFFFF60] =	vst v28;
	v28 =	vld.idx.msk [tilespmem:v37+s23+$0x0], $0xffff  }
0x61: {  	[tilespmem:s13+$0xFFFFFF20] =	vst v34;
	v34 =	vld.idx.msk [tilespmem:v42+s23+$0x0], $0xffff  }
0x62: {  	[tilespmem:s13+$0xFFFFFF30] =	vst v24;
	v32 =	vld.idx.msk [tilespmem:v32+s23+$0x0], $0xffff  }
0x63: {  	[tilespmem:s13+$0xFFFFFF00] =	vst v35;
	v35 =	vld.idx.msk [tilespmem:v31+s23+$0x0], $0xffff  }
0x64: {  	[tilespmem:s13+$0xFFFFFF70] =	vst v36;
	v40 =	vld.idx.msk [tilespmem:v48+s23+$0x0], $0xffff  }
0x65: {  	[tilespmem:s13+$0xFFFFFF90] =	vst v23;
	v24 =	vld.idx.msk [tilespmem:v30+s23+$0x0], $0xffff  }
0x66: {  	[tilespmem:s13+$0xFFFFFFF0] =	vst v20;
	v23 =	vld.idx.msk [tilespmem:v22+s23+$0x0], $0xffff  }
0x67: {  	[tilespmem:s13+$0xFFFFFF80] =	vst v28;
	v29 =	vld.idx.msk [tilespmem:v39+s23+$0x0], $0xffff  }
0x68: {  	[tilespmem:s13+$0xFFFFFFA0] =	vst v34;
	v20 =	vld.idx.msk [tilespmem:v27+s23+$0x0], $0xffff  }
0x69: {  	v28 =	vadd.s32 s12, v18;
	v27 =	vadd.s32 s12, v17;
	[tilespmem:s13+$0xFFFFFFB0] =	vst v32;
	v22 =	vld.idx.msk [tilespmem:v21+s23+$0x0], $0xffff  }
.Ltmp0:
0x6a: {  	v31 =	vadd.s32 s12, v16;
	v36 =	vadd.s32 s12, v19;
	v32 =	vadd.s32 s12, v15;
	[tilespmem:s13+$0xFFFFFFC0] =	vst v35;
	v21 =	vld.idx.msk [tilespmem:v33+s23+$0x0], $0xffff;
	(pc) =	sbr.rel @p0 .LBB2_2-.Ltmp0, $4  }
0x6b: {  	v37 =	vadd.s32 s12, v13;
	v34 =	vadd.s32 s12, v14;
	v35 =	vadd.s32 s12, v12;
	[tilespmem:s13+$0xFFFFFFE0] =	vst v26;
	v26 =	vld.idx.msk [tilespmem:v25+s23+$0x0], $0xffff  }
0x6c: {  	[tilespmem:s13+$0xFFFFFFD0] =	vst v40;
	v25 =	vld.idx.msk [tilespmem:v38+s23+$0x0], $0xffff  }
0x6d: {  	v30 =	vld.idx.msk [tilespmem:v47+s23+$0x0], $0xffff;
	[tilespmem:s13+$0xA0] =	vst v46  }
0x6e: {  	s12 =	sadd.s32 $0x200, s12;
	s13 =	sadd.s32 $0x200, s13;
	v33 =	vld.idx.msk [tilespmem:v45+s23+$0x0], $0xffff;
	[tilespmem:s10+$0x90] =	vst v44  }
0x6f: {  	[tilespmem:s10+$0xF0] =	vst v29  }
0x70: {  	[tilespmem:s10+$0xE0] =	vst v11  }
0x71: {  	[tilespmem:s10+$0xB0] =	vst v10  }
0x72: {  	[tilespmem:s10+$0x0] =	vst v24  }
0x73: {  	[tilespmem:s10+$0x10] =	vst v23  }
0x74: {  	[tilespmem:s10+$0xC0] =	vst v9  }
0x75: {  	[tilespmem:s10+$0xD0] =	vst v8  }
0x76: {  	[tilespmem:s10+$0x40] =	vst v22  }
0x77: {  	[tilespmem:s10+$0x60] =	vst v20  }
0x78: {  	[tilespmem:s10+$0x70] =	vst v21  }
0x79: {  	[tilespmem:s10+$0x50] =	vst v26  }
0x7a: {  	[tilespmem:s10+$0x80] =	vst v25  }
0x7b: {  	[tilespmem:s10+$0x30] =	vst v30  }
0x7c: {  	s12 =	simm.s32 $0x0;
	s14 =	simm.s32 $0x180;
	[tilespmem:s10+$0x20] =	vst v33  }
0x7d: {  	[hbm4b:s24+s12] =	stream.linear.scatter [tilespmem:s23], [sflag:$0x4], $0xA000, $0x38;
	[tilespmem:$0x1E080] =	vst v63  }
0x7e: {  	v8 =	vadd.s32 s14, v0;
	s11 =	rddreg [dreg:$0x5]  }
0x7f: {  	v9 =	vadd.s32 s14, v3;
	[tilespmem:s3], [sflag:$0x3] =	stream.linear.gather [hbm4b:s11+s12], $0xA000, $0x38;
	[tilespmem:$0x1E080] =	vst v63  }
0x80: {  	v10 =	vadd.s32 s14, v1;
	_ =	swait.ge [sflag:s4], $0xA000  }
0x81: {  	v11 =	vadd.s32 s14, v2;
	[sflag:s4] =	ssyncset.done $0x0  }
0x82: {  	v12 =	vadd.s32 s14, v4;
	[sflag:s4] =	ssyncadd.s32 $0xFFFF6000  }
0x83: {  	v13 =	vadd.s32 s14, v5;
	v8 =	vld.idx.msk [tilespmem:v8+s0+$0x0], $0xffff  }
0x84: {  	v14 =	vadd.s32 s14, v6;
	v9 =	vld.idx.msk [tilespmem:v9+s0+$0x0], $0xffff  }
0x85: {  	s15 =	simm.s32 $0x80;
	v15 =	vadd.s32 s14, v7;
	v10 =	vld.idx.msk [tilespmem:v10+s0+$0x0], $0xffff  }
0x86: {  	v16 =	vadd.s32 s15, v0;
	v11 =	vld.idx.msk [tilespmem:v11+s0+$0x0], $0xffff  }
0x87: {  	v17 =	vadd.s32 s15, v1;
	v12 =	vld.idx.msk [tilespmem:v12+s0+$0x0], $0xffff  }
0x88: {  	v18 =	vadd.s32 s15, v2;
	v13 =	vld.idx.msk [tilespmem:v13+s0+$0x0], $0xffff  }
0x89: {  	v19 =	vadd.s32 s15, v4;
	v14 =	vld.idx.msk [tilespmem:v14+s0+$0x0], $0xffff  }
0x8a: {  	v20 =	vadd.s32 s15, v5;
	s10 =	simm.s32 $0xA180;
	v15 =	vld.idx.msk [tilespmem:v15+s0+$0x0], $0xffff  }
0x8b: {  	v21 =	vadd.s32 s15, v6;
	[tilespmem:s10+$0xF0] =	vst v9;
	v9 =	vld.idx.msk [tilespmem:v16+s0+$0x0], $0xffff  }
0x8c: {  	v16 =	vadd.s32 s15, v7;
	[tilespmem:s10+$0x80] =	vst v8;
	v8 =	vld.idx.msk [tilespmem:v17+s0+$0x0], $0xffff  }
0x8d: {  	s13 =	simm.s32 $0x100;
	v17 =	vadd.s32 s15, v3;
	[tilespmem:s10+$0x90] =	vst v10;
	v10 =	vld.idx.msk [tilespmem:v18+s0+$0x0], $0xffff  }
0x8e: {  	v18 =	vadd.s32 s13, v0;
	[tilespmem:s10+$0xA0] =	vst v11;
	v11 =	vld.idx.msk [tilespmem:v19+s0+$0x0], $0xffff  }
0x8f: {  	v19 =	vadd.s32 s13, v1;
	[tilespmem:s10+$0xB0] =	vst v12;
	v12 =	vld.idx.msk [tilespmem:v20+s0+$0x0], $0xffff  }
0x90: {  	v20 =	vadd.s32 s13, v2;
	[tilespmem:s10+$0xC0] =	vst v13;
	v13 =	vld.idx.msk [tilespmem:v21+s0+$0x0], $0xffff  }
0x91: {  	v21 =	vadd.s32 s13, v4;
	[tilespmem:s10+$0xD0] =	vst v14;
	v14 =	vld.idx.msk [tilespmem:v16+s0+$0x0], $0xffff  }
0x92: {  	[tilespmem:s10+$0xE0] =	vst v15;
	v16 =	vadd.s32 s13, v5;
	v15 =	vld.idx.msk [tilespmem:v17+s0+$0x0], $0xffff  }
0x93: {  	v17 =	vadd.s32 s13, v6;
	[tilespmem:s10+$0xFFFFFF80] =	vst v9;
	v22 =	vld.idx.msk [tilespmem:v18+s0+$0x0], $0xffff  }
0x94: {  	[tilespmem:s10+$0xFFFFFF90] =	vst v8;
	v23 =	vld.idx.msk [tilespmem:v19+s0+$0x0], $0xffff;
	v8 =	vadd.s32 s13, v3  }
0x95: {  	v9 =	vadd.s32 s13, v7;
	[tilespmem:s10+$0xFFFFFFA0] =	vst v10;
	v10 =	vld.idx.msk [tilespmem:v20+s0+$0x0], $0xffff  }
0x96: {  	v62 =	vadd.s32 s12, v1;
	[tilespmem:s10+$0xFFFFFFB0] =	vst v11;
	v21 =	vld.idx.msk [tilespmem:v21+s0+$0x0], $0xffff  }
0x97: {  	v11 =	vadd.s32 s12, v0;
	[tilespmem:s10+$0xFFFFFFC0] =	vst v12;
	v20 =	vld.idx.msk [tilespmem:v16+s0+$0x0], $0xffff  }
0x98: {  	v63 =	vadd.s32 s12, v2;
	[tilespmem:s10+$0xFFFFFFD0] =	vst v13;
	v19 =	vld.idx.msk [tilespmem:v17+s0+$0x0], $0xffff  }
0x99: {  	[tilespmem:s10+$0xFFFFFFE0] =	vst v14;
	v16 =	vld.idx.msk [tilespmem:v8+s0+$0x0], $0xffff;
	v8 =	vadd.s32 s12, v4  }
0x9a: {  	v18 =	vld.idx.msk [tilespmem:v9+s0+$0x0], $0xffff;
	[tilespmem:s10+$0xFFFFFFF0] =	vst v15;
	v14 =	vadd.s32 s12, v5  }
0x9b: {  	v13 =	vadd.s32 s12, v6;
	v9 =	vld.idx.msk [tilespmem:v62+s0+$0x0], $0xffff;
	[tilespmem:s10+$0x0] =	vst v22  }
0x9c: {  	v12 =	vadd.s32 s12, v7;
	v17 =	vld.idx.msk [tilespmem:v11+s0+$0x0], $0xffff;
	[tilespmem:s10+$0x10] =	vst v23  }
0x9d: {  	s11 =	simm.s32 $0x0;
	v11 =	vadd.s32 s12, v3;
	v15 =	vld.idx.msk [tilespmem:v63+s0+$0x0], $0xffff;
	[tilespmem:s10+$0x20] =	vst v10;
	s12 =	simm.s32 $0x200  }
.LBB2_4:
0x9e: {  	v22 =	vadd.s32 s12, v1;
	v10 =	vadd.s32 s12, v2;
	s13 =	sadd.s32 $0x80, s12;
	s14 =	sadd.s32 $0x100, s12;
	s15 =	sadd.s32 $0x180, s12;
	v23 =	vld.idx.msk [tilespmem:v8+s0+$0x0], $0xffff;
	v8 =	vadd.s32 s12, v4;
	[tilespmem:s10+$0x30] =	vst v21  }
0x9f: {  	s11 =	sadd.s32 $0x4, s11;
	v21 =	vadd.s32 s13, v0;
	v24 =	vadd.s32 s13, v1;
	v25 =	vadd.s32 s15, v0;
	v26 =	vld.idx.msk [tilespmem:v14+s0+$0x0], $0xffff;
	[tilespmem:s10+$0x40] =	vst v20  }
0xa0: {  	v20 =	vadd.s32 s13, v2;
	v27 =	vadd.s32 s13, v4;
	v14 =	vadd.s32 s15, v3;
	p0 =	slt.u32 s11, $0x13C;
	v28 =	vld.idx.msk [tilespmem:v13+s0+$0x0], $0xffff;
	[tilespmem:s10+$0x50] =	vst v19  }
0xa1: {  	v29 =	vadd.s32 s13, v6;
	v19 =	vadd.s32 s13, v5;
	v13 =	vadd.s32 s15, v1;
	v30 =	vld.idx.msk [tilespmem:v12+s0+$0x0], $0xffff;
	[tilespmem:s10+$0x60] =	vst v18  }
0xa2: {  	v31 =	vadd.s32 s13, v3;
	v32 =	vadd.s32 s15, v2;
	v18 =	vadd.s32 s13, v7;
	v33 =	vld.idx.msk [tilespmem:v11+s0+$0x0], $0xffff;
	[tilespmem:s10+$0x70] =	vst v16  }
0xa3: {  	v34 =	vadd.s32 s14, v1;
	v35 =	vadd.s32 s15, v4;
	v16 =	vld.idx.msk [tilespmem:v22+s0+$0x0], $0xffff;
	v22 =	vadd.s32 s14, v0;
	[tilespmem:s10+$0xFFFFFF00] =	vst v17  }
0xa4: {  	v36 =	vadd.s32 s14, v4;
	v37 =	vadd.s32 s15, v5;
	v17 =	vadd.s32 s14, v2;
	v25 =	vld.idx.msk [tilespmem:v25+s0+$0x0], $0xffff;
	[tilespmem:s10+$0xFFFFFF10] =	vst v9  }
0xa5: {  	v38 =	vadd.s32 s14, v5;
	v39 =	vadd.s32 s14, v6;
	v40 =	vadd.s32 s15, v6;
	v41 =	vld.idx.msk [tilespmem:v14+s0+$0x0], $0xffff;
	[tilespmem:s10+$0xFFFFFF20] =	vst v15  }
0xa6: {  	v42 =	vadd.s32 s14, v3;
	v44 =	vadd.s32 s15, v7;
	v15 =	vadd.s32 s14, v7;
	v43 =	vld.idx.msk [tilespmem:v13+s0+$0x0], $0xffff;
	[tilespmem:s10+$0xFFFFFF30] =	vst v23  }
0xa7: {  	v12 =	vadd.s32 s12, v7;
	v14 =	vadd.s32 s12, v5;
	v13 =	vadd.s32 s12, v6;
	v23 =	vld.idx.msk [tilespmem:v32+s0+$0x0], $0xffff;
	[tilespmem:s10+$0xFFFFFF40] =	vst v26  }
0xa8: {  	v11 =	vadd.s32 s12, v3;
	v26 =	vadd.s32 s12, v0;
	v32 =	vld.idx.msk [tilespmem:v35+s0+$0x0], $0xffff;
	[tilespmem:s10+$0xFFFFFF50] =	vst v28  }
0xa9: {  	v9 =	vmov v16;
	v28 =	vld.idx.msk [tilespmem:v37+s0+$0x0], $0xffff;
	[tilespmem:s10+$0xFFFFFF60] =	vst v30  }
0xaa: {  	v16 =	vld.idx.msk [tilespmem:v40+s0+$0x0], $0xffff;
	[tilespmem:s10+$0xFFFFFF70] =	vst v33;
	s10 =	sadd.s32 $0x200, s10  }
0xab: {  	v30 =	vld.idx.msk [tilespmem:v44+s0+$0x0], $0xffff;
	[tilespmem:s10+$0xF0] =	vst v41  }
0xac: {  	v21 =	vld.idx.msk [tilespmem:v21+s0+$0x0], $0xffff;
	[tilespmem:s10+$0x80] =	vst v25  }
0xad: {  	v24 =	vld.idx.msk [tilespmem:v24+s0+$0x0], $0xffff;
	[tilespmem:s10+$0x90] =	vst v43  }
0xae: {  	v20 =	vld.idx.msk [tilespmem:v20+s0+$0x0], $0xffff;
	[tilespmem:s10+$0xA0] =	vst v23  }
0xaf: {  	v23 =	vld.idx.msk [tilespmem:v27+s0+$0x0], $0xffff;
	[tilespmem:s10+$0xB0] =	vst v32  }
0xb0: {  	v19 =	vld.idx.msk [tilespmem:v19+s0+$0x0], $0xffff;
	[tilespmem:s10+$0xC0] =	vst v28  }
0xb1: {  	v25 =	vld.idx.msk [tilespmem:v29+s0+$0x0], $0xffff;
	[tilespmem:s10+$0xD0] =	vst v16  }
0xb2: {  	v16 =	vld.idx.msk [tilespmem:v18+s0+$0x0], $0xffff;
	[tilespmem:s10+$0xE0] =	vst v30  }
0xb3: {  	v18 =	vld.idx.msk [tilespmem:v31+s0+$0x0], $0xffff;
	[tilespmem:s10+$0xFFFFFF80] =	vst v21  }
0xb4: {  	[tilespmem:s10+$0xFFFFFF90] =	vst v24;
	v22 =	vld.idx.msk [tilespmem:v22+s0+$0x0], $0xffff  }
0xb5: {  	[tilespmem:s10+$0xFFFFFFA0] =	vst v20;
	v24 =	vld.idx.msk [tilespmem:v34+s0+$0x0], $0xffff  }
0xb6: {  	[tilespmem:s10+$0xFFFFFFB0] =	vst v23;
	v23 =	vld.idx.msk [tilespmem:v17+s0+$0x0], $0xffff  }
0xb7: {  	[tilespmem:s10+$0xFFFFFFC0] =	vst v19;
	v21 =	vld.idx.msk [tilespmem:v36+s0+$0x0], $0xffff  }
0xb8: {  	[tilespmem:s10+$0xFFFFFFD0] =	vst v25;
	v20 =	vld.idx.msk [tilespmem:v38+s0+$0x0], $0xffff  }
.Ltmp1:
0xb9: {  	[tilespmem:s10+$0xFFFFFFE0] =	vst v16;
	v19 =	vld.idx.msk [tilespmem:v39+s0+$0x0], $0xffff;
	(pc) =	sbr.rel @p0 .LBB2_4-.Ltmp1, $4  }
0xba: {  	[tilespmem:s10+$0xFFFFFFF0] =	vst v18;
	v18 =	vld.idx.msk [tilespmem:v15+s0+$0x0], $0xffff  }
0xbb: {  	v16 =	vld.idx.msk [tilespmem:v42+s0+$0x0], $0xffff;
	[tilespmem:s10+$0x0] =	vst v22  }
0xbc: {  	v17 =	vld.idx.msk [tilespmem:v26+s0+$0x0], $0xffff;
	[tilespmem:s10+$0x10] =	vst v24  }
0xbd: {  	s12 =	sadd.s32 $0x200, s12;
	v15 =	vld.idx.msk [tilespmem:v10+s0+$0x0], $0xffff;
	[tilespmem:s10+$0x20] =	vst v23  }
0xbe: {  	_ =	sdelay $0x3  }
0xbf: {  	v8 =	vld.idx.msk [tilespmem:v8+s0+$0x0], $0xffff  }
0xc0: {  	[tilespmem:s10+$0x30] =	vst v21;
	v10 =	vld.idx.msk [tilespmem:v14+s0+$0x0], $0xffff  }
0xc1: {  	[tilespmem:s10+$0x40] =	vst v20;
	v13 =	vld.idx.msk [tilespmem:v13+s0+$0x0], $0xffff  }
0xc2: {  	[tilespmem:s10+$0x50] =	vst v19;
	v12 =	vld.idx.msk [tilespmem:v12+s0+$0x0], $0xffff  }
0xc3: {  	v11 =	vld.idx.msk [tilespmem:v11+s0+$0x0], $0xffff;
	[tilespmem:s10+$0xFFFFFF10] =	vst v9  }
0xc4: {  	[tilespmem:s10+$0x60] =	vst v18  }
0xc5: {  	[tilespmem:s10+$0x70] =	vst v16  }
0xc6: {  	[tilespmem:s10+$0xFFFFFF00] =	vst v17  }
0xc7: {  	[tilespmem:s10+$0xFFFFFF20] =	vst v15  }
0xc8: {  	[tilespmem:s10+$0xFFFFFF30] =	vst v8  }
0xc9: {  	[tilespmem:s10+$0xFFFFFF40] =	vst v10  }
0xca: {  	[tilespmem:s10+$0xFFFFFF50] =	vst v13  }
0xcb: {  	[tilespmem:s10+$0xFFFFFF60] =	vst v12  }
0xcc: {  	[tilespmem:s10+$0xFFFFFF70] =	vst v11  }
0xcd: {  	s12 =	simm.s32 $0x0;
	s10 =	rddreg [dreg:$0x6]  }
0xce: {  	[hbm4b:s10+s12] =	stream.linear.scatter [tilespmem:s0], [sflag:$0x5], $0xA000, $0x38;
	[tilespmem:$0x1E080] =	vst v63  }
0xcf: {  	_ =	swait.ge [sflag:s5], $0xA000  }
0xd0: {  	s14 =	simm.s32 $0x180;
	[sflag:s5] =	ssyncset.done $0x0  }
0xd1: {  	v8 =	vadd.s32 s14, v0;
	s11 =	rddreg [dreg:$0x7];
	[sflag:s5] =	ssyncadd.s32 $0xFFFF6000  }
0xd2: {  	v9 =	vadd.s32 s14, v3;
	[tilespmem:s23], [sflag:$0x1] =	stream.linear.gather [hbm4b:s11+s12], $0xA000, $0x38;
	[tilespmem:$0x1E080] =	vst v63  }
0xd3: {  	v10 =	vadd.s32 s14, v1;
	_ =	swait.ge [sflag:s6], $0xA000  }
0xd4: {  	v11 =	vadd.s32 s14, v2;
	[sflag:s6] =	ssyncset.done $0x0  }
0xd5: {  	v12 =	vadd.s32 s14, v4;
	[sflag:s6] =	ssyncadd.s32 $0xFFFF6000  }
0xd6: {  	v13 =	vadd.s32 s14, v5;
	v8 =	vld.idx.msk [tilespmem:v8+s3+$0x0], $0xffff  }
0xd7: {  	v14 =	vadd.s32 s14, v6;
	v9 =	vld.idx.msk [tilespmem:v9+s3+$0x0], $0xffff  }
0xd8: {  	s15 =	simm.s32 $0x80;
	v15 =	vadd.s32 s14, v7;
	v10 =	vld.idx.msk [tilespmem:v10+s3+$0x0], $0xffff  }
0xd9: {  	v16 =	vadd.s32 s15, v0;
	v11 =	vld.idx.msk [tilespmem:v11+s3+$0x0], $0xffff  }
0xda: {  	v17 =	vadd.s32 s15, v1;
	v12 =	vld.idx.msk [tilespmem:v12+s3+$0x0], $0xffff  }
0xdb: {  	v18 =	vadd.s32 s15, v2;
	v13 =	vld.idx.msk [tilespmem:v13+s3+$0x0], $0xffff  }
0xdc: {  	v19 =	vadd.s32 s15, v4;
	v14 =	vld.idx.msk [tilespmem:v14+s3+$0x0], $0xffff  }
0xdd: {  	v20 =	vadd.s32 s15, v5;
	s10 =	simm.s32 $0x14180;
	v15 =	vld.idx.msk [tilespmem:v15+s3+$0x0], $0xffff  }
0xde: {  	v21 =	vadd.s32 s15, v6;
	[tilespmem:s10+$0xF0] =	vst v9;
	v9 =	vld.idx.msk [tilespmem:v16+s3+$0x0], $0xffff  }
0xdf: {  	v16 =	vadd.s32 s15, v7;
	[tilespmem:s10+$0x80] =	vst v8;
	v8 =	vld.idx.msk [tilespmem:v17+s3+$0x0], $0xffff  }
0xe0: {  	s13 =	simm.s32 $0x100;
	v17 =	vadd.s32 s15, v3;
	[tilespmem:s10+$0x90] =	vst v10;
	v10 =	vld.idx.msk [tilespmem:v18+s3+$0x0], $0xffff  }
0xe1: {  	v18 =	vadd.s32 s13, v0;
	[tilespmem:s10+$0xA0] =	vst v11;
	v11 =	vld.idx.msk [tilespmem:v19+s3+$0x0], $0xffff  }
0xe2: {  	v19 =	vadd.s32 s13, v1;
	[tilespmem:s10+$0xB0] =	vst v12;
	v12 =	vld.idx.msk [tilespmem:v20+s3+$0x0], $0xffff  }
0xe3: {  	v20 =	vadd.s32 s13, v2;
	[tilespmem:s10+$0xC0] =	vst v13;
	v13 =	vld.idx.msk [tilespmem:v21+s3+$0x0], $0xffff  }
0xe4: {  	v21 =	vadd.s32 s13, v4;
	[tilespmem:s10+$0xD0] =	vst v14;
	v14 =	vld.idx.msk [tilespmem:v16+s3+$0x0], $0xffff  }
0xe5: {  	[tilespmem:s10+$0xE0] =	vst v15;
	v16 =	vadd.s32 s13, v5;
	v15 =	vld.idx.msk [tilespmem:v17+s3+$0x0], $0xffff  }
0xe6: {  	v17 =	vadd.s32 s13, v6;
	[tilespmem:s10+$0xFFFFFF80] =	vst v9;
	v22 =	vld.idx.msk [tilespmem:v18+s3+$0x0], $0xffff  }
0xe7: {  	[tilespmem:s10+$0xFFFFFF90] =	vst v8;
	v23 =	vld.idx.msk [tilespmem:v19+s3+$0x0], $0xffff;
	v8 =	vadd.s32 s13, v3  }
0xe8: {  	v9 =	vadd.s32 s13, v7;
	[tilespmem:s10+$0xFFFFFFA0] =	vst v10;
	v10 =	vld.idx.msk [tilespmem:v20+s3+$0x0], $0xffff  }
0xe9: {  	v24 =	vadd.s32 s12, v1;
	[tilespmem:s10+$0xFFFFFFB0] =	vst v11;
	v21 =	vld.idx.msk [tilespmem:v21+s3+$0x0], $0xffff  }
0xea: {  	v11 =	vadd.s32 s12, v0;
	[tilespmem:s10+$0xFFFFFFC0] =	vst v12;
	v20 =	vld.idx.msk [tilespmem:v16+s3+$0x0], $0xffff  }
0xeb: {  	v25 =	vadd.s32 s12, v2;
	[tilespmem:s10+$0xFFFFFFD0] =	vst v13;
	v19 =	vld.idx.msk [tilespmem:v17+s3+$0x0], $0xffff  }
0xec: {  	[tilespmem:s10+$0xFFFFFFE0] =	vst v14;
	v16 =	vld.idx.msk [tilespmem:v8+s3+$0x0], $0xffff;
	v8 =	vadd.s32 s12, v4  }
0xed: {  	v18 =	vld.idx.msk [tilespmem:v9+s3+$0x0], $0xffff;
	[tilespmem:s10+$0xFFFFFFF0] =	vst v15;
	v14 =	vadd.s32 s12, v5  }
0xee: {  	v13 =	vadd.s32 s12, v6;
	v9 =	vld.idx.msk [tilespmem:v24+s3+$0x0], $0xffff;
	[tilespmem:s10+$0x0] =	vst v22  }
0xef: {  	v12 =	vadd.s32 s12, v7;
	v17 =	vld.idx.msk [tilespmem:v11+s3+$0x0], $0xffff;
	[tilespmem:s10+$0x10] =	vst v23  }
0xf0: {  	s11 =	simm.s32 $0x0;
	v11 =	vadd.s32 s12, v3;
	v15 =	vld.idx.msk [tilespmem:v25+s3+$0x0], $0xffff;
	[tilespmem:s10+$0x20] =	vst v10;
	s12 =	simm.s32 $0x200  }
.LBB2_6:
0xf1: {  	v22 =	vadd.s32 s12, v1;
	v10 =	vadd.s32 s12, v2;
	s13 =	sadd.s32 $0x80, s12;
	s14 =	sadd.s32 $0x100, s12;
	s15 =	sadd.s32 $0x180, s12;
	v23 =	vld.idx.msk [tilespmem:v8+s3+$0x0], $0xffff;
	v8 =	vadd.s32 s12, v4;
	[tilespmem:s10+$0x30] =	vst v21  }
0xf2: {  	s11 =	sadd.s32 $0x4, s11;
	v21 =	vadd.s32 s13, v0;
	v24 =	vadd.s32 s13, v1;
	v25 =	vadd.s32 s15, v0;
	v26 =	vld.idx.msk [tilespmem:v14+s3+$0x0], $0xffff;
	[tilespmem:s10+$0x40] =	vst v20  }
0xf3: {  	v20 =	vadd.s32 s13, v2;
	v27 =	vadd.s32 s13, v4;
	v14 =	vadd.s32 s15, v3;
	p0 =	slt.u32 s11, $0x13C;
	v28 =	vld.idx.msk [tilespmem:v13+s3+$0x0], $0xffff;
	[tilespmem:s10+$0x50] =	vst v19  }
0xf4: {  	v29 =	vadd.s32 s13, v6;
	v19 =	vadd.s32 s13, v5;
	v13 =	vadd.s32 s15, v1;
	v30 =	vld.idx.msk [tilespmem:v12+s3+$0x0], $0xffff;
	[tilespmem:s10+$0x60] =	vst v18  }
0xf5: {  	v31 =	vadd.s32 s13, v3;
	v32 =	vadd.s32 s15, v2;
	v18 =	vadd.s32 s13, v7;
	v33 =	vld.idx.msk [tilespmem:v11+s3+$0x0], $0xffff;
	[tilespmem:s10+$0x70] =	vst v16  }
0xf6: {  	v34 =	vadd.s32 s14, v1;
	v35 =	vadd.s32 s15, v4;
	v16 =	vld.idx.msk [tilespmem:v22+s3+$0x0], $0xffff;
	v22 =	vadd.s32 s14, v0;
	[tilespmem:s10+$0xFFFFFF00] =	vst v17  }
0xf7: {  	v36 =	vadd.s32 s14, v4;
	v37 =	vadd.s32 s15, v5;
	v17 =	vadd.s32 s14, v2;
	v25 =	vld.idx.msk [tilespmem:v25+s3+$0x0], $0xffff;
	[tilespmem:s10+$0xFFFFFF10] =	vst v9  }
0xf8: {  	v38 =	vadd.s32 s14, v5;
	v39 =	vadd.s32 s14, v6;
	v40 =	vadd.s32 s15, v6;
	v41 =	vld.idx.msk [tilespmem:v14+s3+$0x0], $0xffff;
	[tilespmem:s10+$0xFFFFFF20] =	vst v15  }
0xf9: {  	v42 =	vadd.s32 s14, v3;
	v44 =	vadd.s32 s15, v7;
	v15 =	vadd.s32 s14, v7;
	v43 =	vld.idx.msk [tilespmem:v13+s3+$0x0], $0xffff;
	[tilespmem:s10+$0xFFFFFF30] =	vst v23  }
0xfa: {  	v12 =	vadd.s32 s12, v7;
	v14 =	vadd.s32 s12, v5;
	v13 =	vadd.s32 s12, v6;
	v23 =	vld.idx.msk [tilespmem:v32+s3+$0x0], $0xffff;
	[tilespmem:s10+$0xFFFFFF40] =	vst v26  }
0xfb: {  	v11 =	vadd.s32 s12, v3;
	v26 =	vadd.s32 s12, v0;
	v32 =	vld.idx.msk [tilespmem:v35+s3+$0x0], $0xffff;
	[tilespmem:s10+$0xFFFFFF50] =	vst v28  }
0xfc: {  	v9 =	vmov v16;
	v28 =	vld.idx.msk [tilespmem:v37+s3+$0x0], $0xffff;
	[tilespmem:s10+$0xFFFFFF60] =	vst v30  }
0xfd: {  	v16 =	vld.idx.msk [tilespmem:v40+s3+$0x0], $0xffff;
	[tilespmem:s10+$0xFFFFFF70] =	vst v33;
	s10 =	sadd.s32 $0x200, s10  }
0xfe: {  	v30 =	vld.idx.msk [tilespmem:v44+s3+$0x0], $0xffff;
	[tilespmem:s10+$0xF0] =	vst v41  }
0xff: {  	v21 =	vld.idx.msk [tilespmem:v21+s3+$0x0], $0xffff;
	[tilespmem:s10+$0x80] =	vst v25  }
0x100: {  	v24 =	vld.idx.msk [tilespmem:v24+s3+$0x0], $0xffff;
	[tilespmem:s10+$0x90] =	vst v43  }
0x101: {  	v20 =	vld.idx.msk [tilespmem:v20+s3+$0x0], $0xffff;
	[tilespmem:s10+$0xA0] =	vst v23  }
0x102: {  	v23 =	vld.idx.msk [tilespmem:v27+s3+$0x0], $0xffff;
	[tilespmem:s10+$0xB0] =	vst v32  }
0x103: {  	v19 =	vld.idx.msk [tilespmem:v19+s3+$0x0], $0xffff;
	[tilespmem:s10+$0xC0] =	vst v28  }
0x104: {  	v25 =	vld.idx.msk [tilespmem:v29+s3+$0x0], $0xffff;
	[tilespmem:s10+$0xD0] =	vst v16  }
0x105: {  	v16 =	vld.idx.msk [tilespmem:v18+s3+$0x0], $0xffff;
	[tilespmem:s10+$0xE0] =	vst v30  }
0x106: {  	v18 =	vld.idx.msk [tilespmem:v31+s3+$0x0], $0xffff;
	[tilespmem:s10+$0xFFFFFF80] =	vst v21  }
0x107: {  	[tilespmem:s10+$0xFFFFFF90] =	vst v24;
	v22 =	vld.idx.msk [tilespmem:v22+s3+$0x0], $0xffff  }
0x108: {  	[tilespmem:s10+$0xFFFFFFA0] =	vst v20;
	v24 =	vld.idx.msk [tilespmem:v34+s3+$0x0], $0xffff  }
0x109: {  	[tilespmem:s10+$0xFFFFFFB0] =	vst v23;
	v23 =	vld.idx.msk [tilespmem:v17+s3+$0x0], $0xffff  }
0x10a: {  	[tilespmem:s10+$0xFFFFFFC0] =	vst v19;
	v21 =	vld.idx.msk [tilespmem:v36+s3+$0x0], $0xffff  }
0x10b: {  	[tilespmem:s10+$0xFFFFFFD0] =	vst v25;
	v20 =	vld.idx.msk [tilespmem:v38+s3+$0x0], $0xffff  }
.Ltmp2:
0x10c: {  	[tilespmem:s10+$0xFFFFFFE0] =	vst v16;
	v19 =	vld.idx.msk [tilespmem:v39+s3+$0x0], $0xffff;
	(pc) =	sbr.rel @p0 .LBB2_6-.Ltmp2, $4  }
0x10d: {  	[tilespmem:s10+$0xFFFFFFF0] =	vst v18;
	v18 =	vld.idx.msk [tilespmem:v15+s3+$0x0], $0xffff  }
0x10e: {  	v16 =	vld.idx.msk [tilespmem:v42+s3+$0x0], $0xffff;
	[tilespmem:s10+$0x0] =	vst v22  }
0x10f: {  	v17 =	vld.idx.msk [tilespmem:v26+s3+$0x0], $0xffff;
	[tilespmem:s10+$0x10] =	vst v24  }
0x110: {  	s12 =	sadd.s32 $0x200, s12;
	v15 =	vld.idx.msk [tilespmem:v10+s3+$0x0], $0xffff;
	[tilespmem:s10+$0x20] =	vst v23  }
0x111: {  	_ =	sdelay $0x3  }
0x112: {  	v8 =	vld.idx.msk [tilespmem:v8+s3+$0x0], $0xffff  }
0x113: {  	[tilespmem:s10+$0x30] =	vst v21;
	v10 =	vld.idx.msk [tilespmem:v14+s3+$0x0], $0xffff  }
0x114: {  	[tilespmem:s10+$0x40] =	vst v20;
	v13 =	vld.idx.msk [tilespmem:v13+s3+$0x0], $0xffff  }
0x115: {  	[tilespmem:s10+$0x50] =	vst v19;
	v12 =	vld.idx.msk [tilespmem:v12+s3+$0x0], $0xffff  }
0x116: {  	v11 =	vld.idx.msk [tilespmem:v11+s3+$0x0], $0xffff;
	[tilespmem:s10+$0xFFFFFF10] =	vst v9  }
0x117: {  	[tilespmem:s10+$0x60] =	vst v18  }
0x118: {  	[tilespmem:s10+$0x70] =	vst v16  }
0x119: {  	[tilespmem:s10+$0xFFFFFF00] =	vst v17  }
0x11a: {  	[tilespmem:s10+$0xFFFFFF20] =	vst v15  }
0x11b: {  	[tilespmem:s10+$0xFFFFFF30] =	vst v8  }
0x11c: {  	[tilespmem:s10+$0xFFFFFF40] =	vst v10  }
0x11d: {  	[tilespmem:s10+$0xFFFFFF50] =	vst v13  }
0x11e: {  	[tilespmem:s10+$0xFFFFFF60] =	vst v12  }
0x11f: {  	[tilespmem:s10+$0xFFFFFF70] =	vst v11  }
0x120: {  	s12 =	simm.s32 $0x0;
	s10 =	rddreg [dreg:$0x8]  }
0x121: {  	[hbm4b:s10+s12] =	stream.linear.scatter [tilespmem:s3], [sflag:$0x6], $0xA000, $0x38;
	[tilespmem:$0x1E080] =	vst v63  }
0x122: {  	_ =	swait.ge [sflag:s7], $0xA000  }
0x123: {  	s14 =	simm.s32 $0x180;
	[sflag:s7] =	ssyncset.done $0x0  }
0x124: {  	v8 =	vadd.s32 s14, v0;
	s11 =	rddreg [dreg:$0x9];
	[sflag:s7] =	ssyncadd.s32 $0xFFFF6000  }
0x125: {  	v9 =	vadd.s32 s14, v3;
	[tilespmem:s0], [sflag:$0x2] =	stream.linear.gather [hbm4b:s11+s12], $0xA000, $0x38;
	[tilespmem:$0x1E080] =	vst v63  }
0x126: {  	v10 =	vadd.s32 s14, v1;
	_ =	swait.ge [sflag:s2], $0xA000  }
0x127: {  	v11 =	vadd.s32 s14, v2;
	[sflag:s2] =	ssyncset.done $0x0  }
0x128: {  	v12 =	vadd.s32 s14, v4;
	[sflag:s2] =	ssyncadd.s32 $0xFFFF6000  }
0x129: {  	v13 =	vadd.s32 s14, v5;
	v8 =	vld.idx.msk [tilespmem:v8+s23+$0x0], $0xffff  }
0x12a: {  	v14 =	vadd.s32 s14, v6;
	v9 =	vld.idx.msk [tilespmem:v9+s23+$0x0], $0xffff  }
0x12b: {  	s15 =	simm.s32 $0x80;
	v15 =	vadd.s32 s14, v7;
	v10 =	vld.idx.msk [tilespmem:v10+s23+$0x0], $0xffff  }
0x12c: {  	v16 =	vadd.s32 s15, v0;
	v11 =	vld.idx.msk [tilespmem:v11+s23+$0x0], $0xffff  }
0x12d: {  	v17 =	vadd.s32 s15, v1;
	v12 =	vld.idx.msk [tilespmem:v12+s23+$0x0], $0xffff  }
0x12e: {  	v18 =	vadd.s32 s15, v2;
	v13 =	vld.idx.msk [tilespmem:v13+s23+$0x0], $0xffff  }
0x12f: {  	v19 =	vadd.s32 s15, v4;
	v14 =	vld.idx.msk [tilespmem:v14+s23+$0x0], $0xffff  }
0x130: {  	v20 =	vadd.s32 s15, v5;
	s10 =	simm.s32 $0x180;
	v15 =	vld.idx.msk [tilespmem:v15+s23+$0x0], $0xffff  }
0x131: {  	v21 =	vadd.s32 s15, v6;
	[tilespmem:s10+$0xF0] =	vst v9;
	v9 =	vld.idx.msk [tilespmem:v16+s23+$0x0], $0xffff  }
0x132: {  	v16 =	vadd.s32 s15, v7;
	[tilespmem:s10+$0x80] =	vst v8;
	v8 =	vld.idx.msk [tilespmem:v17+s23+$0x0], $0xffff  }
0x133: {  	s13 =	simm.s32 $0x100;
	v17 =	vadd.s32 s15, v3;
	[tilespmem:s10+$0x90] =	vst v10;
	v10 =	vld.idx.msk [tilespmem:v18+s23+$0x0], $0xffff  }
0x134: {  	v18 =	vadd.s32 s13, v0;
	[tilespmem:s10+$0xA0] =	vst v11;
	v11 =	vld.idx.msk [tilespmem:v19+s23+$0x0], $0xffff  }
0x135: {  	v19 =	vadd.s32 s13, v1;
	[tilespmem:s10+$0xB0] =	vst v12;
	v12 =	vld.idx.msk [tilespmem:v20+s23+$0x0], $0xffff  }
0x136: {  	v20 =	vadd.s32 s13, v2;
	[tilespmem:s10+$0xC0] =	vst v13;
	v13 =	vld.idx.msk [tilespmem:v21+s23+$0x0], $0xffff  }
0x137: {  	v21 =	vadd.s32 s13, v4;
	[tilespmem:s10+$0xD0] =	vst v14;
	v14 =	vld.idx.msk [tilespmem:v16+s23+$0x0], $0xffff  }
0x138: {  	[tilespmem:s10+$0xE0] =	vst v15;
	v16 =	vadd.s32 s13, v5;
	v15 =	vld.idx.msk [tilespmem:v17+s23+$0x0], $0xffff  }
0x139: {  	v17 =	vadd.s32 s13, v6;
	[tilespmem:s10+$0xFFFFFF80] =	vst v9;
	v22 =	vld.idx.msk [tilespmem:v18+s23+$0x0], $0xffff  }
0x13a: {  	[tilespmem:s10+$0xFFFFFF90] =	vst v8;
	v23 =	vld.idx.msk [tilespmem:v19+s23+$0x0], $0xffff;
	v8 =	vadd.s32 s13, v3  }
0x13b: {  	v9 =	vadd.s32 s13, v7;
	[tilespmem:s10+$0xFFFFFFA0] =	vst v10;
	v10 =	vld.idx.msk [tilespmem:v20+s23+$0x0], $0xffff  }
0x13c: {  	v24 =	vadd.s32 s12, v1;
	[tilespmem:s10+$0xFFFFFFB0] =	vst v11;
	v21 =	vld.idx.msk [tilespmem:v21+s23+$0x0], $0xffff  }
0x13d: {  	v11 =	vadd.s32 s12, v0;
	[tilespmem:s10+$0xFFFFFFC0] =	vst v12;
	v20 =	vld.idx.msk [tilespmem:v16+s23+$0x0], $0xffff  }
0x13e: {  	v25 =	vadd.s32 s12, v2;
	[tilespmem:s10+$0xFFFFFFD0] =	vst v13;
	v19 =	vld.idx.msk [tilespmem:v17+s23+$0x0], $0xffff  }
0x13f: {  	[tilespmem:s10+$0xFFFFFFE0] =	vst v14;
	v16 =	vld.idx.msk [tilespmem:v8+s23+$0x0], $0xffff;
	v8 =	vadd.s32 s12, v4  }
0x140: {  	v18 =	vld.idx.msk [tilespmem:v9+s23+$0x0], $0xffff;
	[tilespmem:s10+$0xFFFFFFF0] =	vst v15;
	v14 =	vadd.s32 s12, v5  }
0x141: {  	v13 =	vadd.s32 s12, v6;
	v9 =	vld.idx.msk [tilespmem:v24+s23+$0x0], $0xffff;
	[tilespmem:s10+$0x0] =	vst v22  }
0x142: {  	v12 =	vadd.s32 s12, v7;
	v17 =	vld.idx.msk [tilespmem:v11+s23+$0x0], $0xffff;
	[tilespmem:s10+$0x10] =	vst v23  }
0x143: {  	s11 =	simm.s32 $0x0;
	v11 =	vadd.s32 s12, v3;
	v15 =	vld.idx.msk [tilespmem:v25+s23+$0x0], $0xffff;
	[tilespmem:s10+$0x20] =	vst v10;
	s12 =	simm.s32 $0x200  }
.LBB2_8:
0x144: {  	v22 =	vadd.s32 s12, v1;
	v10 =	vadd.s32 s12, v2;
	s13 =	sadd.s32 $0x80, s12;
	s14 =	sadd.s32 $0x100, s12;
	s15 =	sadd.s32 $0x180, s12;
	v23 =	vld.idx.msk [tilespmem:v8+s23+$0x0], $0xffff;
	v8 =	vadd.s32 s12, v4;
	[tilespmem:s10+$0x30] =	vst v21  }
0x145: {  	s11 =	sadd.s32 $0x4, s11;
	v21 =	vadd.s32 s13, v0;
	v24 =	vadd.s32 s13, v1;
	v25 =	vadd.s32 s15, v0;
	v26 =	vld.idx.msk [tilespmem:v14+s23+$0x0], $0xffff;
	[tilespmem:s10+$0x40] =	vst v20  }
0x146: {  	v20 =	vadd.s32 s13, v2;
	v27 =	vadd.s32 s13, v4;
	v14 =	vadd.s32 s15, v3;
	p0 =	slt.u32 s11, $0x13C;
	v28 =	vld.idx.msk [tilespmem:v13+s23+$0x0], $0xffff;
	[tilespmem:s10+$0x50] =	vst v19  }
0x147: {  	v29 =	vadd.s32 s13, v6;
	v19 =	vadd.s32 s13, v5;
	v13 =	vadd.s32 s15, v1;
	v30 =	vld.idx.msk [tilespmem:v12+s23+$0x0], $0xffff;
	[tilespmem:s10+$0x60] =	vst v18  }
0x148: {  	v31 =	vadd.s32 s13, v3;
	v32 =	vadd.s32 s15, v2;
	v18 =	vadd.s32 s13, v7;
	v33 =	vld.idx.msk [tilespmem:v11+s23+$0x0], $0xffff;
	[tilespmem:s10+$0x70] =	vst v16  }
0x149: {  	v34 =	vadd.s32 s14, v1;
	v35 =	vadd.s32 s15, v4;
	v16 =	vld.idx.msk [tilespmem:v22+s23+$0x0], $0xffff;
	v22 =	vadd.s32 s14, v0;
	[tilespmem:s10+$0xFFFFFF00] =	vst v17  }
0x14a: {  	v36 =	vadd.s32 s14, v4;
	v37 =	vadd.s32 s15, v5;
	v17 =	vadd.s32 s14, v2;
	v25 =	vld.idx.msk [tilespmem:v25+s23+$0x0], $0xffff;
	[tilespmem:s10+$0xFFFFFF10] =	vst v9  }
0x14b: {  	v38 =	vadd.s32 s14, v5;
	v39 =	vadd.s32 s14, v6;
	v40 =	vadd.s32 s15, v6;
	v41 =	vld.idx.msk [tilespmem:v14+s23+$0x0], $0xffff;
	[tilespmem:s10+$0xFFFFFF20] =	vst v15  }
0x14c: {  	v42 =	vadd.s32 s14, v3;
	v44 =	vadd.s32 s15, v7;
	v15 =	vadd.s32 s14, v7;
	v43 =	vld.idx.msk [tilespmem:v13+s23+$0x0], $0xffff;
	[tilespmem:s10+$0xFFFFFF30] =	vst v23  }
0x14d: {  	v12 =	vadd.s32 s12, v7;
	v14 =	vadd.s32 s12, v5;
	v13 =	vadd.s32 s12, v6;
	v23 =	vld.idx.msk [tilespmem:v32+s23+$0x0], $0xffff;
	[tilespmem:s10+$0xFFFFFF40] =	vst v26  }
0x14e: {  	v11 =	vadd.s32 s12, v3;
	v26 =	vadd.s32 s12, v0;
	v32 =	vld.idx.msk [tilespmem:v35+s23+$0x0], $0xffff;
	[tilespmem:s10+$0xFFFFFF50] =	vst v28  }
0x14f: {  	v9 =	vmov v16;
	v28 =	vld.idx.msk [tilespmem:v37+s23+$0x0], $0xffff;
	[tilespmem:s10+$0xFFFFFF60] =	vst v30  }
0x150: {  	v16 =	vld.idx.msk [tilespmem:v40+s23+$0x0], $0xffff;
	[tilespmem:s10+$0xFFFFFF70] =	vst v33;
	s10 =	sadd.s32 $0x200, s10  }
0x151: {  	v30 =	vld.idx.msk [tilespmem:v44+s23+$0x0], $0xffff;
	[tilespmem:s10+$0xF0] =	vst v41  }
0x152: {  	v21 =	vld.idx.msk [tilespmem:v21+s23+$0x0], $0xffff;
	[tilespmem:s10+$0x80] =	vst v25  }
0x153: {  	v24 =	vld.idx.msk [tilespmem:v24+s23+$0x0], $0xffff;
	[tilespmem:s10+$0x90] =	vst v43  }
0x154: {  	v20 =	vld.idx.msk [tilespmem:v20+s23+$0x0], $0xffff;
	[tilespmem:s10+$0xA0] =	vst v23  }
0x155: {  	v23 =	vld.idx.msk [tilespmem:v27+s23+$0x0], $0xffff;
	[tilespmem:s10+$0xB0] =	vst v32  }
0x156: {  	v19 =	vld.idx.msk [tilespmem:v19+s23+$0x0], $0xffff;
	[tilespmem:s10+$0xC0] =	vst v28  }
0x157: {  	v25 =	vld.idx.msk [tilespmem:v29+s23+$0x0], $0xffff;
	[tilespmem:s10+$0xD0] =	vst v16  }
0x158: {  	v16 =	vld.idx.msk [tilespmem:v18+s23+$0x0], $0xffff;
	[tilespmem:s10+$0xE0] =	vst v30  }
0x159: {  	v18 =	vld.idx.msk [tilespmem:v31+s23+$0x0], $0xffff;
	[tilespmem:s10+$0xFFFFFF80] =	vst v21  }
0x15a: {  	[tilespmem:s10+$0xFFFFFF90] =	vst v24;
	v22 =	vld.idx.msk [tilespmem:v22+s23+$0x0], $0xffff  }
0x15b: {  	[tilespmem:s10+$0xFFFFFFA0] =	vst v20;
	v24 =	vld.idx.msk [tilespmem:v34+s23+$0x0], $0xffff  }
0x15c: {  	[tilespmem:s10+$0xFFFFFFB0] =	vst v23;
	v23 =	vld.idx.msk [tilespmem:v17+s23+$0x0], $0xffff  }
0x15d: {  	[tilespmem:s10+$0xFFFFFFC0] =	vst v19;
	v21 =	vld.idx.msk [tilespmem:v36+s23+$0x0], $0xffff  }
0x15e: {  	[tilespmem:s10+$0xFFFFFFD0] =	vst v25;
	v20 =	vld.idx.msk [tilespmem:v38+s23+$0x0], $0xffff  }
.Ltmp3:
0x15f: {  	[tilespmem:s10+$0xFFFFFFE0] =	vst v16;
	v19 =	vld.idx.msk [tilespmem:v39+s23+$0x0], $0xffff;
	(pc) =	sbr.rel @p0 .LBB2_8-.Ltmp3, $4  }
0x160: {  	[tilespmem:s10+$0xFFFFFFF0] =	vst v18;
	v18 =	vld.idx.msk [tilespmem:v15+s23+$0x0], $0xffff  }
0x161: {  	v16 =	vld.idx.msk [tilespmem:v42+s23+$0x0], $0xffff;
	[tilespmem:s10+$0x0] =	vst v22  }
0x162: {  	v17 =	vld.idx.msk [tilespmem:v26+s23+$0x0], $0xffff;
	[tilespmem:s10+$0x10] =	vst v24  }
0x163: {  	s12 =	sadd.s32 $0x200, s12;
	v15 =	vld.idx.msk [tilespmem:v10+s23+$0x0], $0xffff;
	[tilespmem:s10+$0x20] =	vst v23  }
0x164: {  	_ =	sdelay $0x3  }
0x165: {  	v8 =	vld.idx.msk [tilespmem:v8+s23+$0x0], $0xffff  }
0x166: {  	[tilespmem:s10+$0x30] =	vst v21;
	v10 =	vld.idx.msk [tilespmem:v14+s23+$0x0], $0xffff  }
0x167: {  	[tilespmem:s10+$0x40] =	vst v20;
	v13 =	vld.idx.msk [tilespmem:v13+s23+$0x0], $0xffff  }
0x168: {  	[tilespmem:s10+$0x50] =	vst v19;
	v12 =	vld.idx.msk [tilespmem:v12+s23+$0x0], $0xffff  }
0x169: {  	v11 =	vld.idx.msk [tilespmem:v11+s23+$0x0], $0xffff;
	[tilespmem:s10+$0xFFFFFF10] =	vst v9  }
0x16a: {  	[tilespmem:s10+$0x60] =	vst v18  }
0x16b: {  	[tilespmem:s10+$0x70] =	vst v16  }
0x16c: {  	[tilespmem:s10+$0xFFFFFF00] =	vst v17  }
0x16d: {  	[tilespmem:s10+$0xFFFFFF20] =	vst v15  }
0x16e: {  	[tilespmem:s10+$0xFFFFFF30] =	vst v8  }
0x16f: {  	[tilespmem:s10+$0xFFFFFF40] =	vst v10  }
0x170: {  	[tilespmem:s10+$0xFFFFFF50] =	vst v13  }
0x171: {  	[tilespmem:s10+$0xFFFFFF60] =	vst v12  }
0x172: {  	[tilespmem:s10+$0xFFFFFF70] =	vst v11  }
0x173: {  	s12 =	simm.s32 $0x0;
	s10 =	rddreg [dreg:$0xa]  }
0x174: {  	[hbm4b:s10+s12] =	stream.linear.scatter [tilespmem:s23], [sflag:$0x4], $0xA000, $0x38;
	[tilespmem:$0x1E080] =	vst v63  }
0x175: {  	_ =	swait.ge [sflag:s8], $0xA000  }
0x176: {  	s14 =	simm.s32 $0x180;
	[sflag:s8] =	ssyncset.done $0x0  }
0x177: {  	v8 =	vadd.s32 s14, v0;
	s11 =	rddreg [dreg:$0xb];
	[sflag:s8] =	ssyncadd.s32 $0xFFFF6000  }
0x178: {  	v9 =	vadd.s32 s14, v3;
	[tilespmem:s3], [sflag:$0x3] =	stream.linear.gather [hbm4b:s11+s12], $0xA000, $0x38;
	[tilespmem:$0x1E080] =	vst v63  }
0x179: {  	v10 =	vadd.s32 s14, v1;
	_ =	swait.ge [sflag:s4], $0xA000  }
0x17a: {  	v11 =	vadd.s32 s14, v2;
	[sflag:s4] =	ssyncset.done $0x0  }
0x17b: {  	v12 =	vadd.s32 s14, v4;
	[sflag:s4] =	ssyncadd.s32 $0xFFFF6000  }
0x17c: {  	v13 =	vadd.s32 s14, v5;
	v8 =	vld.idx.msk [tilespmem:v8+s0+$0x0], $0xffff  }
0x17d: {  	v14 =	vadd.s32 s14, v6;
	v9 =	vld.idx.msk [tilespmem:v9+s0+$0x0], $0xffff  }
0x17e: {  	s15 =	simm.s32 $0x80;
	v15 =	vadd.s32 s14, v7;
	v10 =	vld.idx.msk [tilespmem:v10+s0+$0x0], $0xffff  }
0x17f: {  	v16 =	vadd.s32 s15, v0;
	v11 =	vld.idx.msk [tilespmem:v11+s0+$0x0], $0xffff  }
0x180: {  	v17 =	vadd.s32 s15, v1;
	v12 =	vld.idx.msk [tilespmem:v12+s0+$0x0], $0xffff  }
0x181: {  	v18 =	vadd.s32 s15, v2;
	v13 =	vld.idx.msk [tilespmem:v13+s0+$0x0], $0xffff  }
0x182: {  	v19 =	vadd.s32 s15, v4;
	v14 =	vld.idx.msk [tilespmem:v14+s0+$0x0], $0xffff  }
0x183: {  	v20 =	vadd.s32 s15, v5;
	s10 =	simm.s32 $0xA180;
	v15 =	vld.idx.msk [tilespmem:v15+s0+$0x0], $0xffff  }
0x184: {  	v21 =	vadd.s32 s15, v6;
	[tilespmem:s10+$0xF0] =	vst v9;
	v9 =	vld.idx.msk [tilespmem:v16+s0+$0x0], $0xffff  }
0x185: {  	v16 =	vadd.s32 s15, v7;
	[tilespmem:s10+$0x80] =	vst v8;
	v8 =	vld.idx.msk [tilespmem:v17+s0+$0x0], $0xffff  }
0x186: {  	s13 =	simm.s32 $0x100;
	v17 =	vadd.s32 s15, v3;
	[tilespmem:s10+$0x90] =	vst v10;
	v10 =	vld.idx.msk [tilespmem:v18+s0+$0x0], $0xffff  }
0x187: {  	v18 =	vadd.s32 s13, v0;
	[tilespmem:s10+$0xA0] =	vst v11;
	v11 =	vld.idx.msk [tilespmem:v19+s0+$0x0], $0xffff  }
0x188: {  	v19 =	vadd.s32 s13, v1;
	[tilespmem:s10+$0xB0] =	vst v12;
	v12 =	vld.idx.msk [tilespmem:v20+s0+$0x0], $0xffff  }
0x189: {  	v20 =	vadd.s32 s13, v2;
	[tilespmem:s10+$0xC0] =	vst v13;
	v13 =	vld.idx.msk [tilespmem:v21+s0+$0x0], $0xffff  }
0x18a: {  	v21 =	vadd.s32 s13, v4;
	[tilespmem:s10+$0xD0] =	vst v14;
	v14 =	vld.idx.msk [tilespmem:v16+s0+$0x0], $0xffff  }
0x18b: {  	[tilespmem:s10+$0xE0] =	vst v15;
	v16 =	vadd.s32 s13, v5;
	v15 =	vld.idx.msk [tilespmem:v17+s0+$0x0], $0xffff  }
0x18c: {  	v17 =	vadd.s32 s13, v6;
	[tilespmem:s10+$0xFFFFFF80] =	vst v9;
	v22 =	vld.idx.msk [tilespmem:v18+s0+$0x0], $0xffff  }
0x18d: {  	[tilespmem:s10+$0xFFFFFF90] =	vst v8;
	v23 =	vld.idx.msk [tilespmem:v19+s0+$0x0], $0xffff;
	v8 =	vadd.s32 s13, v3  }
0x18e: {  	v9 =	vadd.s32 s13, v7;
	[tilespmem:s10+$0xFFFFFFA0] =	vst v10;
	v10 =	vld.idx.msk [tilespmem:v20+s0+$0x0], $0xffff  }
0x18f: {  	v24 =	vadd.s32 s12, v1;
	[tilespmem:s10+$0xFFFFFFB0] =	vst v11;
	v21 =	vld.idx.msk [tilespmem:v21+s0+$0x0], $0xffff  }
0x190: {  	v11 =	vadd.s32 s12, v0;
	[tilespmem:s10+$0xFFFFFFC0] =	vst v12;
	v20 =	vld.idx.msk [tilespmem:v16+s0+$0x0], $0xffff  }
0x191: {  	v25 =	vadd.s32 s12, v2;
	[tilespmem:s10+$0xFFFFFFD0] =	vst v13;
	v19 =	vld.idx.msk [tilespmem:v17+s0+$0x0], $0xffff  }
0x192: {  	[tilespmem:s10+$0xFFFFFFE0] =	vst v14;
	v16 =	vld.idx.msk [tilespmem:v8+s0+$0x0], $0xffff;
	v8 =	vadd.s32 s12, v4  }
0x193: {  	v18 =	vld.idx.msk [tilespmem:v9+s0+$0x0], $0xffff;
	[tilespmem:s10+$0xFFFFFFF0] =	vst v15;
	v14 =	vadd.s32 s12, v5  }
0x194: {  	v13 =	vadd.s32 s12, v6;
	v9 =	vld.idx.msk [tilespmem:v24+s0+$0x0], $0xffff;
	[tilespmem:s10+$0x0] =	vst v22  }
0x195: {  	v12 =	vadd.s32 s12, v7;
	v17 =	vld.idx.msk [tilespmem:v11+s0+$0x0], $0xffff;
	[tilespmem:s10+$0x10] =	vst v23  }
0x196: {  	s11 =	simm.s32 $0x0;
	v11 =	vadd.s32 s12, v3;
	v15 =	vld.idx.msk [tilespmem:v25+s0+$0x0], $0xffff;
	[tilespmem:s10+$0x20] =	vst v10;
	s12 =	simm.s32 $0x200  }
.LBB2_10:
0x197: {  	v22 =	vadd.s32 s12, v1;
	v10 =	vadd.s32 s12, v2;
	s13 =	sadd.s32 $0x80, s12;
	s14 =	sadd.s32 $0x100, s12;
	s15 =	sadd.s32 $0x180, s12;
	v23 =	vld.idx.msk [tilespmem:v8+s0+$0x0], $0xffff;
	v8 =	vadd.s32 s12, v4;
	[tilespmem:s10+$0x30] =	vst v21  }
0x198: {  	s11 =	sadd.s32 $0x4, s11;
	v21 =	vadd.s32 s13, v0;
	v24 =	vadd.s32 s13, v1;
	v25 =	vadd.s32 s15, v0;
	v26 =	vld.idx.msk [tilespmem:v14+s0+$0x0], $0xffff;
	[tilespmem:s10+$0x40] =	vst v20  }
0x199: {  	v20 =	vadd.s32 s13, v2;
	v27 =	vadd.s32 s13, v4;
	v14 =	vadd.s32 s15, v3;
	p0 =	slt.u32 s11, $0x13C;
	v28 =	vld.idx.msk [tilespmem:v13+s0+$0x0], $0xffff;
	[tilespmem:s10+$0x50] =	vst v19  }
0x19a: {  	v29 =	vadd.s32 s13, v6;
	v19 =	vadd.s32 s13, v5;
	v13 =	vadd.s32 s15, v1;
	v30 =	vld.idx.msk [tilespmem:v12+s0+$0x0], $0xffff;
	[tilespmem:s10+$0x60] =	vst v18  }
0x19b: {  	v31 =	vadd.s32 s13, v3;
	v32 =	vadd.s32 s15, v2;
	v18 =	vadd.s32 s13, v7;
	v33 =	vld.idx.msk [tilespmem:v11+s0+$0x0], $0xffff;
	[tilespmem:s10+$0x70] =	vst v16  }
0x19c: {  	v34 =	vadd.s32 s14, v1;
	v35 =	vadd.s32 s15, v4;
	v16 =	vld.idx.msk [tilespmem:v22+s0+$0x0], $0xffff;
	v22 =	vadd.s32 s14, v0;
	[tilespmem:s10+$0xFFFFFF00] =	vst v17  }
0x19d: {  	v36 =	vadd.s32 s14, v4;
	v37 =	vadd.s32 s15, v5;
	v17 =	vadd.s32 s14, v2;
	v25 =	vld.idx.msk [tilespmem:v25+s0+$0x0], $0xffff;
	[tilespmem:s10+$0xFFFFFF10] =	vst v9  }
0x19e: {  	v38 =	vadd.s32 s14, v5;
	v39 =	vadd.s32 s14, v6;
	v40 =	vadd.s32 s15, v6;
	v41 =	vld.idx.msk [tilespmem:v14+s0+$0x0], $0xffff;
	[tilespmem:s10+$0xFFFFFF20] =	vst v15  }
0x19f: {  	v42 =	vadd.s32 s14, v3;
	v44 =	vadd.s32 s15, v7;
	v15 =	vadd.s32 s14, v7;
	v43 =	vld.idx.msk [tilespmem:v13+s0+$0x0], $0xffff;
	[tilespmem:s10+$0xFFFFFF30] =	vst v23  }
0x1a0: {  	v12 =	vadd.s32 s12, v7;
	v14 =	vadd.s32 s12, v5;
	v13 =	vadd.s32 s12, v6;
	v23 =	vld.idx.msk [tilespmem:v32+s0+$0x0], $0xffff;
	[tilespmem:s10+$0xFFFFFF40] =	vst v26  }
0x1a1: {  	v11 =	vadd.s32 s12, v3;
	v26 =	vadd.s32 s12, v0;
	v32 =	vld.idx.msk [tilespmem:v35+s0+$0x0], $0xffff;
	[tilespmem:s10+$0xFFFFFF50] =	vst v28  }
0x1a2: {  	v9 =	vmov v16;
	v28 =	vld.idx.msk [tilespmem:v37+s0+$0x0], $0xffff;
	[tilespmem:s10+$0xFFFFFF60] =	vst v30  }
0x1a3: {  	v16 =	vld.idx.msk [tilespmem:v40+s0+$0x0], $0xffff;
	[tilespmem:s10+$0xFFFFFF70] =	vst v33;
	s10 =	sadd.s32 $0x200, s10  }
0x1a4: {  	v30 =	vld.idx.msk [tilespmem:v44+s0+$0x0], $0xffff;
	[tilespmem:s10+$0xF0] =	vst v41  }
0x1a5: {  	v21 =	vld.idx.msk [tilespmem:v21+s0+$0x0], $0xffff;
	[tilespmem:s10+$0x80] =	vst v25  }
0x1a6: {  	v24 =	vld.idx.msk [tilespmem:v24+s0+$0x0], $0xffff;
	[tilespmem:s10+$0x90] =	vst v43  }
0x1a7: {  	v20 =	vld.idx.msk [tilespmem:v20+s0+$0x0], $0xffff;
	[tilespmem:s10+$0xA0] =	vst v23  }
0x1a8: {  	v23 =	vld.idx.msk [tilespmem:v27+s0+$0x0], $0xffff;
	[tilespmem:s10+$0xB0] =	vst v32  }
0x1a9: {  	v19 =	vld.idx.msk [tilespmem:v19+s0+$0x0], $0xffff;
	[tilespmem:s10+$0xC0] =	vst v28  }
0x1aa: {  	v25 =	vld.idx.msk [tilespmem:v29+s0+$0x0], $0xffff;
	[tilespmem:s10+$0xD0] =	vst v16  }
0x1ab: {  	v16 =	vld.idx.msk [tilespmem:v18+s0+$0x0], $0xffff;
	[tilespmem:s10+$0xE0] =	vst v30  }
0x1ac: {  	v18 =	vld.idx.msk [tilespmem:v31+s0+$0x0], $0xffff;
	[tilespmem:s10+$0xFFFFFF80] =	vst v21  }
0x1ad: {  	[tilespmem:s10+$0xFFFFFF90] =	vst v24;
	v22 =	vld.idx.msk [tilespmem:v22+s0+$0x0], $0xffff  }
0x1ae: {  	[tilespmem:s10+$0xFFFFFFA0] =	vst v20;
	v24 =	vld.idx.msk [tilespmem:v34+s0+$0x0], $0xffff  }
0x1af: {  	[tilespmem:s10+$0xFFFFFFB0] =	vst v23;
	v23 =	vld.idx.msk [tilespmem:v17+s0+$0x0], $0xffff  }
0x1b0: {  	[tilespmem:s10+$0xFFFFFFC0] =	vst v19;
	v21 =	vld.idx.msk [tilespmem:v36+s0+$0x0], $0xffff  }
0x1b1: {  	[tilespmem:s10+$0xFFFFFFD0] =	vst v25;
	v20 =	vld.idx.msk [tilespmem:v38+s0+$0x0], $0xffff  }
.Ltmp4:
0x1b2: {  	[tilespmem:s10+$0xFFFFFFE0] =	vst v16;
	v19 =	vld.idx.msk [tilespmem:v39+s0+$0x0], $0xffff;
	(pc) =	sbr.rel @p0 .LBB2_10-.Ltmp4, $4  }
0x1b3: {  	[tilespmem:s10+$0xFFFFFFF0] =	vst v18;
	v18 =	vld.idx.msk [tilespmem:v15+s0+$0x0], $0xffff  }
0x1b4: {  	v16 =	vld.idx.msk [tilespmem:v42+s0+$0x0], $0xffff;
	[tilespmem:s10+$0x0] =	vst v22  }
0x1b5: {  	v17 =	vld.idx.msk [tilespmem:v26+s0+$0x0], $0xffff;
	[tilespmem:s10+$0x10] =	vst v24  }
0x1b6: {  	s12 =	sadd.s32 $0x200, s12;
	v15 =	vld.idx.msk [tilespmem:v10+s0+$0x0], $0xffff;
	[tilespmem:s10+$0x20] =	vst v23  }
0x1b7: {  	_ =	sdelay $0x3  }
0x1b8: {  	v8 =	vld.idx.msk [tilespmem:v8+s0+$0x0], $0xffff  }
0x1b9: {  	[tilespmem:s10+$0x30] =	vst v21;
	v10 =	vld.idx.msk [tilespmem:v14+s0+$0x0], $0xffff  }
0x1ba: {  	[tilespmem:s10+$0x40] =	vst v20;
	v13 =	vld.idx.msk [tilespmem:v13+s0+$0x0], $0xffff  }
0x1bb: {  	[tilespmem:s10+$0x50] =	vst v19;
	v12 =	vld.idx.msk [tilespmem:v12+s0+$0x0], $0xffff  }
0x1bc: {  	v11 =	vld.idx.msk [tilespmem:v11+s0+$0x0], $0xffff;
	[tilespmem:s10+$0xFFFFFF10] =	vst v9  }
0x1bd: {  	[tilespmem:s10+$0x60] =	vst v18  }
0x1be: {  	[tilespmem:s10+$0x70] =	vst v16  }
0x1bf: {  	[tilespmem:s10+$0xFFFFFF00] =	vst v17  }
0x1c0: {  	[tilespmem:s10+$0xFFFFFF20] =	vst v15  }
0x1c1: {  	[tilespmem:s10+$0xFFFFFF30] =	vst v8  }
0x1c2: {  	[tilespmem:s10+$0xFFFFFF40] =	vst v10  }
0x1c3: {  	[tilespmem:s10+$0xFFFFFF50] =	vst v13  }
0x1c4: {  	[tilespmem:s10+$0xFFFFFF60] =	vst v12  }
0x1c5: {  	[tilespmem:s10+$0xFFFFFF70] =	vst v11  }
0x1c6: {  	s12 =	simm.s32 $0x0;
	s10 =	rddreg [dreg:$0xc]  }
0x1c7: {  	[hbm4b:s10+s12] =	stream.linear.scatter [tilespmem:s0], [sflag:$0x5], $0xA000, $0x38;
	[tilespmem:$0x1E080] =	vst v63  }
0x1c8: {  	_ =	swait.ge [sflag:s5], $0xA000  }
0x1c9: {  	s14 =	simm.s32 $0x180;
	[sflag:s5] =	ssyncset.done $0x0  }
0x1ca: {  	v8 =	vadd.s32 s14, v0;
	s11 =	rddreg [dreg:$0xd];
	[sflag:s5] =	ssyncadd.s32 $0xFFFF6000  }
0x1cb: {  	v9 =	vadd.s32 s14, v3;
	[tilespmem:s23], [sflag:$0x1] =	stream.linear.gather [hbm4b:s11+s12], $0xA000, $0x38;
	[tilespmem:$0x1E080] =	vst v63  }
0x1cc: {  	v10 =	vadd.s32 s14, v1;
	_ =	swait.ge [sflag:s6], $0xA000  }
0x1cd: {  	v11 =	vadd.s32 s14, v2;
	[sflag:s6] =	ssyncset.done $0x0  }
0x1ce: {  	v12 =	vadd.s32 s14, v4;
	[sflag:s6] =	ssyncadd.s32 $0xFFFF6000  }
0x1cf: {  	v13 =	vadd.s32 s14, v5;
	v8 =	vld.idx.msk [tilespmem:v8+s3+$0x0], $0xffff  }
0x1d0: {  	v14 =	vadd.s32 s14, v6;
	v9 =	vld.idx.msk [tilespmem:v9+s3+$0x0], $0xffff  }
0x1d1: {  	s15 =	simm.s32 $0x80;
	v15 =	vadd.s32 s14, v7;
	v10 =	vld.idx.msk [tilespmem:v10+s3+$0x0], $0xffff  }
0x1d2: {  	v16 =	vadd.s32 s15, v0;
	v11 =	vld.idx.msk [tilespmem:v11+s3+$0x0], $0xffff  }
0x1d3: {  	v17 =	vadd.s32 s15, v1;
	v12 =	vld.idx.msk [tilespmem:v12+s3+$0x0], $0xffff  }
0x1d4: {  	v18 =	vadd.s32 s15, v2;
	v13 =	vld.idx.msk [tilespmem:v13+s3+$0x0], $0xffff  }
0x1d5: {  	v19 =	vadd.s32 s15, v4;
	v14 =	vld.idx.msk [tilespmem:v14+s3+$0x0], $0xffff  }
0x1d6: {  	v20 =	vadd.s32 s15, v5;
	s10 =	simm.s32 $0x14180;
	v15 =	vld.idx.msk [tilespmem:v15+s3+$0x0], $0xffff  }
0x1d7: {  	v21 =	vadd.s32 s15, v6;
	[tilespmem:s10+$0xF0] =	vst v9;
	v9 =	vld.idx.msk [tilespmem:v16+s3+$0x0], $0xffff  }
0x1d8: {  	v16 =	vadd.s32 s15, v7;
	[tilespmem:s10+$0x80] =	vst v8;
	v8 =	vld.idx.msk [tilespmem:v17+s3+$0x0], $0xffff  }
0x1d9: {  	s13 =	simm.s32 $0x100;
	v17 =	vadd.s32 s15, v3;
	[tilespmem:s10+$0x90] =	vst v10;
	v10 =	vld.idx.msk [tilespmem:v18+s3+$0x0], $0xffff  }
0x1da: {  	v18 =	vadd.s32 s13, v0;
	[tilespmem:s10+$0xA0] =	vst v11;
	v11 =	vld.idx.msk [tilespmem:v19+s3+$0x0], $0xffff  }
0x1db: {  	v19 =	vadd.s32 s13, v1;
	[tilespmem:s10+$0xB0] =	vst v12;
	v12 =	vld.idx.msk [tilespmem:v20+s3+$0x0], $0xffff  }
0x1dc: {  	v20 =	vadd.s32 s13, v2;
	[tilespmem:s10+$0xC0] =	vst v13;
	v13 =	vld.idx.msk [tilespmem:v21+s3+$0x0], $0xffff  }
0x1dd: {  	v21 =	vadd.s32 s13, v4;
	[tilespmem:s10+$0xD0] =	vst v14;
	v14 =	vld.idx.msk [tilespmem:v16+s3+$0x0], $0xffff  }
0x1de: {  	[tilespmem:s10+$0xE0] =	vst v15;
	v16 =	vadd.s32 s13, v5;
	v15 =	vld.idx.msk [tilespmem:v17+s3+$0x0], $0xffff  }
0x1df: {  	v17 =	vadd.s32 s13, v6;
	[tilespmem:s10+$0xFFFFFF80] =	vst v9;
	v22 =	vld.idx.msk [tilespmem:v18+s3+$0x0], $0xffff  }
0x1e0: {  	[tilespmem:s10+$0xFFFFFF90] =	vst v8;
	v23 =	vld.idx.msk [tilespmem:v19+s3+$0x0], $0xffff;
	v8 =	vadd.s32 s13, v3  }
0x1e1: {  	v9 =	vadd.s32 s13, v7;
	[tilespmem:s10+$0xFFFFFFA0] =	vst v10;
	v10 =	vld.idx.msk [tilespmem:v20+s3+$0x0], $0xffff  }
0x1e2: {  	v24 =	vadd.s32 s12, v1;
	[tilespmem:s10+$0xFFFFFFB0] =	vst v11;
	v21 =	vld.idx.msk [tilespmem:v21+s3+$0x0], $0xffff  }
0x1e3: {  	v11 =	vadd.s32 s12, v0;
	[tilespmem:s10+$0xFFFFFFC0] =	vst v12;
	v20 =	vld.idx.msk [tilespmem:v16+s3+$0x0], $0xffff  }
0x1e4: {  	v25 =	vadd.s32 s12, v2;
	[tilespmem:s10+$0xFFFFFFD0] =	vst v13;
	v19 =	vld.idx.msk [tilespmem:v17+s3+$0x0], $0xffff  }
0x1e5: {  	[tilespmem:s10+$0xFFFFFFE0] =	vst v14;
	v16 =	vld.idx.msk [tilespmem:v8+s3+$0x0], $0xffff;
	v8 =	vadd.s32 s12, v4  }
0x1e6: {  	v18 =	vld.idx.msk [tilespmem:v9+s3+$0x0], $0xffff;
	[tilespmem:s10+$0xFFFFFFF0] =	vst v15;
	v14 =	vadd.s32 s12, v5  }
0x1e7: {  	v13 =	vadd.s32 s12, v6;
	v9 =	vld.idx.msk [tilespmem:v24+s3+$0x0], $0xffff;
	[tilespmem:s10+$0x0] =	vst v22  }
0x1e8: {  	v12 =	vadd.s32 s12, v7;
	v17 =	vld.idx.msk [tilespmem:v11+s3+$0x0], $0xffff;
	[tilespmem:s10+$0x10] =	vst v23  }
0x1e9: {  	s11 =	simm.s32 $0x0;
	v11 =	vadd.s32 s12, v3;
	v15 =	vld.idx.msk [tilespmem:v25+s3+$0x0], $0xffff;
	[tilespmem:s10+$0x20] =	vst v10;
	s12 =	simm.s32 $0x200  }
.LBB2_12:
0x1ea: {  	v22 =	vadd.s32 s12, v1;
	v10 =	vadd.s32 s12, v2;
	s13 =	sadd.s32 $0x80, s12;
	s14 =	sadd.s32 $0x100, s12;
	s15 =	sadd.s32 $0x180, s12;
	v23 =	vld.idx.msk [tilespmem:v8+s3+$0x0], $0xffff;
	v8 =	vadd.s32 s12, v4;
	[tilespmem:s10+$0x30] =	vst v21  }
0x1eb: {  	s11 =	sadd.s32 $0x4, s11;
	v21 =	vadd.s32 s13, v0;
	v24 =	vadd.s32 s13, v1;
	v25 =	vadd.s32 s15, v0;
	v26 =	vld.idx.msk [tilespmem:v14+s3+$0x0], $0xffff;
	[tilespmem:s10+$0x40] =	vst v20  }
0x1ec: {  	v20 =	vadd.s32 s13, v2;
	v27 =	vadd.s32 s13, v4;
	v14 =	vadd.s32 s15, v3;
	p0 =	slt.u32 s11, $0x13C;
	v28 =	vld.idx.msk [tilespmem:v13+s3+$0x0], $0xffff;
	[tilespmem:s10+$0x50] =	vst v19  }
0x1ed: {  	v29 =	vadd.s32 s13, v6;
	v19 =	vadd.s32 s13, v5;
	v13 =	vadd.s32 s15, v1;
	v30 =	vld.idx.msk [tilespmem:v12+s3+$0x0], $0xffff;
	[tilespmem:s10+$0x60] =	vst v18  }
0x1ee: {  	v31 =	vadd.s32 s13, v3;
	v32 =	vadd.s32 s15, v2;
	v18 =	vadd.s32 s13, v7;
	v33 =	vld.idx.msk [tilespmem:v11+s3+$0x0], $0xffff;
	[tilespmem:s10+$0x70] =	vst v16  }
0x1ef: {  	v34 =	vadd.s32 s14, v1;
	v35 =	vadd.s32 s15, v4;
	v16 =	vld.idx.msk [tilespmem:v22+s3+$0x0], $0xffff;
	v22 =	vadd.s32 s14, v0;
	[tilespmem:s10+$0xFFFFFF00] =	vst v17  }
0x1f0: {  	v36 =	vadd.s32 s14, v4;
	v37 =	vadd.s32 s15, v5;
	v17 =	vadd.s32 s14, v2;
	v25 =	vld.idx.msk [tilespmem:v25+s3+$0x0], $0xffff;
	[tilespmem:s10+$0xFFFFFF10] =	vst v9  }
0x1f1: {  	v38 =	vadd.s32 s14, v5;
	v39 =	vadd.s32 s14, v6;
	v40 =	vadd.s32 s15, v6;
	v41 =	vld.idx.msk [tilespmem:v14+s3+$0x0], $0xffff;
	[tilespmem:s10+$0xFFFFFF20] =	vst v15  }
0x1f2: {  	v42 =	vadd.s32 s14, v3;
	v44 =	vadd.s32 s15, v7;
	v15 =	vadd.s32 s14, v7;
	v43 =	vld.idx.msk [tilespmem:v13+s3+$0x0], $0xffff;
	[tilespmem:s10+$0xFFFFFF30] =	vst v23  }
0x1f3: {  	v12 =	vadd.s32 s12, v7;
	v14 =	vadd.s32 s12, v5;
	v13 =	vadd.s32 s12, v6;
	v23 =	vld.idx.msk [tilespmem:v32+s3+$0x0], $0xffff;
	[tilespmem:s10+$0xFFFFFF40] =	vst v26  }
0x1f4: {  	v11 =	vadd.s32 s12, v3;
	v26 =	vadd.s32 s12, v0;
	v32 =	vld.idx.msk [tilespmem:v35+s3+$0x0], $0xffff;
	[tilespmem:s10+$0xFFFFFF50] =	vst v28  }
0x1f5: {  	v9 =	vmov v16;
	v28 =	vld.idx.msk [tilespmem:v37+s3+$0x0], $0xffff;
	[tilespmem:s10+$0xFFFFFF60] =	vst v30  }
0x1f6: {  	v16 =	vld.idx.msk [tilespmem:v40+s3+$0x0], $0xffff;
	[tilespmem:s10+$0xFFFFFF70] =	vst v33;
	s10 =	sadd.s32 $0x200, s10  }
0x1f7: {  	v30 =	vld.idx.msk [tilespmem:v44+s3+$0x0], $0xffff;
	[tilespmem:s10+$0xF0] =	vst v41  }
0x1f8: {  	v21 =	vld.idx.msk [tilespmem:v21+s3+$0x0], $0xffff;
	[tilespmem:s10+$0x80] =	vst v25  }
0x1f9: {  	v24 =	vld.idx.msk [tilespmem:v24+s3+$0x0], $0xffff;
	[tilespmem:s10+$0x90] =	vst v43  }
0x1fa: {  	v20 =	vld.idx.msk [tilespmem:v20+s3+$0x0], $0xffff;
	[tilespmem:s10+$0xA0] =	vst v23  }
0x1fb: {  	v23 =	vld.idx.msk [tilespmem:v27+s3+$0x0], $0xffff;
	[tilespmem:s10+$0xB0] =	vst v32  }
0x1fc: {  	v19 =	vld.idx.msk [tilespmem:v19+s3+$0x0], $0xffff;
	[tilespmem:s10+$0xC0] =	vst v28  }
0x1fd: {  	v25 =	vld.idx.msk [tilespmem:v29+s3+$0x0], $0xffff;
	[tilespmem:s10+$0xD0] =	vst v16  }
0x1fe: {  	v16 =	vld.idx.msk [tilespmem:v18+s3+$0x0], $0xffff;
	[tilespmem:s10+$0xE0] =	vst v30  }
0x1ff: {  	v18 =	vld.idx.msk [tilespmem:v31+s3+$0x0], $0xffff;
	[tilespmem:s10+$0xFFFFFF80] =	vst v21  }
0x200: {  	[tilespmem:s10+$0xFFFFFF90] =	vst v24;
	v22 =	vld.idx.msk [tilespmem:v22+s3+$0x0], $0xffff  }
0x201: {  	[tilespmem:s10+$0xFFFFFFA0] =	vst v20;
	v24 =	vld.idx.msk [tilespmem:v34+s3+$0x0], $0xffff  }
0x202: {  	[tilespmem:s10+$0xFFFFFFB0] =	vst v23;
	v23 =	vld.idx.msk [tilespmem:v17+s3+$0x0], $0xffff  }
0x203: {  	[tilespmem:s10+$0xFFFFFFC0] =	vst v19;
	v21 =	vld.idx.msk [tilespmem:v36+s3+$0x0], $0xffff  }
0x204: {  	[tilespmem:s10+$0xFFFFFFD0] =	vst v25;
	v20 =	vld.idx.msk [tilespmem:v38+s3+$0x0], $0xffff  }
.Ltmp5:
0x205: {  	[tilespmem:s10+$0xFFFFFFE0] =	vst v16;
	v19 =	vld.idx.msk [tilespmem:v39+s3+$0x0], $0xffff;
	(pc) =	sbr.rel @p0 .LBB2_12-.Ltmp5, $4  }
0x206: {  	[tilespmem:s10+$0xFFFFFFF0] =	vst v18;
	v18 =	vld.idx.msk [tilespmem:v15+s3+$0x0], $0xffff  }
0x207: {  	v16 =	vld.idx.msk [tilespmem:v42+s3+$0x0], $0xffff;
	[tilespmem:s10+$0x0] =	vst v22  }
0x208: {  	v17 =	vld.idx.msk [tilespmem:v26+s3+$0x0], $0xffff;
	[tilespmem:s10+$0x10] =	vst v24  }
0x209: {  	s12 =	sadd.s32 $0x200, s12;
	v15 =	vld.idx.msk [tilespmem:v10+s3+$0x0], $0xffff;
	[tilespmem:s10+$0x20] =	vst v23  }
0x20a: {  	_ =	sdelay $0x3  }
0x20b: {  	v8 =	vld.idx.msk [tilespmem:v8+s3+$0x0], $0xffff  }
0x20c: {  	[tilespmem:s10+$0x30] =	vst v21;
	v10 =	vld.idx.msk [tilespmem:v14+s3+$0x0], $0xffff  }
0x20d: {  	[tilespmem:s10+$0x40] =	vst v20;
	v13 =	vld.idx.msk [tilespmem:v13+s3+$0x0], $0xffff  }
0x20e: {  	[tilespmem:s10+$0x50] =	vst v19;
	v12 =	vld.idx.msk [tilespmem:v12+s3+$0x0], $0xffff  }
0x20f: {  	v11 =	vld.idx.msk [tilespmem:v11+s3+$0x0], $0xffff;
	[tilespmem:s10+$0xFFFFFF10] =	vst v9  }
0x210: {  	[tilespmem:s10+$0x60] =	vst v18  }
0x211: {  	[tilespmem:s10+$0x70] =	vst v16  }
0x212: {  	[tilespmem:s10+$0xFFFFFF00] =	vst v17  }
0x213: {  	[tilespmem:s10+$0xFFFFFF20] =	vst v15  }
0x214: {  	[tilespmem:s10+$0xFFFFFF30] =	vst v8  }
0x215: {  	[tilespmem:s10+$0xFFFFFF40] =	vst v10  }
0x216: {  	[tilespmem:s10+$0xFFFFFF50] =	vst v13  }
0x217: {  	[tilespmem:s10+$0xFFFFFF60] =	vst v12  }
0x218: {  	[tilespmem:s10+$0xFFFFFF70] =	vst v11  }
0x219: {  	s12 =	simm.s32 $0x0;
	s10 =	rddreg [dreg:$0xe]  }
0x21a: {  	[hbm4b:s10+s12] =	stream.linear.scatter [tilespmem:s3], [sflag:$0x6], $0xA000, $0x38;
	[tilespmem:$0x1E080] =	vst v63  }
0x21b: {  	_ =	swait.ge [sflag:s7], $0xA000  }
0x21c: {  	s14 =	simm.s32 $0x180;
	[sflag:s7] =	ssyncset.done $0x0  }
0x21d: {  	v8 =	vadd.s32 s14, v0;
	s11 =	rddreg [dreg:$0xf];
	[sflag:s7] =	ssyncadd.s32 $0xFFFF6000  }
0x21e: {  	v9 =	vadd.s32 s14, v3;
	[tilespmem:s0], [sflag:$0x2] =	stream.linear.gather [hbm4b:s11+s12], $0xA000, $0x38;
	[tilespmem:$0x1E080] =	vst v63  }
0x21f: {  	v10 =	vadd.s32 s14, v1;
	_ =	swait.ge [sflag:s2], $0xA000  }
0x220: {  	v11 =	vadd.s32 s14, v2;
	[sflag:s2] =	ssyncset.done $0x0  }
0x221: {  	v12 =	vadd.s32 s14, v4;
	[sflag:s2] =	ssyncadd.s32 $0xFFFF6000  }
0x222: {  	v13 =	vadd.s32 s14, v5;
	v8 =	vld.idx.msk [tilespmem:v8+s23+$0x0], $0xffff  }
0x223: {  	v14 =	vadd.s32 s14, v6;
	v9 =	vld.idx.msk [tilespmem:v9+s23+$0x0], $0xffff  }
0x224: {  	s15 =	simm.s32 $0x80;
	v15 =	vadd.s32 s14, v7;
	v10 =	vld.idx.msk [tilespmem:v10+s23+$0x0], $0xffff  }
0x225: {  	v16 =	vadd.s32 s15, v0;
	v11 =	vld.idx.msk [tilespmem:v11+s23+$0x0], $0xffff  }
0x226: {  	v17 =	vadd.s32 s15, v1;
	v12 =	vld.idx.msk [tilespmem:v12+s23+$0x0], $0xffff  }
0x227: {  	v18 =	vadd.s32 s15, v2;
	v13 =	vld.idx.msk [tilespmem:v13+s23+$0x0], $0xffff  }
0x228: {  	v19 =	vadd.s32 s15, v4;
	v14 =	vld.idx.msk [tilespmem:v14+s23+$0x0], $0xffff  }
0x229: {  	v20 =	vadd.s32 s15, v5;
	s10 =	simm.s32 $0x180;
	v15 =	vld.idx.msk [tilespmem:v15+s23+$0x0], $0xffff  }
0x22a: {  	v21 =	vadd.s32 s15, v6;
	[tilespmem:s10+$0xF0] =	vst v9;
	v9 =	vld.idx.msk [tilespmem:v16+s23+$0x0], $0xffff  }
0x22b: {  	v16 =	vadd.s32 s15, v7;
	[tilespmem:s10+$0x80] =	vst v8;
	v8 =	vld.idx.msk [tilespmem:v17+s23+$0x0], $0xffff  }
0x22c: {  	s13 =	simm.s32 $0x100;
	v17 =	vadd.s32 s15, v3;
	[tilespmem:s10+$0x90] =	vst v10;
	v10 =	vld.idx.msk [tilespmem:v18+s23+$0x0], $0xffff  }
0x22d: {  	v18 =	vadd.s32 s13, v0;
	[tilespmem:s10+$0xA0] =	vst v11;
	v11 =	vld.idx.msk [tilespmem:v19+s23+$0x0], $0xffff  }
0x22e: {  	v19 =	vadd.s32 s13, v1;
	[tilespmem:s10+$0xB0] =	vst v12;
	v12 =	vld.idx.msk [tilespmem:v20+s23+$0x0], $0xffff  }
0x22f: {  	v20 =	vadd.s32 s13, v2;
	[tilespmem:s10+$0xC0] =	vst v13;
	v13 =	vld.idx.msk [tilespmem:v21+s23+$0x0], $0xffff  }
0x230: {  	v21 =	vadd.s32 s13, v4;
	[tilespmem:s10+$0xD0] =	vst v14;
	v14 =	vld.idx.msk [tilespmem:v16+s23+$0x0], $0xffff  }
0x231: {  	[tilespmem:s10+$0xE0] =	vst v15;
	v16 =	vadd.s32 s13, v5;
	v15 =	vld.idx.msk [tilespmem:v17+s23+$0x0], $0xffff  }
0x232: {  	v17 =	vadd.s32 s13, v6;
	[tilespmem:s10+$0xFFFFFF80] =	vst v9;
	v22 =	vld.idx.msk [tilespmem:v18+s23+$0x0], $0xffff  }
0x233: {  	[tilespmem:s10+$0xFFFFFF90] =	vst v8;
	v23 =	vld.idx.msk [tilespmem:v19+s23+$0x0], $0xffff;
	v8 =	vadd.s32 s13, v3  }
0x234: {  	v9 =	vadd.s32 s13, v7;
	[tilespmem:s10+$0xFFFFFFA0] =	vst v10;
	v10 =	vld.idx.msk [tilespmem:v20+s23+$0x0], $0xffff  }
0x235: {  	v24 =	vadd.s32 s12, v1;
	[tilespmem:s10+$0xFFFFFFB0] =	vst v11;
	v21 =	vld.idx.msk [tilespmem:v21+s23+$0x0], $0xffff  }
0x236: {  	v11 =	vadd.s32 s12, v0;
	[tilespmem:s10+$0xFFFFFFC0] =	vst v12;
	v20 =	vld.idx.msk [tilespmem:v16+s23+$0x0], $0xffff  }
0x237: {  	v25 =	vadd.s32 s12, v2;
	[tilespmem:s10+$0xFFFFFFD0] =	vst v13;
	v19 =	vld.idx.msk [tilespmem:v17+s23+$0x0], $0xffff  }
0x238: {  	[tilespmem:s10+$0xFFFFFFE0] =	vst v14;
	v16 =	vld.idx.msk [tilespmem:v8+s23+$0x0], $0xffff;
	v8 =	vadd.s32 s12, v4  }
0x239: {  	v18 =	vld.idx.msk [tilespmem:v9+s23+$0x0], $0xffff;
	[tilespmem:s10+$0xFFFFFFF0] =	vst v15;
	v14 =	vadd.s32 s12, v5  }
0x23a: {  	v13 =	vadd.s32 s12, v6;
	v9 =	vld.idx.msk [tilespmem:v24+s23+$0x0], $0xffff;
	[tilespmem:s10+$0x0] =	vst v22  }
0x23b: {  	v12 =	vadd.s32 s12, v7;
	v17 =	vld.idx.msk [tilespmem:v11+s23+$0x0], $0xffff;
	[tilespmem:s10+$0x10] =	vst v23  }
0x23c: {  	s11 =	simm.s32 $0x0;
	v11 =	vadd.s32 s12, v3;
	v15 =	vld.idx.msk [tilespmem:v25+s23+$0x0], $0xffff;
	[tilespmem:s10+$0x20] =	vst v10;
	s12 =	simm.s32 $0x200  }
.LBB2_14:
0x23d: {  	v22 =	vadd.s32 s12, v1;
	v10 =	vadd.s32 s12, v2;
	s13 =	sadd.s32 $0x80, s12;
	s14 =	sadd.s32 $0x100, s12;
	s15 =	sadd.s32 $0x180, s12;
	v23 =	vld.idx.msk [tilespmem:v8+s23+$0x0], $0xffff;
	v8 =	vadd.s32 s12, v4;
	[tilespmem:s10+$0x30] =	vst v21  }
0x23e: {  	s11 =	sadd.s32 $0x4, s11;
	v21 =	vadd.s32 s13, v0;
	v24 =	vadd.s32 s13, v1;
	v25 =	vadd.s32 s15, v0;
	v26 =	vld.idx.msk [tilespmem:v14+s23+$0x0], $0xffff;
	[tilespmem:s10+$0x40] =	vst v20  }
0x23f: {  	v20 =	vadd.s32 s13, v2;
	v27 =	vadd.s32 s13, v4;
	v14 =	vadd.s32 s15, v3;
	p0 =	slt.u32 s11, $0x13C;
	v28 =	vld.idx.msk [tilespmem:v13+s23+$0x0], $0xffff;
	[tilespmem:s10+$0x50] =	vst v19  }
0x240: {  	v29 =	vadd.s32 s13, v6;
	v19 =	vadd.s32 s13, v5;
	v13 =	vadd.s32 s15, v1;
	v30 =	vld.idx.msk [tilespmem:v12+s23+$0x0], $0xffff;
	[tilespmem:s10+$0x60] =	vst v18  }
0x241: {  	v31 =	vadd.s32 s13, v3;
	v32 =	vadd.s32 s15, v2;
	v18 =	vadd.s32 s13, v7;
	v33 =	vld.idx.msk [tilespmem:v11+s23+$0x0], $0xffff;
	[tilespmem:s10+$0x70] =	vst v16  }
0x242: {  	v34 =	vadd.s32 s14, v1;
	v35 =	vadd.s32 s15, v4;
	v16 =	vld.idx.msk [tilespmem:v22+s23+$0x0], $0xffff;
	v22 =	vadd.s32 s14, v0;
	[tilespmem:s10+$0xFFFFFF00] =	vst v17  }
0x243: {  	v36 =	vadd.s32 s14, v4;
	v37 =	vadd.s32 s15, v5;
	v17 =	vadd.s32 s14, v2;
	v25 =	vld.idx.msk [tilespmem:v25+s23+$0x0], $0xffff;
	[tilespmem:s10+$0xFFFFFF10] =	vst v9  }
0x244: {  	v38 =	vadd.s32 s14, v5;
	v39 =	vadd.s32 s14, v6;
	v40 =	vadd.s32 s15, v6;
	v41 =	vld.idx.msk [tilespmem:v14+s23+$0x0], $0xffff;
	[tilespmem:s10+$0xFFFFFF20] =	vst v15  }
0x245: {  	v42 =	vadd.s32 s14, v3;
	v44 =	vadd.s32 s15, v7;
	v15 =	vadd.s32 s14, v7;
	v43 =	vld.idx.msk [tilespmem:v13+s23+$0x0], $0xffff;
	[tilespmem:s10+$0xFFFFFF30] =	vst v23  }
0x246: {  	v12 =	vadd.s32 s12, v7;
	v14 =	vadd.s32 s12, v5;
	v13 =	vadd.s32 s12, v6;
	v23 =	vld.idx.msk [tilespmem:v32+s23+$0x0], $0xffff;
	[tilespmem:s10+$0xFFFFFF40] =	vst v26  }
0x247: {  	v11 =	vadd.s32 s12, v3;
	v26 =	vadd.s32 s12, v0;
	v32 =	vld.idx.msk [tilespmem:v35+s23+$0x0], $0xffff;
	[tilespmem:s10+$0xFFFFFF50] =	vst v28  }
0x248: {  	v9 =	vmov v16;
	v28 =	vld.idx.msk [tilespmem:v37+s23+$0x0], $0xffff;
	[tilespmem:s10+$0xFFFFFF60] =	vst v30  }
0x249: {  	v16 =	vld.idx.msk [tilespmem:v40+s23+$0x0], $0xffff;
	[tilespmem:s10+$0xFFFFFF70] =	vst v33;
	s10 =	sadd.s32 $0x200, s10  }
0x24a: {  	v30 =	vld.idx.msk [tilespmem:v44+s23+$0x0], $0xffff;
	[tilespmem:s10+$0xF0] =	vst v41  }
0x24b: {  	v21 =	vld.idx.msk [tilespmem:v21+s23+$0x0], $0xffff;
	[tilespmem:s10+$0x80] =	vst v25  }
0x24c: {  	v24 =	vld.idx.msk [tilespmem:v24+s23+$0x0], $0xffff;
	[tilespmem:s10+$0x90] =	vst v43  }
0x24d: {  	v20 =	vld.idx.msk [tilespmem:v20+s23+$0x0], $0xffff;
	[tilespmem:s10+$0xA0] =	vst v23  }
0x24e: {  	v23 =	vld.idx.msk [tilespmem:v27+s23+$0x0], $0xffff;
	[tilespmem:s10+$0xB0] =	vst v32  }
0x24f: {  	v19 =	vld.idx.msk [tilespmem:v19+s23+$0x0], $0xffff;
	[tilespmem:s10+$0xC0] =	vst v28  }
0x250: {  	v25 =	vld.idx.msk [tilespmem:v29+s23+$0x0], $0xffff;
	[tilespmem:s10+$0xD0] =	vst v16  }
0x251: {  	v16 =	vld.idx.msk [tilespmem:v18+s23+$0x0], $0xffff;
	[tilespmem:s10+$0xE0] =	vst v30  }
0x252: {  	v18 =	vld.idx.msk [tilespmem:v31+s23+$0x0], $0xffff;
	[tilespmem:s10+$0xFFFFFF80] =	vst v21  }
0x253: {  	[tilespmem:s10+$0xFFFFFF90] =	vst v24;
	v22 =	vld.idx.msk [tilespmem:v22+s23+$0x0], $0xffff  }
0x254: {  	[tilespmem:s10+$0xFFFFFFA0] =	vst v20;
	v24 =	vld.idx.msk [tilespmem:v34+s23+$0x0], $0xffff  }
0x255: {  	[tilespmem:s10+$0xFFFFFFB0] =	vst v23;
	v23 =	vld.idx.msk [tilespmem:v17+s23+$0x0], $0xffff  }
0x256: {  	[tilespmem:s10+$0xFFFFFFC0] =	vst v19;
	v21 =	vld.idx.msk [tilespmem:v36+s23+$0x0], $0xffff  }
0x257: {  	[tilespmem:s10+$0xFFFFFFD0] =	vst v25;
	v20 =	vld.idx.msk [tilespmem:v38+s23+$0x0], $0xffff  }
.Ltmp6:
0x258: {  	[tilespmem:s10+$0xFFFFFFE0] =	vst v16;
	v19 =	vld.idx.msk [tilespmem:v39+s23+$0x0], $0xffff;
	(pc) =	sbr.rel @p0 .LBB2_14-.Ltmp6, $4  }
0x259: {  	[tilespmem:s10+$0xFFFFFFF0] =	vst v18;
	v18 =	vld.idx.msk [tilespmem:v15+s23+$0x0], $0xffff  }
0x25a: {  	v16 =	vld.idx.msk [tilespmem:v42+s23+$0x0], $0xffff;
	[tilespmem:s10+$0x0] =	vst v22  }
0x25b: {  	v17 =	vld.idx.msk [tilespmem:v26+s23+$0x0], $0xffff;
	[tilespmem:s10+$0x10] =	vst v24  }
0x25c: {  	s12 =	sadd.s32 $0x200, s12;
	v15 =	vld.idx.msk [tilespmem:v10+s23+$0x0], $0xffff;
	[tilespmem:s10+$0x20] =	vst v23  }
0x25d: {  	_ =	sdelay $0x3  }
0x25e: {  	v8 =	vld.idx.msk [tilespmem:v8+s23+$0x0], $0xffff  }
0x25f: {  	[tilespmem:s10+$0x30] =	vst v21;
	v10 =	vld.idx.msk [tilespmem:v14+s23+$0x0], $0xffff  }
0x260: {  	[tilespmem:s10+$0x40] =	vst v20;
	v13 =	vld.idx.msk [tilespmem:v13+s23+$0x0], $0xffff  }
0x261: {  	[tilespmem:s10+$0x50] =	vst v19;
	v12 =	vld.idx.msk [tilespmem:v12+s23+$0x0], $0xffff  }
0x262: {  	v11 =	vld.idx.msk [tilespmem:v11+s23+$0x0], $0xffff;
	[tilespmem:s10+$0xFFFFFF10] =	vst v9  }
0x263: {  	[tilespmem:s10+$0x60] =	vst v18  }
0x264: {  	[tilespmem:s10+$0x70] =	vst v16  }
0x265: {  	[tilespmem:s10+$0xFFFFFF00] =	vst v17  }
0x266: {  	[tilespmem:s10+$0xFFFFFF20] =	vst v15  }
0x267: {  	[tilespmem:s10+$0xFFFFFF30] =	vst v8  }
0x268: {  	[tilespmem:s10+$0xFFFFFF40] =	vst v10  }
0x269: {  	[tilespmem:s10+$0xFFFFFF50] =	vst v13  }
0x26a: {  	[tilespmem:s10+$0xFFFFFF60] =	vst v12  }
0x26b: {  	[tilespmem:s10+$0xFFFFFF70] =	vst v11  }
0x26c: {  	s12 =	simm.s32 $0x0;
	s10 =	rddreg [dreg:$0x10]  }
0x26d: {  	[hbm4b:s10+s12] =	stream.linear.scatter [tilespmem:s23], [sflag:$0x4], $0xA000, $0x38;
	[tilespmem:$0x1E080] =	vst v63  }
0x26e: {  	_ =	swait.ge [sflag:s8], $0xA000  }
0x26f: {  	s14 =	simm.s32 $0x180;
	[sflag:s8] =	ssyncset.done $0x0  }
0x270: {  	v8 =	vadd.s32 s14, v0;
	s11 =	rddreg [dreg:$0x11];
	[sflag:s8] =	ssyncadd.s32 $0xFFFF6000  }
0x271: {  	v9 =	vadd.s32 s14, v3;
	[tilespmem:s3], [sflag:$0x3] =	stream.linear.gather [hbm4b:s11+s12], $0xA000, $0x38;
	[tilespmem:$0x1E080] =	vst v63  }
0x272: {  	v10 =	vadd.s32 s14, v1;
	_ =	swait.ge [sflag:s4], $0xA000  }
0x273: {  	v11 =	vadd.s32 s14, v2;
	[sflag:s4] =	ssyncset.done $0x0  }
0x274: {  	v12 =	vadd.s32 s14, v4;
	[sflag:s4] =	ssyncadd.s32 $0xFFFF6000  }
0x275: {  	v13 =	vadd.s32 s14, v5;
	v8 =	vld.idx.msk [tilespmem:v8+s0+$0x0], $0xffff  }
0x276: {  	v14 =	vadd.s32 s14, v6;
	v9 =	vld.idx.msk [tilespmem:v9+s0+$0x0], $0xffff  }
0x277: {  	s15 =	simm.s32 $0x80;
	v15 =	vadd.s32 s14, v7;
	v10 =	vld.idx.msk [tilespmem:v10+s0+$0x0], $0xffff  }
0x278: {  	v16 =	vadd.s32 s15, v0;
	v11 =	vld.idx.msk [tilespmem:v11+s0+$0x0], $0xffff  }
0x279: {  	v17 =	vadd.s32 s15, v1;
	v12 =	vld.idx.msk [tilespmem:v12+s0+$0x0], $0xffff  }
0x27a: {  	v18 =	vadd.s32 s15, v2;
	v13 =	vld.idx.msk [tilespmem:v13+s0+$0x0], $0xffff  }
0x27b: {  	v19 =	vadd.s32 s15, v4;
	v14 =	vld.idx.msk [tilespmem:v14+s0+$0x0], $0xffff  }
0x27c: {  	v20 =	vadd.s32 s15, v5;
	s10 =	simm.s32 $0xA180;
	v15 =	vld.idx.msk [tilespmem:v15+s0+$0x0], $0xffff  }
0x27d: {  	v21 =	vadd.s32 s15, v6;
	[tilespmem:s10+$0xF0] =	vst v9;
	v9 =	vld.idx.msk [tilespmem:v16+s0+$0x0], $0xffff  }
0x27e: {  	v16 =	vadd.s32 s15, v7;
	[tilespmem:s10+$0x80] =	vst v8;
	v8 =	vld.idx.msk [tilespmem:v17+s0+$0x0], $0xffff  }
0x27f: {  	s13 =	simm.s32 $0x100;
	v17 =	vadd.s32 s15, v3;
	[tilespmem:s10+$0x90] =	vst v10;
	v10 =	vld.idx.msk [tilespmem:v18+s0+$0x0], $0xffff  }
0x280: {  	v18 =	vadd.s32 s13, v0;
	[tilespmem:s10+$0xA0] =	vst v11;
	v11 =	vld.idx.msk [tilespmem:v19+s0+$0x0], $0xffff  }
0x281: {  	v19 =	vadd.s32 s13, v1;
	[tilespmem:s10+$0xB0] =	vst v12;
	v12 =	vld.idx.msk [tilespmem:v20+s0+$0x0], $0xffff  }
0x282: {  	v20 =	vadd.s32 s13, v2;
	[tilespmem:s10+$0xC0] =	vst v13;
	v13 =	vld.idx.msk [tilespmem:v21+s0+$0x0], $0xffff  }
0x283: {  	v21 =	vadd.s32 s13, v4;
	[tilespmem:s10+$0xD0] =	vst v14;
	v14 =	vld.idx.msk [tilespmem:v16+s0+$0x0], $0xffff  }
0x284: {  	[tilespmem:s10+$0xE0] =	vst v15;
	v16 =	vadd.s32 s13, v5;
	v15 =	vld.idx.msk [tilespmem:v17+s0+$0x0], $0xffff  }
0x285: {  	v17 =	vadd.s32 s13, v6;
	[tilespmem:s10+$0xFFFFFF80] =	vst v9;
	v22 =	vld.idx.msk [tilespmem:v18+s0+$0x0], $0xffff  }
0x286: {  	[tilespmem:s10+$0xFFFFFF90] =	vst v8;
	v23 =	vld.idx.msk [tilespmem:v19+s0+$0x0], $0xffff;
	v8 =	vadd.s32 s13, v3  }
0x287: {  	v9 =	vadd.s32 s13, v7;
	[tilespmem:s10+$0xFFFFFFA0] =	vst v10;
	v10 =	vld.idx.msk [tilespmem:v20+s0+$0x0], $0xffff  }
0x288: {  	v24 =	vadd.s32 s12, v1;
	[tilespmem:s10+$0xFFFFFFB0] =	vst v11;
	v21 =	vld.idx.msk [tilespmem:v21+s0+$0x0], $0xffff  }
0x289: {  	v11 =	vadd.s32 s12, v0;
	[tilespmem:s10+$0xFFFFFFC0] =	vst v12;
	v20 =	vld.idx.msk [tilespmem:v16+s0+$0x0], $0xffff  }
0x28a: {  	v25 =	vadd.s32 s12, v2;
	[tilespmem:s10+$0xFFFFFFD0] =	vst v13;
	v19 =	vld.idx.msk [tilespmem:v17+s0+$0x0], $0xffff  }
0x28b: {  	[tilespmem:s10+$0xFFFFFFE0] =	vst v14;
	v16 =	vld.idx.msk [tilespmem:v8+s0+$0x0], $0xffff;
	v8 =	vadd.s32 s12, v4  }
0x28c: {  	v18 =	vld.idx.msk [tilespmem:v9+s0+$0x0], $0xffff;
	[tilespmem:s10+$0xFFFFFFF0] =	vst v15;
	v14 =	vadd.s32 s12, v5  }
0x28d: {  	v13 =	vadd.s32 s12, v6;
	v9 =	vld.idx.msk [tilespmem:v24+s0+$0x0], $0xffff;
	[tilespmem:s10+$0x0] =	vst v22  }
0x28e: {  	v12 =	vadd.s32 s12, v7;
	v17 =	vld.idx.msk [tilespmem:v11+s0+$0x0], $0xffff;
	[tilespmem:s10+$0x10] =	vst v23  }
0x28f: {  	s11 =	simm.s32 $0x0;
	v11 =	vadd.s32 s12, v3;
	v15 =	vld.idx.msk [tilespmem:v25+s0+$0x0], $0xffff;
	[tilespmem:s10+$0x20] =	vst v10;
	s12 =	simm.s32 $0x200  }
.LBB2_16:
0x290: {  	v22 =	vadd.s32 s12, v1;
	v10 =	vadd.s32 s12, v2;
	s13 =	sadd.s32 $0x80, s12;
	s14 =	sadd.s32 $0x100, s12;
	s15 =	sadd.s32 $0x180, s12;
	v23 =	vld.idx.msk [tilespmem:v8+s0+$0x0], $0xffff;
	v8 =	vadd.s32 s12, v4;
	[tilespmem:s10+$0x30] =	vst v21  }
0x291: {  	s11 =	sadd.s32 $0x4, s11;
	v21 =	vadd.s32 s13, v0;
	v24 =	vadd.s32 s13, v1;
	v25 =	vadd.s32 s15, v0;
	v26 =	vld.idx.msk [tilespmem:v14+s0+$0x0], $0xffff;
	[tilespmem:s10+$0x40] =	vst v20  }
0x292: {  	v20 =	vadd.s32 s13, v2;
	v27 =	vadd.s32 s13, v4;
	v14 =	vadd.s32 s15, v3;
	p0 =	slt.u32 s11, $0x13C;
	v28 =	vld.idx.msk [tilespmem:v13+s0+$0x0], $0xffff;
	[tilespmem:s10+$0x50] =	vst v19  }
0x293: {  	v29 =	vadd.s32 s13, v6;
	v19 =	vadd.s32 s13, v5;
	v13 =	vadd.s32 s15, v1;
	v30 =	vld.idx.msk [tilespmem:v12+s0+$0x0], $0xffff;
	[tilespmem:s10+$0x60] =	vst v18  }
0x294: {  	v31 =	vadd.s32 s13, v3;
	v32 =	vadd.s32 s15, v2;
	v18 =	vadd.s32 s13, v7;
	v33 =	vld.idx.msk [tilespmem:v11+s0+$0x0], $0xffff;
	[tilespmem:s10+$0x70] =	vst v16  }
0x295: {  	v34 =	vadd.s32 s14, v1;
	v35 =	vadd.s32 s15, v4;
	v16 =	vld.idx.msk [tilespmem:v22+s0+$0x0], $0xffff;
	v22 =	vadd.s32 s14, v0;
	[tilespmem:s10+$0xFFFFFF00] =	vst v17  }
0x296: {  	v36 =	vadd.s32 s14, v4;
	v37 =	vadd.s32 s15, v5;
	v17 =	vadd.s32 s14, v2;
	v25 =	vld.idx.msk [tilespmem:v25+s0+$0x0], $0xffff;
	[tilespmem:s10+$0xFFFFFF10] =	vst v9  }
0x297: {  	v38 =	vadd.s32 s14, v5;
	v39 =	vadd.s32 s14, v6;
	v40 =	vadd.s32 s15, v6;
	v41 =	vld.idx.msk [tilespmem:v14+s0+$0x0], $0xffff;
	[tilespmem:s10+$0xFFFFFF20] =	vst v15  }
0x298: {  	v42 =	vadd.s32 s14, v3;
	v44 =	vadd.s32 s15, v7;
	v15 =	vadd.s32 s14, v7;
	v43 =	vld.idx.msk [tilespmem:v13+s0+$0x0], $0xffff;
	[tilespmem:s10+$0xFFFFFF30] =	vst v23  }
0x299: {  	v12 =	vadd.s32 s12, v7;
	v14 =	vadd.s32 s12, v5;
	v13 =	vadd.s32 s12, v6;
	v23 =	vld.idx.msk [tilespmem:v32+s0+$0x0], $0xffff;
	[tilespmem:s10+$0xFFFFFF40] =	vst v26  }
0x29a: {  	v11 =	vadd.s32 s12, v3;
	v26 =	vadd.s32 s12, v0;
	v32 =	vld.idx.msk [tilespmem:v35+s0+$0x0], $0xffff;
	[tilespmem:s10+$0xFFFFFF50] =	vst v28  }
0x29b: {  	v9 =	vmov v16;
	v28 =	vld.idx.msk [tilespmem:v37+s0+$0x0], $0xffff;
	[tilespmem:s10+$0xFFFFFF60] =	vst v30  }
0x29c: {  	v16 =	vld.idx.msk [tilespmem:v40+s0+$0x0], $0xffff;
	[tilespmem:s10+$0xFFFFFF70] =	vst v33;
	s10 =	sadd.s32 $0x200, s10  }
0x29d: {  	v30 =	vld.idx.msk [tilespmem:v44+s0+$0x0], $0xffff;
	[tilespmem:s10+$0xF0] =	vst v41  }
0x29e: {  	v21 =	vld.idx.msk [tilespmem:v21+s0+$0x0], $0xffff;
	[tilespmem:s10+$0x80] =	vst v25  }
0x29f: {  	v24 =	vld.idx.msk [tilespmem:v24+s0+$0x0], $0xffff;
	[tilespmem:s10+$0x90] =	vst v43  }
0x2a0: {  	v20 =	vld.idx.msk [tilespmem:v20+s0+$0x0], $0xffff;
	[tilespmem:s10+$0xA0] =	vst v23  }
0x2a1: {  	v23 =	vld.idx.msk [tilespmem:v27+s0+$0x0], $0xffff;
	[tilespmem:s10+$0xB0] =	vst v32  }
0x2a2: {  	v19 =	vld.idx.msk [tilespmem:v19+s0+$0x0], $0xffff;
	[tilespmem:s10+$0xC0] =	vst v28  }
0x2a3: {  	v25 =	vld.idx.msk [tilespmem:v29+s0+$0x0], $0xffff;
	[tilespmem:s10+$0xD0] =	vst v16  }
0x2a4: {  	v16 =	vld.idx.msk [tilespmem:v18+s0+$0x0], $0xffff;
	[tilespmem:s10+$0xE0] =	vst v30  }
0x2a5: {  	v18 =	vld.idx.msk [tilespmem:v31+s0+$0x0], $0xffff;
	[tilespmem:s10+$0xFFFFFF80] =	vst v21  }
0x2a6: {  	[tilespmem:s10+$0xFFFFFF90] =	vst v24;
	v22 =	vld.idx.msk [tilespmem:v22+s0+$0x0], $0xffff  }
0x2a7: {  	[tilespmem:s10+$0xFFFFFFA0] =	vst v20;
	v24 =	vld.idx.msk [tilespmem:v34+s0+$0x0], $0xffff  }
0x2a8: {  	[tilespmem:s10+$0xFFFFFFB0] =	vst v23;
	v23 =	vld.idx.msk [tilespmem:v17+s0+$0x0], $0xffff  }
0x2a9: {  	[tilespmem:s10+$0xFFFFFFC0] =	vst v19;
	v21 =	vld.idx.msk [tilespmem:v36+s0+$0x0], $0xffff  }
0x2aa: {  	[tilespmem:s10+$0xFFFFFFD0] =	vst v25;
	v20 =	vld.idx.msk [tilespmem:v38+s0+$0x0], $0xffff  }
.Ltmp7:
0x2ab: {  	[tilespmem:s10+$0xFFFFFFE0] =	vst v16;
	v19 =	vld.idx.msk [tilespmem:v39+s0+$0x0], $0xffff;
	(pc) =	sbr.rel @p0 .LBB2_16-.Ltmp7, $4  }
0x2ac: {  	[tilespmem:s10+$0xFFFFFFF0] =	vst v18;
	v18 =	vld.idx.msk [tilespmem:v15+s0+$0x0], $0xffff  }
0x2ad: {  	v16 =	vld.idx.msk [tilespmem:v42+s0+$0x0], $0xffff;
	[tilespmem:s10+$0x0] =	vst v22  }
0x2ae: {  	v17 =	vld.idx.msk [tilespmem:v26+s0+$0x0], $0xffff;
	[tilespmem:s10+$0x10] =	vst v24  }
0x2af: {  	s12 =	sadd.s32 $0x200, s12;
	v15 =	vld.idx.msk [tilespmem:v10+s0+$0x0], $0xffff;
	[tilespmem:s10+$0x20] =	vst v23  }
0x2b0: {  	_ =	sdelay $0x3  }
0x2b1: {  	v8 =	vld.idx.msk [tilespmem:v8+s0+$0x0], $0xffff  }
0x2b2: {  	[tilespmem:s10+$0x30] =	vst v21;
	v10 =	vld.idx.msk [tilespmem:v14+s0+$0x0], $0xffff  }
0x2b3: {  	[tilespmem:s10+$0x40] =	vst v20;
	v13 =	vld.idx.msk [tilespmem:v13+s0+$0x0], $0xffff  }
0x2b4: {  	[tilespmem:s10+$0x50] =	vst v19;
	v12 =	vld.idx.msk [tilespmem:v12+s0+$0x0], $0xffff  }
0x2b5: {  	v11 =	vld.idx.msk [tilespmem:v11+s0+$0x0], $0xffff;
	[tilespmem:s10+$0xFFFFFF10] =	vst v9  }
0x2b6: {  	[tilespmem:s10+$0x60] =	vst v18  }
0x2b7: {  	[tilespmem:s10+$0x70] =	vst v16  }
0x2b8: {  	[tilespmem:s10+$0xFFFFFF00] =	vst v17  }
0x2b9: {  	[tilespmem:s10+$0xFFFFFF20] =	vst v15  }
0x2ba: {  	[tilespmem:s10+$0xFFFFFF30] =	vst v8  }
0x2bb: {  	[tilespmem:s10+$0xFFFFFF40] =	vst v10  }
0x2bc: {  	[tilespmem:s10+$0xFFFFFF50] =	vst v13  }
0x2bd: {  	[tilespmem:s10+$0xFFFFFF60] =	vst v12  }
0x2be: {  	s12 =	simm.s32 $0x0;
	[tilespmem:s10+$0xFFFFFF70] =	vst v11  }
0x2bf: {  	[hbm4b:s16+s12] =	stream.linear.scatter [tilespmem:s0], [sflag:$0x5], $0xA000, $0x38;
	[tilespmem:$0x1E080] =	vst v63  }
0x2c0: {  	_ =	swait.ge [sflag:s5], $0xA000  }
0x2c1: {  	s15 =	simm.s32 $0x180;
	[sflag:s5] =	ssyncset.done $0x0  }
0x2c2: {  	v8 =	vadd.s32 s15, v0;
	[sflag:s5] =	ssyncadd.s32 $0xFFFF6000  }
0x2c3: {  	v9 =	vadd.s32 s15, v3;
	[tilespmem:s23], [sflag:$0x1] =	stream.linear.gather [hbm4b:s17+s12], $0xA000, $0x38;
	[tilespmem:$0x1E080] =	vst v63  }
0x2c4: {  	v10 =	vadd.s32 s15, v1;
	_ =	swait.ge [sflag:s6], $0xA000  }
0x2c5: {  	v11 =	vadd.s32 s15, v2;
	[sflag:s6] =	ssyncset.done $0x0  }
0x2c6: {  	v12 =	vadd.s32 s15, v4;
	[sflag:s6] =	ssyncadd.s32 $0xFFFF6000  }
0x2c7: {  	v13 =	vadd.s32 s15, v5;
	v8 =	vld.idx.msk [tilespmem:v8+s3+$0x0], $0xffff  }
0x2c8: {  	v14 =	vadd.s32 s15, v6;
	v9 =	vld.idx.msk [tilespmem:v9+s3+$0x0], $0xffff  }
0x2c9: {  	s11 =	simm.s32 $0x80;
	v15 =	vadd.s32 s15, v7;
	v10 =	vld.idx.msk [tilespmem:v10+s3+$0x0], $0xffff  }
0x2ca: {  	v16 =	vadd.s32 s11, v0;
	v11 =	vld.idx.msk [tilespmem:v11+s3+$0x0], $0xffff  }
0x2cb: {  	v17 =	vadd.s32 s11, v1;
	v12 =	vld.idx.msk [tilespmem:v12+s3+$0x0], $0xffff  }
0x2cc: {  	v18 =	vadd.s32 s11, v2;
	v13 =	vld.idx.msk [tilespmem:v13+s3+$0x0], $0xffff  }
0x2cd: {  	v19 =	vadd.s32 s11, v4;
	v14 =	vld.idx.msk [tilespmem:v14+s3+$0x0], $0xffff  }
0x2ce: {  	v20 =	vadd.s32 s11, v5;
	s10 =	simm.s32 $0x14180;
	v15 =	vld.idx.msk [tilespmem:v15+s3+$0x0], $0xffff  }
0x2cf: {  	v21 =	vadd.s32 s11, v6;
	[tilespmem:s10+$0xF0] =	vst v9;
	v9 =	vld.idx.msk [tilespmem:v16+s3+$0x0], $0xffff  }
0x2d0: {  	v16 =	vadd.s32 s11, v7;
	[tilespmem:s10+$0x80] =	vst v8;
	v8 =	vld.idx.msk [tilespmem:v17+s3+$0x0], $0xffff  }
0x2d1: {  	s13 =	simm.s32 $0x100;
	v17 =	vadd.s32 s11, v3;
	[tilespmem:s10+$0x90] =	vst v10;
	v10 =	vld.idx.msk [tilespmem:v18+s3+$0x0], $0xffff  }
0x2d2: {  	v18 =	vadd.s32 s13, v0;
	[tilespmem:s10+$0xA0] =	vst v11;
	v11 =	vld.idx.msk [tilespmem:v19+s3+$0x0], $0xffff  }
0x2d3: {  	v19 =	vadd.s32 s13, v1;
	[tilespmem:s10+$0xB0] =	vst v12;
	v12 =	vld.idx.msk [tilespmem:v20+s3+$0x0], $0xffff  }
0x2d4: {  	v20 =	vadd.s32 s13, v2;
	[tilespmem:s10+$0xC0] =	vst v13;
	v13 =	vld.idx.msk [tilespmem:v21+s3+$0x0], $0xffff  }
0x2d5: {  	v21 =	vadd.s32 s13, v4;
	[tilespmem:s10+$0xD0] =	vst v14;
	v14 =	vld.idx.msk [tilespmem:v16+s3+$0x0], $0xffff  }
0x2d6: {  	[tilespmem:s10+$0xE0] =	vst v15;
	v16 =	vadd.s32 s13, v5;
	v15 =	vld.idx.msk [tilespmem:v17+s3+$0x0], $0xffff  }
0x2d7: {  	v17 =	vadd.s32 s13, v6;
	[tilespmem:s10+$0xFFFFFF80] =	vst v9;
	v22 =	vld.idx.msk [tilespmem:v18+s3+$0x0], $0xffff  }
0x2d8: {  	[tilespmem:s10+$0xFFFFFF90] =	vst v8;
	v23 =	vld.idx.msk [tilespmem:v19+s3+$0x0], $0xffff;
	v8 =	vadd.s32 s13, v3  }
0x2d9: {  	v9 =	vadd.s32 s13, v7;
	[tilespmem:s10+$0xFFFFFFA0] =	vst v10;
	v10 =	vld.idx.msk [tilespmem:v20+s3+$0x0], $0xffff  }
0x2da: {  	v24 =	vadd.s32 s12, v1;
	[tilespmem:s10+$0xFFFFFFB0] =	vst v11;
	v21 =	vld.idx.msk [tilespmem:v21+s3+$0x0], $0xffff  }
0x2db: {  	v11 =	vadd.s32 s12, v0;
	[tilespmem:s10+$0xFFFFFFC0] =	vst v12;
	v20 =	vld.idx.msk [tilespmem:v16+s3+$0x0], $0xffff  }
0x2dc: {  	v25 =	vadd.s32 s12, v2;
	[tilespmem:s10+$0xFFFFFFD0] =	vst v13;
	v19 =	vld.idx.msk [tilespmem:v17+s3+$0x0], $0xffff  }
0x2dd: {  	[tilespmem:s10+$0xFFFFFFE0] =	vst v14;
	v16 =	vld.idx.msk [tilespmem:v8+s3+$0x0], $0xffff;
	v8 =	vadd.s32 s12, v4  }
0x2de: {  	v18 =	vld.idx.msk [tilespmem:v9+s3+$0x0], $0xffff;
	[tilespmem:s10+$0xFFFFFFF0] =	vst v15;
	v14 =	vadd.s32 s12, v5  }
0x2df: {  	v13 =	vadd.s32 s12, v6;
	v9 =	vld.idx.msk [tilespmem:v24+s3+$0x0], $0xffff;
	[tilespmem:s10+$0x0] =	vst v22  }
0x2e0: {  	v12 =	vadd.s32 s12, v7;
	v17 =	vld.idx.msk [tilespmem:v11+s3+$0x0], $0xffff;
	[tilespmem:s10+$0x10] =	vst v23  }
0x2e1: {  	s11 =	simm.s32 $0x0;
	v11 =	vadd.s32 s12, v3;
	v15 =	vld.idx.msk [tilespmem:v25+s3+$0x0], $0xffff;
	[tilespmem:s10+$0x20] =	vst v10;
	s12 =	simm.s32 $0x200  }
.LBB2_18:
0x2e2: {  	v22 =	vadd.s32 s12, v1;
	v10 =	vadd.s32 s12, v2;
	s13 =	sadd.s32 $0x80, s12;
	s14 =	sadd.s32 $0x100, s12;
	s15 =	sadd.s32 $0x180, s12;
	v23 =	vld.idx.msk [tilespmem:v8+s3+$0x0], $0xffff;
	v8 =	vadd.s32 s12, v4;
	[tilespmem:s10+$0x30] =	vst v21  }
0x2e3: {  	s11 =	sadd.s32 $0x4, s11;
	v21 =	vadd.s32 s13, v0;
	v24 =	vadd.s32 s13, v1;
	v25 =	vadd.s32 s15, v0;
	v26 =	vld.idx.msk [tilespmem:v14+s3+$0x0], $0xffff;
	[tilespmem:s10+$0x40] =	vst v20  }
0x2e4: {  	v20 =	vadd.s32 s13, v2;
	v27 =	vadd.s32 s13, v4;
	v14 =	vadd.s32 s15, v3;
	p0 =	slt.u32 s11, $0x13C;
	v28 =	vld.idx.msk [tilespmem:v13+s3+$0x0], $0xffff;
	[tilespmem:s10+$0x50] =	vst v19  }
0x2e5: {  	v29 =	vadd.s32 s13, v6;
	v19 =	vadd.s32 s13, v5;
	v13 =	vadd.s32 s15, v1;
	v30 =	vld.idx.msk [tilespmem:v12+s3+$0x0], $0xffff;
	[tilespmem:s10+$0x60] =	vst v18  }
0x2e6: {  	v31 =	vadd.s32 s13, v3;
	v32 =	vadd.s32 s15, v2;
	v18 =	vadd.s32 s13, v7;
	v33 =	vld.idx.msk [tilespmem:v11+s3+$0x0], $0xffff;
	[tilespmem:s10+$0x70] =	vst v16  }
0x2e7: {  	v34 =	vadd.s32 s14, v1;
	v35 =	vadd.s32 s15, v4;
	v16 =	vld.idx.msk [tilespmem:v22+s3+$0x0], $0xffff;
	v22 =	vadd.s32 s14, v0;
	[tilespmem:s10+$0xFFFFFF00] =	vst v17  }
0x2e8: {  	v36 =	vadd.s32 s14, v4;
	v37 =	vadd.s32 s15, v5;
	v17 =	vadd.s32 s14, v2;
	v25 =	vld.idx.msk [tilespmem:v25+s3+$0x0], $0xffff;
	[tilespmem:s10+$0xFFFFFF10] =	vst v9  }
0x2e9: {  	v38 =	vadd.s32 s14, v5;
	v39 =	vadd.s32 s14, v6;
	v40 =	vadd.s32 s15, v6;
	v41 =	vld.idx.msk [tilespmem:v14+s3+$0x0], $0xffff;
	[tilespmem:s10+$0xFFFFFF20] =	vst v15  }
0x2ea: {  	v42 =	vadd.s32 s14, v3;
	v44 =	vadd.s32 s15, v7;
	v15 =	vadd.s32 s14, v7;
	v43 =	vld.idx.msk [tilespmem:v13+s3+$0x0], $0xffff;
	[tilespmem:s10+$0xFFFFFF30] =	vst v23  }
0x2eb: {  	v12 =	vadd.s32 s12, v7;
	v14 =	vadd.s32 s12, v5;
	v13 =	vadd.s32 s12, v6;
	v23 =	vld.idx.msk [tilespmem:v32+s3+$0x0], $0xffff;
	[tilespmem:s10+$0xFFFFFF40] =	vst v26  }
0x2ec: {  	v11 =	vadd.s32 s12, v3;
	v26 =	vadd.s32 s12, v0;
	v32 =	vld.idx.msk [tilespmem:v35+s3+$0x0], $0xffff;
	[tilespmem:s10+$0xFFFFFF50] =	vst v28  }
0x2ed: {  	v9 =	vmov v16;
	v28 =	vld.idx.msk [tilespmem:v37+s3+$0x0], $0xffff;
	[tilespmem:s10+$0xFFFFFF60] =	vst v30  }
0x2ee: {  	v16 =	vld.idx.msk [tilespmem:v40+s3+$0x0], $0xffff;
	[tilespmem:s10+$0xFFFFFF70] =	vst v33;
	s10 =	sadd.s32 $0x200, s10  }
0x2ef: {  	v30 =	vld.idx.msk [tilespmem:v44+s3+$0x0], $0xffff;
	[tilespmem:s10+$0xF0] =	vst v41  }
0x2f0: {  	v21 =	vld.idx.msk [tilespmem:v21+s3+$0x0], $0xffff;
	[tilespmem:s10+$0x80] =	vst v25  }
0x2f1: {  	v24 =	vld.idx.msk [tilespmem:v24+s3+$0x0], $0xffff;
	[tilespmem:s10+$0x90] =	vst v43  }
0x2f2: {  	v20 =	vld.idx.msk [tilespmem:v20+s3+$0x0], $0xffff;
	[tilespmem:s10+$0xA0] =	vst v23  }
0x2f3: {  	v23 =	vld.idx.msk [tilespmem:v27+s3+$0x0], $0xffff;
	[tilespmem:s10+$0xB0] =	vst v32  }
0x2f4: {  	v19 =	vld.idx.msk [tilespmem:v19+s3+$0x0], $0xffff;
	[tilespmem:s10+$0xC0] =	vst v28  }
0x2f5: {  	v25 =	vld.idx.msk [tilespmem:v29+s3+$0x0], $0xffff;
	[tilespmem:s10+$0xD0] =	vst v16  }
0x2f6: {  	v16 =	vld.idx.msk [tilespmem:v18+s3+$0x0], $0xffff;
	[tilespmem:s10+$0xE0] =	vst v30  }
0x2f7: {  	v18 =	vld.idx.msk [tilespmem:v31+s3+$0x0], $0xffff;
	[tilespmem:s10+$0xFFFFFF80] =	vst v21  }
0x2f8: {  	[tilespmem:s10+$0xFFFFFF90] =	vst v24;
	v22 =	vld.idx.msk [tilespmem:v22+s3+$0x0], $0xffff  }
0x2f9: {  	[tilespmem:s10+$0xFFFFFFA0] =	vst v20;
	v24 =	vld.idx.msk [tilespmem:v34+s3+$0x0], $0xffff  }
0x2fa: {  	[tilespmem:s10+$0xFFFFFFB0] =	vst v23;
	v23 =	vld.idx.msk [tilespmem:v17+s3+$0x0], $0xffff  }
0x2fb: {  	[tilespmem:s10+$0xFFFFFFC0] =	vst v19;
	v21 =	vld.idx.msk [tilespmem:v36+s3+$0x0], $0xffff  }
0x2fc: {  	[tilespmem:s10+$0xFFFFFFD0] =	vst v25;
	v20 =	vld.idx.msk [tilespmem:v38+s3+$0x0], $0xffff  }
.Ltmp8:
0x2fd: {  	[tilespmem:s10+$0xFFFFFFE0] =	vst v16;
	v19 =	vld.idx.msk [tilespmem:v39+s3+$0x0], $0xffff;
	(pc) =	sbr.rel @p0 .LBB2_18-.Ltmp8, $4  }
0x2fe: {  	[tilespmem:s10+$0xFFFFFFF0] =	vst v18;
	v18 =	vld.idx.msk [tilespmem:v15+s3+$0x0], $0xffff  }
0x2ff: {  	v16 =	vld.idx.msk [tilespmem:v42+s3+$0x0], $0xffff;
	[tilespmem:s10+$0x0] =	vst v22  }
0x300: {  	v17 =	vld.idx.msk [tilespmem:v26+s3+$0x0], $0xffff;
	[tilespmem:s10+$0x10] =	vst v24  }
0x301: {  	s12 =	sadd.s32 $0x200, s12;
	v15 =	vld.idx.msk [tilespmem:v10+s3+$0x0], $0xffff;
	[tilespmem:s10+$0x20] =	vst v23  }
0x302: {  	_ =	sdelay $0x3  }
0x303: {  	v8 =	vld.idx.msk [tilespmem:v8+s3+$0x0], $0xffff  }
0x304: {  	[tilespmem:s10+$0x30] =	vst v21;
	v10 =	vld.idx.msk [tilespmem:v14+s3+$0x0], $0xffff  }
0x305: {  	[tilespmem:s10+$0x40] =	vst v20;
	v13 =	vld.idx.msk [tilespmem:v13+s3+$0x0], $0xffff  }
0x306: {  	[tilespmem:s10+$0x50] =	vst v19;
	v12 =	vld.idx.msk [tilespmem:v12+s3+$0x0], $0xffff  }
0x307: {  	v11 =	vld.idx.msk [tilespmem:v11+s3+$0x0], $0xffff;
	[tilespmem:s10+$0xFFFFFF10] =	vst v9  }
0x308: {  	[tilespmem:s10+$0x60] =	vst v18  }
0x309: {  	[tilespmem:s10+$0x70] =	vst v16  }
0x30a: {  	[tilespmem:s10+$0xFFFFFF00] =	vst v17  }
0x30b: {  	[tilespmem:s10+$0xFFFFFF20] =	vst v15  }
0x30c: {  	[tilespmem:s10+$0xFFFFFF30] =	vst v8  }
0x30d: {  	[tilespmem:s10+$0xFFFFFF40] =	vst v10  }
0x30e: {  	[tilespmem:s10+$0xFFFFFF50] =	vst v13  }
0x30f: {  	[tilespmem:s10+$0xFFFFFF60] =	vst v12  }
0x310: {  	s12 =	simm.s32 $0x0;
	[tilespmem:s10+$0xFFFFFF70] =	vst v11  }
0x311: {  	[hbm4b:s18+s12] =	stream.linear.scatter [tilespmem:s3], [sflag:$0x6], $0xA000, $0x38;
	[tilespmem:$0x1E080] =	vst v63  }
0x312: {  	_ =	swait.ge [sflag:s7], $0xA000  }
0x313: {  	s15 =	simm.s32 $0x180;
	[sflag:s7] =	ssyncset.done $0x0  }
0x314: {  	v8 =	vadd.s32 s15, v0;
	[sflag:s7] =	ssyncadd.s32 $0xFFFF6000  }
0x315: {  	v9 =	vadd.s32 s15, v3;
	[tilespmem:s0], [sflag:$0x2] =	stream.linear.gather [hbm4b:s19+s12], $0xA000, $0x38;
	[tilespmem:$0x1E080] =	vst v63  }
0x316: {  	v10 =	vadd.s32 s15, v1;
	_ =	swait.ge [sflag:s2], $0xA000  }
0x317: {  	v11 =	vadd.s32 s15, v2;
	[sflag:s2] =	ssyncset.done $0x0  }
0x318: {  	v12 =	vadd.s32 s15, v4;
	[sflag:s2] =	ssyncadd.s32 $0xFFFF6000  }
0x319: {  	v13 =	vadd.s32 s15, v5;
	v8 =	vld.idx.msk [tilespmem:v8+s23+$0x0], $0xffff  }
0x31a: {  	v14 =	vadd.s32 s15, v6;
	v9 =	vld.idx.msk [tilespmem:v9+s23+$0x0], $0xffff  }
0x31b: {  	s11 =	simm.s32 $0x80;
	v15 =	vadd.s32 s15, v7;
	v10 =	vld.idx.msk [tilespmem:v10+s23+$0x0], $0xffff  }
0x31c: {  	v16 =	vadd.s32 s11, v0;
	v11 =	vld.idx.msk [tilespmem:v11+s23+$0x0], $0xffff  }
0x31d: {  	v17 =	vadd.s32 s11, v1;
	v12 =	vld.idx.msk [tilespmem:v12+s23+$0x0], $0xffff  }
0x31e: {  	v18 =	vadd.s32 s11, v2;
	v13 =	vld.idx.msk [tilespmem:v13+s23+$0x0], $0xffff  }
0x31f: {  	v19 =	vadd.s32 s11, v4;
	v14 =	vld.idx.msk [tilespmem:v14+s23+$0x0], $0xffff  }
0x320: {  	v20 =	vadd.s32 s11, v5;
	s10 =	simm.s32 $0x180;
	v15 =	vld.idx.msk [tilespmem:v15+s23+$0x0], $0xffff  }
0x321: {  	v21 =	vadd.s32 s11, v6;
	[tilespmem:s10+$0xF0] =	vst v9;
	v9 =	vld.idx.msk [tilespmem:v16+s23+$0x0], $0xffff  }
0x322: {  	v16 =	vadd.s32 s11, v7;
	[tilespmem:s10+$0x80] =	vst v8;
	v8 =	vld.idx.msk [tilespmem:v17+s23+$0x0], $0xffff  }
0x323: {  	s13 =	simm.s32 $0x100;
	v17 =	vadd.s32 s11, v3;
	[tilespmem:s10+$0x90] =	vst v10;
	v10 =	vld.idx.msk [tilespmem:v18+s23+$0x0], $0xffff  }
0x324: {  	v18 =	vadd.s32 s13, v0;
	[tilespmem:s10+$0xA0] =	vst v11;
	v11 =	vld.idx.msk [tilespmem:v19+s23+$0x0], $0xffff  }
0x325: {  	v19 =	vadd.s32 s13, v1;
	[tilespmem:s10+$0xB0] =	vst v12;
	v12 =	vld.idx.msk [tilespmem:v20+s23+$0x0], $0xffff  }
0x326: {  	v20 =	vadd.s32 s13, v2;
	[tilespmem:s10+$0xC0] =	vst v13;
	v13 =	vld.idx.msk [tilespmem:v21+s23+$0x0], $0xffff  }
0x327: {  	v21 =	vadd.s32 s13, v4;
	[tilespmem:s10+$0xD0] =	vst v14;
	v14 =	vld.idx.msk [tilespmem:v16+s23+$0x0], $0xffff  }
0x328: {  	[tilespmem:s10+$0xE0] =	vst v15;
	v16 =	vadd.s32 s13, v5;
	v15 =	vld.idx.msk [tilespmem:v17+s23+$0x0], $0xffff  }
0x329: {  	v17 =	vadd.s32 s13, v6;
	[tilespmem:s10+$0xFFFFFF80] =	vst v9;
	v22 =	vld.idx.msk [tilespmem:v18+s23+$0x0], $0xffff  }
0x32a: {  	[tilespmem:s10+$0xFFFFFF90] =	vst v8;
	v23 =	vld.idx.msk [tilespmem:v19+s23+$0x0], $0xffff;
	v8 =	vadd.s32 s13, v3  }
0x32b: {  	v9 =	vadd.s32 s13, v7;
	[tilespmem:s10+$0xFFFFFFA0] =	vst v10;
	v10 =	vld.idx.msk [tilespmem:v20+s23+$0x0], $0xffff  }
0x32c: {  	v24 =	vadd.s32 s12, v1;
	[tilespmem:s10+$0xFFFFFFB0] =	vst v11;
	v21 =	vld.idx.msk [tilespmem:v21+s23+$0x0], $0xffff  }
0x32d: {  	v11 =	vadd.s32 s12, v0;
	[tilespmem:s10+$0xFFFFFFC0] =	vst v12;
	v20 =	vld.idx.msk [tilespmem:v16+s23+$0x0], $0xffff  }
0x32e: {  	v25 =	vadd.s32 s12, v2;
	[tilespmem:s10+$0xFFFFFFD0] =	vst v13;
	v19 =	vld.idx.msk [tilespmem:v17+s23+$0x0], $0xffff  }
0x32f: {  	[tilespmem:s10+$0xFFFFFFE0] =	vst v14;
	v16 =	vld.idx.msk [tilespmem:v8+s23+$0x0], $0xffff;
	v8 =	vadd.s32 s12, v4  }
0x330: {  	v18 =	vld.idx.msk [tilespmem:v9+s23+$0x0], $0xffff;
	[tilespmem:s10+$0xFFFFFFF0] =	vst v15;
	v14 =	vadd.s32 s12, v5  }
0x331: {  	v13 =	vadd.s32 s12, v6;
	v9 =	vld.idx.msk [tilespmem:v24+s23+$0x0], $0xffff;
	[tilespmem:s10+$0x0] =	vst v22  }
0x332: {  	v12 =	vadd.s32 s12, v7;
	v17 =	vld.idx.msk [tilespmem:v11+s23+$0x0], $0xffff;
	[tilespmem:s10+$0x10] =	vst v23  }
0x333: {  	s11 =	simm.s32 $0x0;
	v11 =	vadd.s32 s12, v3;
	v15 =	vld.idx.msk [tilespmem:v25+s23+$0x0], $0xffff;
	[tilespmem:s10+$0x20] =	vst v10;
	s12 =	simm.s32 $0x200  }
.LBB2_20:
0x334: {  	v22 =	vadd.s32 s12, v1;
	v10 =	vadd.s32 s12, v2;
	s13 =	sadd.s32 $0x80, s12;
	s14 =	sadd.s32 $0x100, s12;
	s15 =	sadd.s32 $0x180, s12;
	v23 =	vld.idx.msk [tilespmem:v8+s23+$0x0], $0xffff;
	v8 =	vadd.s32 s12, v4;
	[tilespmem:s10+$0x30] =	vst v21  }
0x335: {  	s11 =	sadd.s32 $0x4, s11;
	v21 =	vadd.s32 s13, v0;
	v24 =	vadd.s32 s13, v1;
	v25 =	vadd.s32 s15, v0;
	v26 =	vld.idx.msk [tilespmem:v14+s23+$0x0], $0xffff;
	[tilespmem:s10+$0x40] =	vst v20  }
0x336: {  	v20 =	vadd.s32 s13, v2;
	v27 =	vadd.s32 s13, v4;
	v14 =	vadd.s32 s15, v3;
	p0 =	slt.u32 s11, $0x13C;
	v28 =	vld.idx.msk [tilespmem:v13+s23+$0x0], $0xffff;
	[tilespmem:s10+$0x50] =	vst v19  }
0x337: {  	v29 =	vadd.s32 s13, v6;
	v19 =	vadd.s32 s13, v5;
	v13 =	vadd.s32 s15, v1;
	v30 =	vld.idx.msk [tilespmem:v12+s23+$0x0], $0xffff;
	[tilespmem:s10+$0x60] =	vst v18  }
0x338: {  	v31 =	vadd.s32 s13, v3;
	v32 =	vadd.s32 s15, v2;
	v18 =	vadd.s32 s13, v7;
	v33 =	vld.idx.msk [tilespmem:v11+s23+$0x0], $0xffff;
	[tilespmem:s10+$0x70] =	vst v16  }
0x339: {  	v34 =	vadd.s32 s14, v1;
	v35 =	vadd.s32 s15, v4;
	v16 =	vld.idx.msk [tilespmem:v22+s23+$0x0], $0xffff;
	v22 =	vadd.s32 s14, v0;
	[tilespmem:s10+$0xFFFFFF00] =	vst v17  }
0x33a: {  	v36 =	vadd.s32 s14, v4;
	v37 =	vadd.s32 s15, v5;
	v17 =	vadd.s32 s14, v2;
	v25 =	vld.idx.msk [tilespmem:v25+s23+$0x0], $0xffff;
	[tilespmem:s10+$0xFFFFFF10] =	vst v9  }
0x33b: {  	v38 =	vadd.s32 s14, v5;
	v39 =	vadd.s32 s14, v6;
	v40 =	vadd.s32 s15, v6;
	v41 =	vld.idx.msk [tilespmem:v14+s23+$0x0], $0xffff;
	[tilespmem:s10+$0xFFFFFF20] =	vst v15  }
0x33c: {  	v42 =	vadd.s32 s14, v3;
	v44 =	vadd.s32 s15, v7;
	v15 =	vadd.s32 s14, v7;
	v43 =	vld.idx.msk [tilespmem:v13+s23+$0x0], $0xffff;
	[tilespmem:s10+$0xFFFFFF30] =	vst v23  }
0x33d: {  	v12 =	vadd.s32 s12, v7;
	v14 =	vadd.s32 s12, v5;
	v13 =	vadd.s32 s12, v6;
	v23 =	vld.idx.msk [tilespmem:v32+s23+$0x0], $0xffff;
	[tilespmem:s10+$0xFFFFFF40] =	vst v26  }
0x33e: {  	v11 =	vadd.s32 s12, v3;
	v26 =	vadd.s32 s12, v0;
	v32 =	vld.idx.msk [tilespmem:v35+s23+$0x0], $0xffff;
	[tilespmem:s10+$0xFFFFFF50] =	vst v28  }
0x33f: {  	v9 =	vmov v16;
	v28 =	vld.idx.msk [tilespmem:v37+s23+$0x0], $0xffff;
	[tilespmem:s10+$0xFFFFFF60] =	vst v30  }
0x340: {  	v16 =	vld.idx.msk [tilespmem:v40+s23+$0x0], $0xffff;
	[tilespmem:s10+$0xFFFFFF70] =	vst v33;
	s10 =	sadd.s32 $0x200, s10  }
0x341: {  	v30 =	vld.idx.msk [tilespmem:v44+s23+$0x0], $0xffff;
	[tilespmem:s10+$0xF0] =	vst v41  }
0x342: {  	v21 =	vld.idx.msk [tilespmem:v21+s23+$0x0], $0xffff;
	[tilespmem:s10+$0x80] =	vst v25  }
0x343: {  	v24 =	vld.idx.msk [tilespmem:v24+s23+$0x0], $0xffff;
	[tilespmem:s10+$0x90] =	vst v43  }
0x344: {  	v20 =	vld.idx.msk [tilespmem:v20+s23+$0x0], $0xffff;
	[tilespmem:s10+$0xA0] =	vst v23  }
0x345: {  	v23 =	vld.idx.msk [tilespmem:v27+s23+$0x0], $0xffff;
	[tilespmem:s10+$0xB0] =	vst v32  }
0x346: {  	v19 =	vld.idx.msk [tilespmem:v19+s23+$0x0], $0xffff;
	[tilespmem:s10+$0xC0] =	vst v28  }
0x347: {  	v25 =	vld.idx.msk [tilespmem:v29+s23+$0x0], $0xffff;
	[tilespmem:s10+$0xD0] =	vst v16  }
0x348: {  	v16 =	vld.idx.msk [tilespmem:v18+s23+$0x0], $0xffff;
	[tilespmem:s10+$0xE0] =	vst v30  }
0x349: {  	v18 =	vld.idx.msk [tilespmem:v31+s23+$0x0], $0xffff;
	[tilespmem:s10+$0xFFFFFF80] =	vst v21  }
0x34a: {  	[tilespmem:s10+$0xFFFFFF90] =	vst v24;
	v22 =	vld.idx.msk [tilespmem:v22+s23+$0x0], $0xffff  }
0x34b: {  	[tilespmem:s10+$0xFFFFFFA0] =	vst v20;
	v24 =	vld.idx.msk [tilespmem:v34+s23+$0x0], $0xffff  }
0x34c: {  	[tilespmem:s10+$0xFFFFFFB0] =	vst v23;
	v23 =	vld.idx.msk [tilespmem:v17+s23+$0x0], $0xffff  }
0x34d: {  	[tilespmem:s10+$0xFFFFFFC0] =	vst v19;
	v21 =	vld.idx.msk [tilespmem:v36+s23+$0x0], $0xffff  }
0x34e: {  	[tilespmem:s10+$0xFFFFFFD0] =	vst v25;
	v20 =	vld.idx.msk [tilespmem:v38+s23+$0x0], $0xffff  }
.Ltmp9:
0x34f: {  	[tilespmem:s10+$0xFFFFFFE0] =	vst v16;
	v19 =	vld.idx.msk [tilespmem:v39+s23+$0x0], $0xffff;
	(pc) =	sbr.rel @p0 .LBB2_20-.Ltmp9, $4  }
0x350: {  	[tilespmem:s10+$0xFFFFFFF0] =	vst v18;
	v18 =	vld.idx.msk [tilespmem:v15+s23+$0x0], $0xffff  }
0x351: {  	v16 =	vld.idx.msk [tilespmem:v42+s23+$0x0], $0xffff;
	[tilespmem:s10+$0x0] =	vst v22  }
0x352: {  	v17 =	vld.idx.msk [tilespmem:v26+s23+$0x0], $0xffff;
	[tilespmem:s10+$0x10] =	vst v24  }
0x353: {  	s12 =	sadd.s32 $0x200, s12;
	v15 =	vld.idx.msk [tilespmem:v10+s23+$0x0], $0xffff;
	[tilespmem:s10+$0x20] =	vst v23  }
0x354: {  	_ =	sdelay $0x3  }
0x355: {  	v8 =	vld.idx.msk [tilespmem:v8+s23+$0x0], $0xffff  }
0x356: {  	[tilespmem:s10+$0x30] =	vst v21;
	v10 =	vld.idx.msk [tilespmem:v14+s23+$0x0], $0xffff  }
0x357: {  	[tilespmem:s10+$0x40] =	vst v20;
	v13 =	vld.idx.msk [tilespmem:v13+s23+$0x0], $0xffff  }
0x358: {  	[tilespmem:s10+$0x50] =	vst v19;
	v12 =	vld.idx.msk [tilespmem:v12+s23+$0x0], $0xffff  }
0x359: {  	v11 =	vld.idx.msk [tilespmem:v11+s23+$0x0], $0xffff;
	[tilespmem:s10+$0xFFFFFF10] =	vst v9  }
0x35a: {  	[tilespmem:s10+$0x60] =	vst v18  }
0x35b: {  	[tilespmem:s10+$0x70] =	vst v16  }
0x35c: {  	[tilespmem:s10+$0xFFFFFF00] =	vst v17  }
0x35d: {  	[tilespmem:s10+$0xFFFFFF20] =	vst v15  }
0x35e: {  	[tilespmem:s10+$0xFFFFFF30] =	vst v8  }
0x35f: {  	[tilespmem:s10+$0xFFFFFF40] =	vst v10  }
0x360: {  	[tilespmem:s10+$0xFFFFFF50] =	vst v13  }
0x361: {  	[tilespmem:s10+$0xFFFFFF60] =	vst v12  }
0x362: {  	s12 =	simm.s32 $0x0;
	[tilespmem:s10+$0xFFFFFF70] =	vst v11  }
0x363: {  	[hbm4b:s20+s12] =	stream.linear.scatter [tilespmem:s23], [sflag:$0x4], $0xA000, $0x38;
	[tilespmem:$0x1E080] =	vst v63  }
0x364: {  	_ =	swait.ge [sflag:s8], $0xA000  }
0x365: {  	s15 =	simm.s32 $0x180;
	[sflag:s8] =	ssyncset.done $0x0  }
0x366: {  	v8 =	vadd.s32 s15, v0;
	[sflag:s8] =	ssyncadd.s32 $0xFFFF6000  }
0x367: {  	v9 =	vadd.s32 s15, v3;
	[tilespmem:s3], [sflag:$0x3] =	stream.linear.gather [hbm4b:s26+s12], $0xA000, $0x38;
	[tilespmem:$0x1E080] =	vst v63  }
0x368: {  	v10 =	vadd.s32 s15, v1;
	_ =	swait.ge [sflag:s4], $0xA000  }
0x369: {  	v11 =	vadd.s32 s15, v2;
	[sflag:s4] =	ssyncset.done $0x0  }
0x36a: {  	v12 =	vadd.s32 s15, v4;
	[sflag:s4] =	ssyncadd.s32 $0xFFFF6000  }
0x36b: {  	v13 =	vadd.s32 s15, v5;
	v8 =	vld.idx.msk [tilespmem:v8+s0+$0x0], $0xffff  }
0x36c: {  	v14 =	vadd.s32 s15, v6;
	v9 =	vld.idx.msk [tilespmem:v9+s0+$0x0], $0xffff  }
0x36d: {  	s11 =	simm.s32 $0x80;
	v15 =	vadd.s32 s15, v7;
	v10 =	vld.idx.msk [tilespmem:v10+s0+$0x0], $0xffff  }
0x36e: {  	v16 =	vadd.s32 s11, v0;
	v11 =	vld.idx.msk [tilespmem:v11+s0+$0x0], $0xffff  }
0x36f: {  	v17 =	vadd.s32 s11, v1;
	v12 =	vld.idx.msk [tilespmem:v12+s0+$0x0], $0xffff  }
0x370: {  	v18 =	vadd.s32 s11, v2;
	v13 =	vld.idx.msk [tilespmem:v13+s0+$0x0], $0xffff  }
0x371: {  	v19 =	vadd.s32 s11, v4;
	v14 =	vld.idx.msk [tilespmem:v14+s0+$0x0], $0xffff  }
0x372: {  	v20 =	vadd.s32 s11, v5;
	s10 =	simm.s32 $0xA180;
	v15 =	vld.idx.msk [tilespmem:v15+s0+$0x0], $0xffff  }
0x373: {  	v21 =	vadd.s32 s11, v6;
	[tilespmem:s10+$0xF0] =	vst v9;
	v9 =	vld.idx.msk [tilespmem:v16+s0+$0x0], $0xffff  }
0x374: {  	v16 =	vadd.s32 s11, v7;
	[tilespmem:s10+$0x80] =	vst v8;
	v8 =	vld.idx.msk [tilespmem:v17+s0+$0x0], $0xffff  }
0x375: {  	s13 =	simm.s32 $0x100;
	v17 =	vadd.s32 s11, v3;
	[tilespmem:s10+$0x90] =	vst v10;
	v10 =	vld.idx.msk [tilespmem:v18+s0+$0x0], $0xffff  }
0x376: {  	v18 =	vadd.s32 s13, v0;
	[tilespmem:s10+$0xA0] =	vst v11;
	v11 =	vld.idx.msk [tilespmem:v19+s0+$0x0], $0xffff  }
0x377: {  	v19 =	vadd.s32 s13, v1;
	[tilespmem:s10+$0xB0] =	vst v12;
	v12 =	vld.idx.msk [tilespmem:v20+s0+$0x0], $0xffff  }
0x378: {  	v20 =	vadd.s32 s13, v2;
	[tilespmem:s10+$0xC0] =	vst v13;
	v13 =	vld.idx.msk [tilespmem:v21+s0+$0x0], $0xffff  }
0x379: {  	v21 =	vadd.s32 s13, v4;
	[tilespmem:s10+$0xD0] =	vst v14;
	v14 =	vld.idx.msk [tilespmem:v16+s0+$0x0], $0xffff  }
0x37a: {  	[tilespmem:s10+$0xE0] =	vst v15;
	v16 =	vadd.s32 s13, v5;
	v15 =	vld.idx.msk [tilespmem:v17+s0+$0x0], $0xffff  }
0x37b: {  	v17 =	vadd.s32 s13, v6;
	[tilespmem:s10+$0xFFFFFF80] =	vst v9;
	v22 =	vld.idx.msk [tilespmem:v18+s0+$0x0], $0xffff  }
0x37c: {  	[tilespmem:s10+$0xFFFFFF90] =	vst v8;
	v23 =	vld.idx.msk [tilespmem:v19+s0+$0x0], $0xffff;
	v8 =	vadd.s32 s13, v3  }
0x37d: {  	v9 =	vadd.s32 s13, v7;
	[tilespmem:s10+$0xFFFFFFA0] =	vst v10;
	v10 =	vld.idx.msk [tilespmem:v20+s0+$0x0], $0xffff  }
0x37e: {  	v24 =	vadd.s32 s12, v1;
	[tilespmem:s10+$0xFFFFFFB0] =	vst v11;
	v21 =	vld.idx.msk [tilespmem:v21+s0+$0x0], $0xffff  }
0x37f: {  	v11 =	vadd.s32 s12, v0;
	[tilespmem:s10+$0xFFFFFFC0] =	vst v12;
	v20 =	vld.idx.msk [tilespmem:v16+s0+$0x0], $0xffff  }
0x380: {  	v25 =	vadd.s32 s12, v2;
	[tilespmem:s10+$0xFFFFFFD0] =	vst v13;
	v19 =	vld.idx.msk [tilespmem:v17+s0+$0x0], $0xffff  }
0x381: {  	[tilespmem:s10+$0xFFFFFFE0] =	vst v14;
	v16 =	vld.idx.msk [tilespmem:v8+s0+$0x0], $0xffff;
	v8 =	vadd.s32 s12, v4  }
0x382: {  	v18 =	vld.idx.msk [tilespmem:v9+s0+$0x0], $0xffff;
	[tilespmem:s10+$0xFFFFFFF0] =	vst v15;
	v14 =	vadd.s32 s12, v5  }
0x383: {  	v13 =	vadd.s32 s12, v6;
	v9 =	vld.idx.msk [tilespmem:v24+s0+$0x0], $0xffff;
	[tilespmem:s10+$0x0] =	vst v22  }
0x384: {  	v12 =	vadd.s32 s12, v7;
	v17 =	vld.idx.msk [tilespmem:v11+s0+$0x0], $0xffff;
	[tilespmem:s10+$0x10] =	vst v23  }
0x385: {  	s11 =	simm.s32 $0x0;
	v11 =	vadd.s32 s12, v3;
	v15 =	vld.idx.msk [tilespmem:v25+s0+$0x0], $0xffff;
	[tilespmem:s10+$0x20] =	vst v10;
	s12 =	simm.s32 $0x200  }
.LBB2_22:
0x386: {  	v22 =	vadd.s32 s12, v1;
	v10 =	vadd.s32 s12, v2;
	s13 =	sadd.s32 $0x80, s12;
	s14 =	sadd.s32 $0x100, s12;
	s15 =	sadd.s32 $0x180, s12;
	v23 =	vld.idx.msk [tilespmem:v8+s0+$0x0], $0xffff;
	v8 =	vadd.s32 s12, v4;
	[tilespmem:s10+$0x30] =	vst v21  }
0x387: {  	s11 =	sadd.s32 $0x4, s11;
	v21 =	vadd.s32 s13, v0;
	v24 =	vadd.s32 s13, v1;
	v25 =	vadd.s32 s15, v0;
	v26 =	vld.idx.msk [tilespmem:v14+s0+$0x0], $0xffff;
	[tilespmem:s10+$0x40] =	vst v20  }
0x388: {  	v20 =	vadd.s32 s13, v2;
	v27 =	vadd.s32 s13, v4;
	v14 =	vadd.s32 s15, v3;
	p0 =	slt.u32 s11, $0x13C;
	v28 =	vld.idx.msk [tilespmem:v13+s0+$0x0], $0xffff;
	[tilespmem:s10+$0x50] =	vst v19  }
0x389: {  	v29 =	vadd.s32 s13, v6;
	v19 =	vadd.s32 s13, v5;
	v13 =	vadd.s32 s15, v1;
	v30 =	vld.idx.msk [tilespmem:v12+s0+$0x0], $0xffff;
	[tilespmem:s10+$0x60] =	vst v18  }
0x38a: {  	v31 =	vadd.s32 s13, v3;
	v32 =	vadd.s32 s15, v2;
	v18 =	vadd.s32 s13, v7;
	v33 =	vld.idx.msk [tilespmem:v11+s0+$0x0], $0xffff;
	[tilespmem:s10+$0x70] =	vst v16  }
0x38b: {  	v34 =	vadd.s32 s14, v1;
	v35 =	vadd.s32 s15, v4;
	v16 =	vld.idx.msk [tilespmem:v22+s0+$0x0], $0xffff;
	v22 =	vadd.s32 s14, v0;
	[tilespmem:s10+$0xFFFFFF00] =	vst v17  }
0x38c: {  	v36 =	vadd.s32 s14, v4;
	v37 =	vadd.s32 s15, v5;
	v17 =	vadd.s32 s14, v2;
	v25 =	vld.idx.msk [tilespmem:v25+s0+$0x0], $0xffff;
	[tilespmem:s10+$0xFFFFFF10] =	vst v9  }
0x38d: {  	v38 =	vadd.s32 s14, v5;
	v39 =	vadd.s32 s14, v6;
	v40 =	vadd.s32 s15, v6;
	v41 =	vld.idx.msk [tilespmem:v14+s0+$0x0], $0xffff;
	[tilespmem:s10+$0xFFFFFF20] =	vst v15  }
0x38e: {  	v42 =	vadd.s32 s14, v3;
	v44 =	vadd.s32 s15, v7;
	v15 =	vadd.s32 s14, v7;
	v43 =	vld.idx.msk [tilespmem:v13+s0+$0x0], $0xffff;
	[tilespmem:s10+$0xFFFFFF30] =	vst v23  }
0x38f: {  	v12 =	vadd.s32 s12, v7;
	v14 =	vadd.s32 s12, v5;
	v13 =	vadd.s32 s12, v6;
	v23 =	vld.idx.msk [tilespmem:v32+s0+$0x0], $0xffff;
	[tilespmem:s10+$0xFFFFFF40] =	vst v26  }
0x390: {  	v11 =	vadd.s32 s12, v3;
	v26 =	vadd.s32 s12, v0;
	v32 =	vld.idx.msk [tilespmem:v35+s0+$0x0], $0xffff;
	[tilespmem:s10+$0xFFFFFF50] =	vst v28  }
0x391: {  	v9 =	vmov v16;
	v28 =	vld.idx.msk [tilespmem:v37+s0+$0x0], $0xffff;
	[tilespmem:s10+$0xFFFFFF60] =	vst v30  }
0x392: {  	v16 =	vld.idx.msk [tilespmem:v40+s0+$0x0], $0xffff;
	[tilespmem:s10+$0xFFFFFF70] =	vst v33;
	s10 =	sadd.s32 $0x200, s10  }
0x393: {  	v30 =	vld.idx.msk [tilespmem:v44+s0+$0x0], $0xffff;
	[tilespmem:s10+$0xF0] =	vst v41  }
0x394: {  	v21 =	vld.idx.msk [tilespmem:v21+s0+$0x0], $0xffff;
	[tilespmem:s10+$0x80] =	vst v25  }
0x395: {  	v24 =	vld.idx.msk [tilespmem:v24+s0+$0x0], $0xffff;
	[tilespmem:s10+$0x90] =	vst v43  }
0x396: {  	v20 =	vld.idx.msk [tilespmem:v20+s0+$0x0], $0xffff;
	[tilespmem:s10+$0xA0] =	vst v23  }
0x397: {  	v23 =	vld.idx.msk [tilespmem:v27+s0+$0x0], $0xffff;
	[tilespmem:s10+$0xB0] =	vst v32  }
0x398: {  	v19 =	vld.idx.msk [tilespmem:v19+s0+$0x0], $0xffff;
	[tilespmem:s10+$0xC0] =	vst v28  }
0x399: {  	v25 =	vld.idx.msk [tilespmem:v29+s0+$0x0], $0xffff;
	[tilespmem:s10+$0xD0] =	vst v16  }
0x39a: {  	v16 =	vld.idx.msk [tilespmem:v18+s0+$0x0], $0xffff;
	[tilespmem:s10+$0xE0] =	vst v30  }
0x39b: {  	v18 =	vld.idx.msk [tilespmem:v31+s0+$0x0], $0xffff;
	[tilespmem:s10+$0xFFFFFF80] =	vst v21  }
0x39c: {  	[tilespmem:s10+$0xFFFFFF90] =	vst v24;
	v22 =	vld.idx.msk [tilespmem:v22+s0+$0x0], $0xffff  }
0x39d: {  	[tilespmem:s10+$0xFFFFFFA0] =	vst v20;
	v24 =	vld.idx.msk [tilespmem:v34+s0+$0x0], $0xffff  }
0x39e: {  	[tilespmem:s10+$0xFFFFFFB0] =	vst v23;
	v23 =	vld.idx.msk [tilespmem:v17+s0+$0x0], $0xffff  }
0x39f: {  	[tilespmem:s10+$0xFFFFFFC0] =	vst v19;
	v21 =	vld.idx.msk [tilespmem:v36+s0+$0x0], $0xffff  }
0x3a0: {  	[tilespmem:s10+$0xFFFFFFD0] =	vst v25;
	v20 =	vld.idx.msk [tilespmem:v38+s0+$0x0], $0xffff  }
.Ltmp10:
0x3a1: {  	[tilespmem:s10+$0xFFFFFFE0] =	vst v16;
	v19 =	vld.idx.msk [tilespmem:v39+s0+$0x0], $0xffff;
	(pc) =	sbr.rel @p0 .LBB2_22-.Ltmp10, $4  }
0x3a2: {  	[tilespmem:s10+$0xFFFFFFF0] =	vst v18;
	v18 =	vld.idx.msk [tilespmem:v15+s0+$0x0], $0xffff  }
0x3a3: {  	v16 =	vld.idx.msk [tilespmem:v42+s0+$0x0], $0xffff;
	[tilespmem:s10+$0x0] =	vst v22  }
0x3a4: {  	v17 =	vld.idx.msk [tilespmem:v26+s0+$0x0], $0xffff;
	[tilespmem:s10+$0x10] =	vst v24  }
0x3a5: {  	s12 =	sadd.s32 $0x200, s12;
	v15 =	vld.idx.msk [tilespmem:v10+s0+$0x0], $0xffff;
	[tilespmem:s10+$0x20] =	vst v23  }
0x3a6: {  	_ =	sdelay $0x3  }
0x3a7: {  	v8 =	vld.idx.msk [tilespmem:v8+s0+$0x0], $0xffff  }
0x3a8: {  	[tilespmem:s10+$0x30] =	vst v21;
	v10 =	vld.idx.msk [tilespmem:v14+s0+$0x0], $0xffff  }
0x3a9: {  	[tilespmem:s10+$0x40] =	vst v20;
	v13 =	vld.idx.msk [tilespmem:v13+s0+$0x0], $0xffff  }
0x3aa: {  	[tilespmem:s10+$0x50] =	vst v19;
	v12 =	vld.idx.msk [tilespmem:v12+s0+$0x0], $0xffff  }
0x3ab: {  	v11 =	vld.idx.msk [tilespmem:v11+s0+$0x0], $0xffff;
	[tilespmem:s10+$0xFFFFFF10] =	vst v9  }
0x3ac: {  	[tilespmem:s10+$0x60] =	vst v18  }
0x3ad: {  	[tilespmem:s10+$0x70] =	vst v16  }
0x3ae: {  	[tilespmem:s10+$0xFFFFFF00] =	vst v17  }
0x3af: {  	[tilespmem:s10+$0xFFFFFF20] =	vst v15  }
0x3b0: {  	[tilespmem:s10+$0xFFFFFF30] =	vst v8  }
0x3b1: {  	[tilespmem:s10+$0xFFFFFF40] =	vst v10  }
0x3b2: {  	[tilespmem:s10+$0xFFFFFF50] =	vst v13  }
0x3b3: {  	[tilespmem:s10+$0xFFFFFF60] =	vst v12  }
0x3b4: {  	s12 =	simm.s32 $0x0;
	[tilespmem:s10+$0xFFFFFF70] =	vst v11  }
0x3b5: {  	[hbm4b:s21+s12] =	stream.linear.scatter [tilespmem:s0], [sflag:$0x5], $0xA000, $0x38;
	[tilespmem:$0x1E080] =	vst v63  }
0x3b6: {  	_ =	swait.ge [sflag:s5], $0xA000  }
0x3b7: {  	s15 =	simm.s32 $0x180;
	[sflag:s5] =	ssyncset.done $0x0  }
0x3b8: {  	v8 =	vadd.s32 s15, v0;
	[sflag:s5] =	ssyncadd.s32 $0xFFFF6000  }
0x3b9: {  	v9 =	vadd.s32 s15, v3;
	[tilespmem:s23], [sflag:$0x1] =	stream.linear.gather [hbm4b:s28+s12], $0x8000, $0x38;
	[tilespmem:$0x1E080] =	vst v63  }
0x3ba: {  	v10 =	vadd.s32 s15, v1;
	_ =	swait.ge [sflag:s6], $0xA000  }
0x3bb: {  	v11 =	vadd.s32 s15, v2;
	[sflag:s6] =	ssyncset.done $0x0  }
0x3bc: {  	v12 =	vadd.s32 s15, v4;
	[sflag:s6] =	ssyncadd.s32 $0xFFFF6000  }
0x3bd: {  	v13 =	vadd.s32 s15, v5;
	v8 =	vld.idx.msk [tilespmem:v8+s3+$0x0], $0xffff  }
0x3be: {  	v14 =	vadd.s32 s15, v6;
	v9 =	vld.idx.msk [tilespmem:v9+s3+$0x0], $0xffff  }
0x3bf: {  	s11 =	simm.s32 $0x80;
	v15 =	vadd.s32 s15, v7;
	v10 =	vld.idx.msk [tilespmem:v10+s3+$0x0], $0xffff  }
0x3c0: {  	v16 =	vadd.s32 s11, v0;
	v11 =	vld.idx.msk [tilespmem:v11+s3+$0x0], $0xffff  }
0x3c1: {  	v17 =	vadd.s32 s11, v1;
	v12 =	vld.idx.msk [tilespmem:v12+s3+$0x0], $0xffff  }
0x3c2: {  	v18 =	vadd.s32 s11, v2;
	v13 =	vld.idx.msk [tilespmem:v13+s3+$0x0], $0xffff  }
0x3c3: {  	v19 =	vadd.s32 s11, v4;
	v14 =	vld.idx.msk [tilespmem:v14+s3+$0x0], $0xffff  }
0x3c4: {  	v20 =	vadd.s32 s11, v5;
	s10 =	simm.s32 $0x14180;
	v15 =	vld.idx.msk [tilespmem:v15+s3+$0x0], $0xffff  }
0x3c5: {  	v21 =	vadd.s32 s11, v6;
	[tilespmem:s10+$0xF0] =	vst v9;
	v9 =	vld.idx.msk [tilespmem:v16+s3+$0x0], $0xffff  }
0x3c6: {  	v16 =	vadd.s32 s11, v7;
	[tilespmem:s10+$0x80] =	vst v8;
	v8 =	vld.idx.msk [tilespmem:v17+s3+$0x0], $0xffff  }
0x3c7: {  	s13 =	simm.s32 $0x100;
	v17 =	vadd.s32 s11, v3;
	[tilespmem:s10+$0x90] =	vst v10;
	v10 =	vld.idx.msk [tilespmem:v18+s3+$0x0], $0xffff  }
0x3c8: {  	v18 =	vadd.s32 s13, v0;
	[tilespmem:s10+$0xA0] =	vst v11;
	v11 =	vld.idx.msk [tilespmem:v19+s3+$0x0], $0xffff  }
0x3c9: {  	v19 =	vadd.s32 s13, v1;
	[tilespmem:s10+$0xB0] =	vst v12;
	v12 =	vld.idx.msk [tilespmem:v20+s3+$0x0], $0xffff  }
0x3ca: {  	v20 =	vadd.s32 s13, v2;
	[tilespmem:s10+$0xC0] =	vst v13;
	v13 =	vld.idx.msk [tilespmem:v21+s3+$0x0], $0xffff  }
0x3cb: {  	v21 =	vadd.s32 s13, v4;
	[tilespmem:s10+$0xD0] =	vst v14;
	v14 =	vld.idx.msk [tilespmem:v16+s3+$0x0], $0xffff  }
0x3cc: {  	[tilespmem:s10+$0xE0] =	vst v15;
	v16 =	vadd.s32 s13, v5;
	v15 =	vld.idx.msk [tilespmem:v17+s3+$0x0], $0xffff  }
0x3cd: {  	v17 =	vadd.s32 s13, v6;
	[tilespmem:s10+$0xFFFFFF80] =	vst v9;
	v22 =	vld.idx.msk [tilespmem:v18+s3+$0x0], $0xffff  }
0x3ce: {  	[tilespmem:s10+$0xFFFFFF90] =	vst v8;
	v23 =	vld.idx.msk [tilespmem:v19+s3+$0x0], $0xffff;
	v8 =	vadd.s32 s13, v3  }
0x3cf: {  	v9 =	vadd.s32 s13, v7;
	[tilespmem:s10+$0xFFFFFFA0] =	vst v10;
	v10 =	vld.idx.msk [tilespmem:v20+s3+$0x0], $0xffff  }
0x3d0: {  	v24 =	vadd.s32 s12, v1;
	[tilespmem:s10+$0xFFFFFFB0] =	vst v11;
	v21 =	vld.idx.msk [tilespmem:v21+s3+$0x0], $0xffff  }
0x3d1: {  	v11 =	vadd.s32 s12, v0;
	[tilespmem:s10+$0xFFFFFFC0] =	vst v12;
	v20 =	vld.idx.msk [tilespmem:v16+s3+$0x0], $0xffff  }
0x3d2: {  	v25 =	vadd.s32 s12, v2;
	[tilespmem:s10+$0xFFFFFFD0] =	vst v13;
	v19 =	vld.idx.msk [tilespmem:v17+s3+$0x0], $0xffff  }
0x3d3: {  	[tilespmem:s10+$0xFFFFFFE0] =	vst v14;
	v16 =	vld.idx.msk [tilespmem:v8+s3+$0x0], $0xffff;
	v8 =	vadd.s32 s12, v4  }
0x3d4: {  	v18 =	vld.idx.msk [tilespmem:v9+s3+$0x0], $0xffff;
	[tilespmem:s10+$0xFFFFFFF0] =	vst v15;
	v14 =	vadd.s32 s12, v5  }
0x3d5: {  	v13 =	vadd.s32 s12, v6;
	v9 =	vld.idx.msk [tilespmem:v24+s3+$0x0], $0xffff;
	[tilespmem:s10+$0x0] =	vst v22  }
0x3d6: {  	v12 =	vadd.s32 s12, v7;
	v17 =	vld.idx.msk [tilespmem:v11+s3+$0x0], $0xffff;
	[tilespmem:s10+$0x10] =	vst v23  }
0x3d7: {  	s11 =	simm.s32 $0x0;
	v11 =	vadd.s32 s12, v3;
	v15 =	vld.idx.msk [tilespmem:v25+s3+$0x0], $0xffff;
	[tilespmem:s10+$0x20] =	vst v10;
	s12 =	simm.s32 $0x200  }
.LBB2_24:
0x3d8: {  	v22 =	vadd.s32 s12, v1;
	v10 =	vadd.s32 s12, v2;
	s13 =	sadd.s32 $0x80, s12;
	s14 =	sadd.s32 $0x100, s12;
	s15 =	sadd.s32 $0x180, s12;
	v23 =	vld.idx.msk [tilespmem:v8+s3+$0x0], $0xffff;
	v8 =	vadd.s32 s12, v4;
	[tilespmem:s10+$0x30] =	vst v21  }
0x3d9: {  	s11 =	sadd.s32 $0x4, s11;
	v21 =	vadd.s32 s13, v0;
	v24 =	vadd.s32 s13, v1;
	v25 =	vadd.s32 s15, v0;
	v26 =	vld.idx.msk [tilespmem:v14+s3+$0x0], $0xffff;
	[tilespmem:s10+$0x40] =	vst v20  }
0x3da: {  	v20 =	vadd.s32 s13, v2;
	v27 =	vadd.s32 s13, v4;
	v14 =	vadd.s32 s15, v3;
	p0 =	slt.u32 s11, $0x13C;
	v28 =	vld.idx.msk [tilespmem:v13+s3+$0x0], $0xffff;
	[tilespmem:s10+$0x50] =	vst v19  }
0x3db: {  	v29 =	vadd.s32 s13, v6;
	v19 =	vadd.s32 s13, v5;
	v13 =	vadd.s32 s15, v1;
	v30 =	vld.idx.msk [tilespmem:v12+s3+$0x0], $0xffff;
	[tilespmem:s10+$0x60] =	vst v18  }
0x3dc: {  	v31 =	vadd.s32 s13, v3;
	v32 =	vadd.s32 s15, v2;
	v18 =	vadd.s32 s13, v7;
	v33 =	vld.idx.msk [tilespmem:v11+s3+$0x0], $0xffff;
	[tilespmem:s10+$0x70] =	vst v16  }
0x3dd: {  	v34 =	vadd.s32 s14, v1;
	v35 =	vadd.s32 s15, v4;
	v16 =	vld.idx.msk [tilespmem:v22+s3+$0x0], $0xffff;
	v22 =	vadd.s32 s14, v0;
	[tilespmem:s10+$0xFFFFFF00] =	vst v17  }
0x3de: {  	v36 =	vadd.s32 s14, v4;
	v37 =	vadd.s32 s15, v5;
	v17 =	vadd.s32 s14, v2;
	v25 =	vld.idx.msk [tilespmem:v25+s3+$0x0], $0xffff;
	[tilespmem:s10+$0xFFFFFF10] =	vst v9  }
0x3df: {  	v38 =	vadd.s32 s14, v5;
	v39 =	vadd.s32 s14, v6;
	v40 =	vadd.s32 s15, v6;
	v41 =	vld.idx.msk [tilespmem:v14+s3+$0x0], $0xffff;
	[tilespmem:s10+$0xFFFFFF20] =	vst v15  }
0x3e0: {  	v42 =	vadd.s32 s14, v3;
	v44 =	vadd.s32 s15, v7;
	v15 =	vadd.s32 s14, v7;
	v43 =	vld.idx.msk [tilespmem:v13+s3+$0x0], $0xffff;
	[tilespmem:s10+$0xFFFFFF30] =	vst v23  }
0x3e1: {  	v12 =	vadd.s32 s12, v7;
	v14 =	vadd.s32 s12, v5;
	v13 =	vadd.s32 s12, v6;
	v23 =	vld.idx.msk [tilespmem:v32+s3+$0x0], $0xffff;
	[tilespmem:s10+$0xFFFFFF40] =	vst v26  }
0x3e2: {  	v11 =	vadd.s32 s12, v3;
	v26 =	vadd.s32 s12, v0;
	v32 =	vld.idx.msk [tilespmem:v35+s3+$0x0], $0xffff;
	[tilespmem:s10+$0xFFFFFF50] =	vst v28  }
0x3e3: {  	v9 =	vmov v16;
	v28 =	vld.idx.msk [tilespmem:v37+s3+$0x0], $0xffff;
	[tilespmem:s10+$0xFFFFFF60] =	vst v30  }
0x3e4: {  	v16 =	vld.idx.msk [tilespmem:v40+s3+$0x0], $0xffff;
	[tilespmem:s10+$0xFFFFFF70] =	vst v33;
	s10 =	sadd.s32 $0x200, s10  }
0x3e5: {  	v30 =	vld.idx.msk [tilespmem:v44+s3+$0x0], $0xffff;
	[tilespmem:s10+$0xF0] =	vst v41  }
0x3e6: {  	v21 =	vld.idx.msk [tilespmem:v21+s3+$0x0], $0xffff;
	[tilespmem:s10+$0x80] =	vst v25  }
0x3e7: {  	v24 =	vld.idx.msk [tilespmem:v24+s3+$0x0], $0xffff;
	[tilespmem:s10+$0x90] =	vst v43  }
0x3e8: {  	v20 =	vld.idx.msk [tilespmem:v20+s3+$0x0], $0xffff;
	[tilespmem:s10+$0xA0] =	vst v23  }
0x3e9: {  	v23 =	vld.idx.msk [tilespmem:v27+s3+$0x0], $0xffff;
	[tilespmem:s10+$0xB0] =	vst v32  }
0x3ea: {  	v19 =	vld.idx.msk [tilespmem:v19+s3+$0x0], $0xffff;
	[tilespmem:s10+$0xC0] =	vst v28  }
0x3eb: {  	v25 =	vld.idx.msk [tilespmem:v29+s3+$0x0], $0xffff;
	[tilespmem:s10+$0xD0] =	vst v16  }
0x3ec: {  	v16 =	vld.idx.msk [tilespmem:v18+s3+$0x0], $0xffff;
	[tilespmem:s10+$0xE0] =	vst v30  }
0x3ed: {  	v18 =	vld.idx.msk [tilespmem:v31+s3+$0x0], $0xffff;
	[tilespmem:s10+$0xFFFFFF80] =	vst v21  }
0x3ee: {  	[tilespmem:s10+$0xFFFFFF90] =	vst v24;
	v22 =	vld.idx.msk [tilespmem:v22+s3+$0x0], $0xffff  }
0x3ef: {  	[tilespmem:s10+$0xFFFFFFA0] =	vst v20;
	v24 =	vld.idx.msk [tilespmem:v34+s3+$0x0], $0xffff  }
0x3f0: {  	[tilespmem:s10+$0xFFFFFFB0] =	vst v23;
	v23 =	vld.idx.msk [tilespmem:v17+s3+$0x0], $0xffff  }
0x3f1: {  	[tilespmem:s10+$0xFFFFFFC0] =	vst v19;
	v21 =	vld.idx.msk [tilespmem:v36+s3+$0x0], $0xffff  }
0x3f2: {  	[tilespmem:s10+$0xFFFFFFD0] =	vst v25;
	v20 =	vld.idx.msk [tilespmem:v38+s3+$0x0], $0xffff  }
.Ltmp11:
0x3f3: {  	[tilespmem:s10+$0xFFFFFFE0] =	vst v16;
	v19 =	vld.idx.msk [tilespmem:v39+s3+$0x0], $0xffff;
	(pc) =	sbr.rel @p0 .LBB2_24-.Ltmp11, $4  }
0x3f4: {  	[tilespmem:s10+$0xFFFFFFF0] =	vst v18;
	v18 =	vld.idx.msk [tilespmem:v15+s3+$0x0], $0xffff  }
0x3f5: {  	v16 =	vld.idx.msk [tilespmem:v42+s3+$0x0], $0xffff;
	[tilespmem:s10+$0x0] =	vst v22  }
0x3f6: {  	v17 =	vld.idx.msk [tilespmem:v26+s3+$0x0], $0xffff;
	[tilespmem:s10+$0x10] =	vst v24  }
0x3f7: {  	s12 =	sadd.s32 $0x200, s12;
	v15 =	vld.idx.msk [tilespmem:v10+s3+$0x0], $0xffff;
	[tilespmem:s10+$0x20] =	vst v23  }
0x3f8: {  	_ =	sdelay $0x3  }
0x3f9: {  	v8 =	vld.idx.msk [tilespmem:v8+s3+$0x0], $0xffff  }
0x3fa: {  	[tilespmem:s10+$0x30] =	vst v21;
	v10 =	vld.idx.msk [tilespmem:v14+s3+$0x0], $0xffff  }
0x3fb: {  	[tilespmem:s10+$0x40] =	vst v20;
	v13 =	vld.idx.msk [tilespmem:v13+s3+$0x0], $0xffff  }
0x3fc: {  	[tilespmem:s10+$0x50] =	vst v19;
	v12 =	vld.idx.msk [tilespmem:v12+s3+$0x0], $0xffff  }
0x3fd: {  	v11 =	vld.idx.msk [tilespmem:v11+s3+$0x0], $0xffff;
	[tilespmem:s10+$0xFFFFFF10] =	vst v9  }
0x3fe: {  	[tilespmem:s10+$0x60] =	vst v18  }
0x3ff: {  	[tilespmem:s10+$0x70] =	vst v16  }
0x400: {  	[tilespmem:s10+$0xFFFFFF00] =	vst v17  }
0x401: {  	[tilespmem:s10+$0xFFFFFF20] =	vst v15  }
0x402: {  	[tilespmem:s10+$0xFFFFFF30] =	vst v8  }
0x403: {  	[tilespmem:s10+$0xFFFFFF40] =	vst v10  }
0x404: {  	[tilespmem:s10+$0xFFFFFF50] =	vst v13  }
0x405: {  	s11 =	simm.s32 $0x180;
	[tilespmem:s10+$0xFFFFFF60] =	vst v12  }
0x406: {  	s12 =	simm.s32 $0x0;
	[tilespmem:s10+$0xFFFFFF70] =	vst v11;
	v8 =	vadd.s32 s11, v0  }
0x407: {  	v9 =	vadd.s32 s11, v3;
	[hbm4b:s29+s12] =	stream.linear.scatter [tilespmem:s3], [sflag:$0x6], $0xA000, $0x38;
	[tilespmem:$0x1E080] =	vst v63  }
0x408: {  	v10 =	vadd.s32 s11, v1;
	_ =	swait.ge [sflag:s2], $0x8000  }
0x409: {  	v11 =	vadd.s32 s11, v2;
	[sflag:s2] =	ssyncset.done $0x0  }
0x40a: {  	v12 =	vadd.s32 s11, v4;
	[sflag:s2] =	ssyncadd.s32 $0xFFFF8000  }
0x40b: {  	v13 =	vadd.s32 s11, v5;
	v8 =	vld.idx.msk [tilespmem:v8+s23+$0x0], $0xffff  }
0x40c: {  	v14 =	vadd.s32 s11, v6;
	v9 =	vld.idx.msk [tilespmem:v9+s23+$0x0], $0xffff  }
0x40d: {  	s13 =	simm.s32 $0x80;
	v15 =	vadd.s32 s11, v7;
	v10 =	vld.idx.msk [tilespmem:v10+s23+$0x0], $0xffff  }
0x40e: {  	v16 =	vadd.s32 s13, v0;
	v11 =	vld.idx.msk [tilespmem:v11+s23+$0x0], $0xffff  }
0x40f: {  	v17 =	vadd.s32 s13, v1;
	v12 =	vld.idx.msk [tilespmem:v12+s23+$0x0], $0xffff  }
0x410: {  	v18 =	vadd.s32 s13, v2;
	v13 =	vld.idx.msk [tilespmem:v13+s23+$0x0], $0xffff  }
0x411: {  	v19 =	vadd.s32 s13, v4;
	v14 =	vld.idx.msk [tilespmem:v14+s23+$0x0], $0xffff  }
0x412: {  	v20 =	vadd.s32 s13, v5;
	s10 =	simm.s32 $0x180;
	v15 =	vld.idx.msk [tilespmem:v15+s23+$0x0], $0xffff  }
0x413: {  	v21 =	vadd.s32 s13, v6;
	[tilespmem:s10+$0xF0] =	vst v9;
	v9 =	vld.idx.msk [tilespmem:v16+s23+$0x0], $0xffff  }
0x414: {  	v16 =	vadd.s32 s13, v7;
	[tilespmem:s10+$0x80] =	vst v8;
	v8 =	vld.idx.msk [tilespmem:v17+s23+$0x0], $0xffff  }
0x415: {  	s15 =	simm.s32 $0x100;
	v17 =	vadd.s32 s13, v3;
	[tilespmem:s10+$0x90] =	vst v10;
	v10 =	vld.idx.msk [tilespmem:v18+s23+$0x0], $0xffff  }
0x416: {  	v18 =	vadd.s32 s15, v0;
	[tilespmem:s10+$0xA0] =	vst v11;
	v11 =	vld.idx.msk [tilespmem:v19+s23+$0x0], $0xffff  }
0x417: {  	v19 =	vadd.s32 s15, v1;
	[tilespmem:s10+$0xB0] =	vst v12;
	v12 =	vld.idx.msk [tilespmem:v20+s23+$0x0], $0xffff  }
0x418: {  	v20 =	vadd.s32 s15, v2;
	[tilespmem:s10+$0xC0] =	vst v13;
	v13 =	vld.idx.msk [tilespmem:v21+s23+$0x0], $0xffff  }
0x419: {  	v21 =	vadd.s32 s15, v4;
	[tilespmem:s10+$0xD0] =	vst v14;
	v14 =	vld.idx.msk [tilespmem:v16+s23+$0x0], $0xffff  }
0x41a: {  	[tilespmem:s10+$0xE0] =	vst v15;
	v16 =	vadd.s32 s15, v5;
	v15 =	vld.idx.msk [tilespmem:v17+s23+$0x0], $0xffff  }
0x41b: {  	v17 =	vadd.s32 s15, v6;
	[tilespmem:s10+$0xFFFFFF80] =	vst v9;
	v22 =	vld.idx.msk [tilespmem:v18+s23+$0x0], $0xffff  }
0x41c: {  	[tilespmem:s10+$0xFFFFFF90] =	vst v8;
	v23 =	vld.idx.msk [tilespmem:v19+s23+$0x0], $0xffff;
	v8 =	vadd.s32 s15, v3  }
0x41d: {  	v9 =	vadd.s32 s15, v7;
	[tilespmem:s10+$0xFFFFFFA0] =	vst v10;
	v10 =	vld.idx.msk [tilespmem:v20+s23+$0x0], $0xffff  }
0x41e: {  	v24 =	vadd.s32 s12, v1;
	[tilespmem:s10+$0xFFFFFFB0] =	vst v11;
	v21 =	vld.idx.msk [tilespmem:v21+s23+$0x0], $0xffff  }
0x41f: {  	v11 =	vadd.s32 s12, v0;
	[tilespmem:s10+$0xFFFFFFC0] =	vst v12;
	v20 =	vld.idx.msk [tilespmem:v16+s23+$0x0], $0xffff  }
0x420: {  	v25 =	vadd.s32 s12, v2;
	[tilespmem:s10+$0xFFFFFFD0] =	vst v13;
	v19 =	vld.idx.msk [tilespmem:v17+s23+$0x0], $0xffff  }
0x421: {  	[tilespmem:s10+$0xFFFFFFE0] =	vst v14;
	v16 =	vld.idx.msk [tilespmem:v8+s23+$0x0], $0xffff;
	v8 =	vadd.s32 s12, v4  }
0x422: {  	v18 =	vld.idx.msk [tilespmem:v9+s23+$0x0], $0xffff;
	[tilespmem:s10+$0xFFFFFFF0] =	vst v15;
	v14 =	vadd.s32 s12, v5  }
0x423: {  	v13 =	vadd.s32 s12, v6;
	v9 =	vld.idx.msk [tilespmem:v24+s23+$0x0], $0xffff;
	[tilespmem:s10+$0x0] =	vst v22  }
0x424: {  	v12 =	vadd.s32 s12, v7;
	v17 =	vld.idx.msk [tilespmem:v11+s23+$0x0], $0xffff;
	[tilespmem:s10+$0x10] =	vst v23  }
0x425: {  	s11 =	simm.s32 $0x0;
	v11 =	vadd.s32 s12, v3;
	v15 =	vld.idx.msk [tilespmem:v25+s23+$0x0], $0xffff;
	[tilespmem:s10+$0x20] =	vst v10;
	s12 =	simm.s32 $0x200  }
.LBB2_26:
0x426: {  	v22 =	vadd.s32 s12, v1;
	v10 =	vadd.s32 s12, v2;
	s13 =	sadd.s32 $0x80, s12;
	s14 =	sadd.s32 $0x100, s12;
	s15 =	sadd.s32 $0x180, s12;
	v23 =	vld.idx.msk [tilespmem:v8+s23+$0x0], $0xffff;
	v8 =	vadd.s32 s12, v4;
	[tilespmem:s10+$0x30] =	vst v21  }
0x427: {  	s11 =	sadd.s32 $0x4, s11;
	v21 =	vadd.s32 s13, v0;
	v24 =	vadd.s32 s13, v1;
	v25 =	vadd.s32 s15, v0;
	v26 =	vld.idx.msk [tilespmem:v14+s23+$0x0], $0xffff;
	[tilespmem:s10+$0x40] =	vst v20  }
0x428: {  	v20 =	vadd.s32 s13, v2;
	v27 =	vadd.s32 s13, v4;
	v14 =	vadd.s32 s15, v3;
	p0 =	slt.u32 s11, $0xFC;
	v28 =	vld.idx.msk [tilespmem:v13+s23+$0x0], $0xffff;
	[tilespmem:s10+$0x50] =	vst v19  }
0x429: {  	v29 =	vadd.s32 s13, v6;
	v19 =	vadd.s32 s13, v5;
	v13 =	vadd.s32 s15, v1;
	v30 =	vld.idx.msk [tilespmem:v12+s23+$0x0], $0xffff;
	[tilespmem:s10+$0x60] =	vst v18  }
0x42a: {  	v31 =	vadd.s32 s13, v3;
	v32 =	vadd.s32 s15, v2;
	v18 =	vadd.s32 s13, v7;
	v33 =	vld.idx.msk [tilespmem:v11+s23+$0x0], $0xffff;
	[tilespmem:s10+$0x70] =	vst v16  }
0x42b: {  	v34 =	vadd.s32 s14, v1;
	v35 =	vadd.s32 s15, v4;
	v16 =	vld.idx.msk [tilespmem:v22+s23+$0x0], $0xffff;
	v22 =	vadd.s32 s14, v0;
	[tilespmem:s10+$0xFFFFFF00] =	vst v17  }
0x42c: {  	v36 =	vadd.s32 s14, v4;
	v37 =	vadd.s32 s15, v5;
	v17 =	vadd.s32 s14, v2;
	v25 =	vld.idx.msk [tilespmem:v25+s23+$0x0], $0xffff;
	[tilespmem:s10+$0xFFFFFF10] =	vst v9  }
0x42d: {  	v38 =	vadd.s32 s14, v5;
	v39 =	vadd.s32 s14, v6;
	v40 =	vadd.s32 s15, v6;
	v41 =	vld.idx.msk [tilespmem:v14+s23+$0x0], $0xffff;
	[tilespmem:s10+$0xFFFFFF20] =	vst v15  }
0x42e: {  	v42 =	vadd.s32 s14, v3;
	v44 =	vadd.s32 s15, v7;
	v15 =	vadd.s32 s14, v7;
	v43 =	vld.idx.msk [tilespmem:v13+s23+$0x0], $0xffff;
	[tilespmem:s10+$0xFFFFFF30] =	vst v23  }
0x42f: {  	v12 =	vadd.s32 s12, v7;
	v14 =	vadd.s32 s12, v5;
	v13 =	vadd.s32 s12, v6;
	v23 =	vld.idx.msk [tilespmem:v32+s23+$0x0], $0xffff;
	[tilespmem:s10+$0xFFFFFF40] =	vst v26  }
0x430: {  	v11 =	vadd.s32 s12, v3;
	v26 =	vadd.s32 s12, v0;
	v32 =	vld.idx.msk [tilespmem:v35+s23+$0x0], $0xffff;
	[tilespmem:s10+$0xFFFFFF50] =	vst v28  }
0x431: {  	v9 =	vmov v16;
	v28 =	vld.idx.msk [tilespmem:v37+s23+$0x0], $0xffff;
	[tilespmem:s10+$0xFFFFFF60] =	vst v30  }
0x432: {  	v16 =	vld.idx.msk [tilespmem:v40+s23+$0x0], $0xffff;
	[tilespmem:s10+$0xFFFFFF70] =	vst v33;
	s10 =	sadd.s32 $0x200, s10  }
0x433: {  	v30 =	vld.idx.msk [tilespmem:v44+s23+$0x0], $0xffff;
	[tilespmem:s10+$0xF0] =	vst v41  }
0x434: {  	v21 =	vld.idx.msk [tilespmem:v21+s23+$0x0], $0xffff;
	[tilespmem:s10+$0x80] =	vst v25  }
0x435: {  	v24 =	vld.idx.msk [tilespmem:v24+s23+$0x0], $0xffff;
	[tilespmem:s10+$0x90] =	vst v43  }
0x436: {  	v20 =	vld.idx.msk [tilespmem:v20+s23+$0x0], $0xffff;
	[tilespmem:s10+$0xA0] =	vst v23  }
0x437: {  	v23 =	vld.idx.msk [tilespmem:v27+s23+$0x0], $0xffff;
	[tilespmem:s10+$0xB0] =	vst v32  }
0x438: {  	v19 =	vld.idx.msk [tilespmem:v19+s23+$0x0], $0xffff;
	[tilespmem:s10+$0xC0] =	vst v28  }
0x439: {  	v25 =	vld.idx.msk [tilespmem:v29+s23+$0x0], $0xffff;
	[tilespmem:s10+$0xD0] =	vst v16  }
0x43a: {  	v16 =	vld.idx.msk [tilespmem:v18+s23+$0x0], $0xffff;
	[tilespmem:s10+$0xE0] =	vst v30  }
0x43b: {  	v18 =	vld.idx.msk [tilespmem:v31+s23+$0x0], $0xffff;
	[tilespmem:s10+$0xFFFFFF80] =	vst v21  }
0x43c: {  	[tilespmem:s10+$0xFFFFFF90] =	vst v24;
	v22 =	vld.idx.msk [tilespmem:v22+s23+$0x0], $0xffff  }
0x43d: {  	[tilespmem:s10+$0xFFFFFFA0] =	vst v20;
	v24 =	vld.idx.msk [tilespmem:v34+s23+$0x0], $0xffff  }
0x43e: {  	[tilespmem:s10+$0xFFFFFFB0] =	vst v23;
	v23 =	vld.idx.msk [tilespmem:v17+s23+$0x0], $0xffff  }
0x43f: {  	[tilespmem:s10+$0xFFFFFFC0] =	vst v19;
	v21 =	vld.idx.msk [tilespmem:v36+s23+$0x0], $0xffff  }
0x440: {  	[tilespmem:s10+$0xFFFFFFD0] =	vst v25;
	v20 =	vld.idx.msk [tilespmem:v38+s23+$0x0], $0xffff  }
.Ltmp12:
0x441: {  	[tilespmem:s10+$0xFFFFFFE0] =	vst v16;
	v19 =	vld.idx.msk [tilespmem:v39+s23+$0x0], $0xffff;
	(pc) =	sbr.rel @p0 .LBB2_26-.Ltmp12, $4  }
0x442: {  	[tilespmem:s10+$0xFFFFFFF0] =	vst v18;
	v18 =	vld.idx.msk [tilespmem:v15+s23+$0x0], $0xffff  }
0x443: {  	v16 =	vld.idx.msk [tilespmem:v42+s23+$0x0], $0xffff;
	[tilespmem:s10+$0x0] =	vst v22  }
0x444: {  	v17 =	vld.idx.msk [tilespmem:v26+s23+$0x0], $0xffff;
	[tilespmem:s10+$0x10] =	vst v24  }
0x445: {  	s12 =	sadd.s32 $0x200, s12;
	v15 =	vld.idx.msk [tilespmem:v10+s23+$0x0], $0xffff;
	[tilespmem:s10+$0x20] =	vst v23  }
0x446: {  	_ =	sdelay $0x3  }
0x447: {  	v0 =	vld.idx.msk [tilespmem:v8+s23+$0x0], $0xffff  }
0x448: {  	[tilespmem:s10+$0x30] =	vst v21;
	v1 =	vld.idx.msk [tilespmem:v14+s23+$0x0], $0xffff  }
0x449: {  	[tilespmem:s10+$0x40] =	vst v20;
	v2 =	vld.idx.msk [tilespmem:v13+s23+$0x0], $0xffff  }
0x44a: {  	[tilespmem:s10+$0x50] =	vst v19;
	v3 =	vld.idx.msk [tilespmem:v12+s23+$0x0], $0xffff  }
0x44b: {  	v4 =	vld.idx.msk [tilespmem:v11+s23+$0x0], $0xffff;
	[tilespmem:s10+$0xFFFFFF10] =	vst v9  }
0x44c: {  	[tilespmem:s10+$0x60] =	vst v18  }
0x44d: {  	[tilespmem:s10+$0x70] =	vst v16  }
0x44e: {  	[tilespmem:s10+$0xFFFFFF00] =	vst v17  }
0x44f: {  	[tilespmem:s10+$0xFFFFFF20] =	vst v15  }
0x450: {  	[tilespmem:s10+$0xFFFFFF30] =	vst v0  }
0x451: {  	[tilespmem:s10+$0xFFFFFF40] =	vst v1  }
0x452: {  	[tilespmem:s10+$0xFFFFFF50] =	vst v2  }
0x453: {  	[tilespmem:s10+$0xFFFFFF60] =	vst v3  }
0x454: {  	[tilespmem:s10+$0xFFFFFF70] =	vst v4  }
0x455: {  	[hbm4b:s30+s1] =	stream.linear.scatter [tilespmem:s23], [sflag:$0x4], $0x8000, $0x38;
	[tilespmem:$0x1E080] =	vst v63  }
0x456: {  	_ =	swait.ge [sflag:s5], $0x8000  }
0x457: {  	[sflag:s5] =	ssyncset.done $0x0  }
0x458: {  	s9 =	sadd.s32 $0x1, s9;
	[sflag:s5] =	ssyncadd.s32 $0xFFFF8000  }
0x459: {  	p0 =	sne.s32 s9, s31;
	_ =	swait.ge [sflag:s7], $0xA000  }
.Ltmp13:
0x45a: {  	[sflag:s7] =	ssyncset.done $0x0;
	(pc) =	sbr.rel @p0 .LBB2_1-.Ltmp13, $4  }
0x45b: {  	[sflag:s7] =	ssyncadd.s32 $0xFFFF6000  }
0x45c: {  	_ =	swait.ge [sflag:s8], $0xA000  }
0x45d: {  	[sflag:s8] =	ssyncset.done $0x0  }
0x45e: {  	[sflag:s8] =	ssyncadd.s32 $0xFFFF6000  }
0x45f: {  	_ =	sfence.sel $0x180000  }
0x460: {  	[bflag:$0x0] =	sbarrier.arrive $0xFFFF  }
0x461: {  	_ =	strace $0x90000047  }
0x462: {  	s0 =	stileid.u32;
	[bflag:$0x2] =	sbarrier.arrive $0xFFFF  }
0x463: {  	p0 =	sne.s32 s0, $0x0;
	s0 =	rddreg [dreg:$0x3]  }
0x464: {  	s0 =	sadd.s32 @!p0 $0x100000, s0  }
0x465: {  	[sflag:s0] =	ssyncadd.tile.s32 @!p0 $0x1;
	_ =	shalt  }
.Lfunc_end2:
_tile_overlayer_lowered:
.L_overlay_start_2:
0x466: {  	(tag) =	ssettag $0x2  }
0x467: {  	s0 =	rddreg [dreg:$0x0];
	s2 =	stileid.u32  }
0x468: {  	s1 =	rddreg [dreg:$0x1];
	p0 =	sne.s32 s2, $0x0  }
0x469: {  	s3 =	rddreg [dreg:$0x2];
	[bflag:$0x3] =	sbarrier.arrive $0xFFFF;
	s2 =	simm.s32 @!p0 $0x1C08  }
0x46a: {  	[timem:s3], [sflag:s2] =	dma.local @!p0 [hbm:s0], s1  }
0x46b: {  	s0 =	simm.s32 @!p0 $0x8  }
0x46c: {  	_ =	swait.ge @!p0 [sflag:s0], s1  }
0x46d: {  	s1 =	ssub.s32 @!p0 $0x0, s1;
	[sflag:s0] =	ssyncset.done @!p0 $0x0  }
0x46e: {  	[sflag:s0] =	ssyncadd.s32 @!p0 s1  }
0x46f: {  	[bflag:$0x3] =	sbarrier.arrive $0xFFFF  }
0x470: {  	_ =	shalt  }

</sc_bundles>
